<compile_context>
chip_gen: v7x
topology: tpu7x:2x2x1
jax: 0.10.2.dev20260603
libtpu: 0.0.44.dev20260713+nightly
codegen_flags: <defaults>
</compile_context>

<pallas_src>
import jax
import jax.numpy as jnp
from jax import lax
from jax.experimental import pallas as pl
from jax.experimental.pallas import tpu as pltpu
from jax.experimental.pallas import tpu_sc as plsc

D = 64
DP = 128
L = 16
NEG = 20
R = NEG + 1
BC = 16
DU = 4


def _sc_body(crows_hbm, ocidx, wo, dots_out,
             idx_oc, c_rows, oc_rows, dots_v,
             sem_c, sem_g, sem_i, sem_o):
    info = plsc.get_sparse_core_info()
    nw = info.num_cores * info.num_subcores
    B = crows_hbm.shape[0]
    b_per_w = B // nw
    chunks = b_per_w // BC

    wid = lax.axis_index("s") * info.num_cores + lax.axis_index("c")
    w0 = pl.multiple_of(wid * b_per_w, b_per_w)

    def idx_cp(ch, p):
        return pltpu.make_async_copy(
            ocidx.at[pl.ds((w0 + ch * BC) * R, BC * R)],
            idx_oc.at[p], sem_i)

    def rows_cp(p):
        return pltpu.make_async_copy(
            wo.at[idx_oc.at[p]], oc_rows.at[p], sem_g.at[p])

    def c_cp(ch, p):
        return pltpu.make_async_copy(
            crows_hbm.at[pl.ds(w0 + ch * BC, BC)], c_rows.at[p], sem_c.at[p])

    def dots_cp(ch, p):
        return pltpu.make_async_copy(
            dots_v.at[p],
            dots_out.at[pl.ds((w0 + ch * BC) * R, BC * R)], sem_o)

    lanes = lax.iota(jnp.int32, L)

    def compute(p):
        ids_r = lanes * R
        for (k0, k1) in ((0, 11), (11, R)):
            nk = k1 - k0
            row_ids = [ids_r + (k0 + t) for t in range(nk)]

            def dbody(d0, accs, row_ids=row_ids, p=p):
                for u in range(DU):
                    d = d0 * DU + u
                    dcol = (lanes + d) & (D - 1)
                    cvec = plsc.load_gather(c_rows.at[p], [lanes, dcol])
                    accs = tuple(
                        acc + cvec * plsc.load_gather(
                            oc_rows.at[p], [row_ids[t], dcol])
                        for t, acc in enumerate(accs))
                return accs

            accs = lax.fori_loop(
                0, D // DU, dbody,
                tuple(jnp.zeros((L,), jnp.float32) for _ in range(nk)))
            for t in range(nk):
                dots_v[p, pl.ds((k0 + t) * BC, L)] = accs[t]

    idx_cp(0, 0).start()
    idx_cp(0, 0).wait()
    rows_cp(0).start()
    c_cp(0, 0).start()
    idx_cp(1, 1).start()

    def chbody(ch, carry):
        p = ch & 1

        @pl.when(ch + 1 < chunks)
        def _():
            idx_cp(ch + 1, 1 - p).wait()
            rows_cp(1 - p).start()
            c_cp(ch + 1, 1 - p).start()

        @pl.when(ch + 2 < chunks)
        def _():
            idx_cp(ch + 2, p).start()

        rows_cp(p).wait()
        c_cp(ch, p).wait()

        @pl.when(ch >= 1)
        def _():
            dots_cp(ch - 1, 1 - p).wait()

        compute(p)
        dots_cp(ch, p).start()
        return carry

    lax.fori_loop(0, chunks, chbody, 0)
    dots_cp(chunks - 1, (chunks - 1) & 1).wait()


def _sc_dots(c_rows, oc_idx, W_outside):
    B = c_rows.shape[0]
    mesh = plsc.VectorSubcoreMesh(core_axis_name="c", subcore_axis_name="s")
    f = pl.kernel(
        _sc_body, mesh=mesh,
        compiler_params=pltpu.CompilerParams(
            needs_layout_passes=False, use_tc_tiling_on_sc=False),
        out_type=jax.ShapeDtypeStruct((B * R,), jnp.float32),
        scratch_types=[
            pltpu.VMEM((2, BC * R), jnp.int32),
            pltpu.VMEM((2, BC, DP), jnp.float32),
            pltpu.VMEM((2, BC * R, DP), jnp.float32),
            pltpu.VMEM((2, BC * R), jnp.float32),
            pltpu.SemaphoreType.DMA((2,)),
            pltpu.SemaphoreType.DMA((2,)),
            pltpu.SemaphoreType.DMA,
            pltpu.SemaphoreType.DMA,
        ],
    )
    return f(c_rows, oc_idx, W_outside)


def _loss_body(dots_ref, out_ref):
    tot = jnp.sum(jax.nn.log_sigmoid(dots_ref[...]))
    out_ref[0, 0] = -tot


def _loss_call(dots2d):
    return pl.pallas_call(
        _loss_body,
        out_shape=jax.ShapeDtypeStruct((1, 1), jnp.float32),
        out_specs=pl.BlockSpec(memory_space=pltpu.SMEM),
    )(dots2d)


def kernel(center_word, outside_word, negtive_word, W_center, W_outside):
    B = center_word.shape[0]
    oc_idx = jnp.concatenate(
        [outside_word[:, None], negtive_word], axis=1).reshape(-1)
    c_rows = jnp.pad(W_center[center_word], ((0, 0), (0, DP - D)))
    wo_p = jnp.pad(W_outside, ((0, 0), (0, DP - D)))
    dots = _sc_dots(c_rows, oc_idx, wo_p)
    out = _loss_call(dots.reshape(B * R // 128, 128))
    return out[0, 0]

# --- scband reference (transcript-rebuilt; emitter-appended) ---
"""Pipeline reference for scband-word2-vec-zqx-42064909697657 (READ-ONLY COPY).

The authoritative reference and input builder live on the scoring server;
editing this copy changes nothing except your own understanding.
"""

import jax, jax.numpy as jnp
import numpy as np

VOCAB = 1000000
EM_DIM = 64
BATCH = 16384
NEG = 20

def setup_inputs(seed: int = 0) -> dict:
    key = jax.random.key(seed)
    k1, k2, k3, k4, k5 = jax.random.split(key, 5)
    center_word = jax.random.randint(k1, (BATCH,), 0, VOCAB, dtype=jnp.int64 if jax.config.jax_enable_x64 else jnp.int32).astype(jnp.int32)
    outside_word = jax.random.randint(k2, (BATCH,), 0, VOCAB).astype(jnp.int32)
    negtive_word = jax.random.randint(k3, (BATCH, NEG), 0, VOCAB).astype(jnp.int32)
    W_center = jax.random.normal(k4, (VOCAB, EM_DIM), dtype=jnp.float32) * 0.01
    W_outside = jax.random.normal(k5, (VOCAB, EM_DIM), dtype=jnp.float32) * 0.01
    return {"center_word": center_word, "outside_word": outside_word, "negtive_word": negtive_word, "W_center": W_center, "W_outside": W_outside}

def reference(center_word, outside_word, negtive_word, W_center, W_outside):
    # center_word_emd = self.word_em_center(center_word)         -> [B, d]
    center_word_emd = jnp.take(W_center, center_word, axis=0)
    # outside_word_emd = self.word_em_outside(outside_word)      -> [B, d]
    outside_word_emd = jnp.take(W_outside, outside_word, axis=0)
    # negtive_word_emd = self.word_em_outside(negtive_word)      -> [B, K, d]
    negtive_word_emd = jnp.take(W_outside, negtive_word, axis=0)
    # center: [B, d, 1]; outside: [B, 1, d]
    c = center_word_emd[:, :, None]
    o = outside_word_emd[:, None, :]
    # bmm(outside, center) -> [B, 1, 1] -> squeeze -> [B]
    center_outside_word = jnp.matmul(o, c)[:, 0, 0]
    # bmm(neg, center) -> [B, K, 1] -> squeeze(2) -> [B, K]
    center_negtive_word = jnp.matmul(negtive_word_emd, c)[:, :, 0]
    loss = -(jnp.sum(jax.nn.log_sigmoid(center_outside_word)) + jnp.sum(jax.nn.log_sigmoid(center_negtive_word)))
    return loss

if __name__ == "__main__":
    import jax
    _d = setup_inputs()
    print(jax.jit(kernel)(*tuple(_d.values())))

</pallas_src>

<mosaic_0001>
#map = affine_map<(d0, d1) -> (0, 0)>
#map1 = affine_map<(d0, d1) -> (0)>
module attributes {stable_mosaic.version = 14 : i64} {
  func.func @_sc_body(%arg0: i32, %arg1: i32, %arg2: memref<16384x128xf32, #tpu.memory_space<hbm>>, %arg3: memref<344064xi32, #tpu.memory_space<hbm>>, %arg4: memref<1000000x128xf32, #tpu.memory_space<hbm>>, %arg5: memref<344064xf32, #tpu.memory_space<hbm>>, %arg6: memref<2x336xi32, #tpu.memory_space<vmem>>, %arg7: memref<2x16x128xf32, #tpu.memory_space<vmem>>, %arg8: memref<2x336x128xf32, #tpu.memory_space<vmem>>, %arg9: memref<2x336xf32, #tpu.memory_space<vmem>>, %arg10: memref<2x!tpu.dma_semaphore, #tpu.memory_space<semaphore_mem>>, %arg11: memref<2x!tpu.dma_semaphore, #tpu.memory_space<semaphore_mem>>, %arg12: memref<!tpu.dma_semaphore, #tpu.memory_space<semaphore_mem>>, %arg13: memref<!tpu.dma_semaphore, #tpu.memory_space<semaphore_mem>>) attributes {dimension_semantics = [#tpu.dimension_semantics<core_parallel>, #tpu.dimension_semantics<subcore_parallel>], iteration_bounds = array<i64: 2, 16>, scalar_prefetch = 0 : i64, scratch_operands = 8 : i64, tpu.core_type = #tpu.core_type<sc_vector_subcore>, window_params = [{transform_indices = #map}, {transform_indices = #map1}, {transform_indices = #map}, {transform_indices = #map1}]} {
    %mul3A = arith.constant 2 : i32
    %mul3A_0 = arith.muli %arg1, %mul3A : i32
    %add3A = arith.addi %mul3A_0, %arg0 : i32
    %mul3A_1 = arith.constant 512 : i32
    %mul3A_2 = arith.muli %add3A, %mul3A_1 : i32
    %multiple_of3A = tpu.assume_multiple %mul3A_2, 512 : i32
    %iota3A = tpu.iota {dimensions = array<i32: 0>} : vector<16xi32>
    %add3A_3 = arith.constant 0 : i32
    %add3A_4 = arith.addi %multiple_of3A, %add3A_3 : i32
    %mul3A_5 = arith.constant 21 : i32
    %mul3A_6 = arith.muli %add3A_4, %mul3A_5 : i32
    %dma_start3A = arith.constant 0 : i32
    %dma_start3A_7 = arith.constant 0 : i32
    %dma_start3A_8 = tpu.memref_slice %arg6[%dma_start3A, %dma_start3A_7] : memref<2x336xi32, #tpu.memory_space<vmem>> -> memref<1x336xi32, #tpu.memory_space<vmem>>
    %dma_start3A_9 = tpu.memref_squeeze %dma_start3A_8 : memref<1x336xi32, #tpu.memory_space<vmem>> -> memref<336xi32, #tpu.memory_space<vmem>>
    %dma_start3A_10 = tpu.memref_slice %arg3[%mul3A_6] : memref<344064xi32, #tpu.memory_space<hbm>> -> memref<336xi32, #tpu.memory_space<hbm>>
    %dma_start3A_11 = arith.constant 0 : i32
    %dma_start3A_12 = tpu.memref_slice %arg6[%dma_start3A, %dma_start3A_11] : memref<2x336xi32, #tpu.memory_space<vmem>> -> memref<1x336xi32, #tpu.memory_space<vmem>>
    %dma_start3A_13 = tpu.memref_squeeze %dma_start3A_12 : memref<1x336xi32, #tpu.memory_space<vmem>> -> memref<336xi32, #tpu.memory_space<vmem>>
    %dma_start3A_14 = tpu.memref_slice %arg3[%mul3A_6] : memref<344064xi32, #tpu.memory_space<hbm>> -> memref<336xi32, #tpu.memory_space<hbm>>
    tpu.enqueue_dma source(%dma_start3A_14 : memref<336xi32, #tpu.memory_space<hbm>>) target(%dma_start3A_13 : memref<336xi32, #tpu.memory_space<vmem>>) target_semaphore(%arg12 : memref<!tpu.dma_semaphore, #tpu.memory_space<semaphore_mem>>)
    %add3A_15 = arith.constant 0 : i32
    %add3A_16 = arith.addi %multiple_of3A, %add3A_15 : i32
    %mul3A_17 = arith.constant 21 : i32
    %mul3A_18 = arith.muli %add3A_16, %mul3A_17 : i32
    %dma_wait3A = arith.constant 0 : i32
    %dma_wait3A_19 = arith.constant 0 : i32
    %dma_wait3A_20 = tpu.memref_slice %arg6[%dma_wait3A, %dma_wait3A_19] : memref<2x336xi32, #tpu.memory_space<vmem>> -> memref<1x336xi32, #tpu.memory_space<vmem>>
    %dma_wait3A_21 = tpu.memref_squeeze %dma_wait3A_20 : memref<1x336xi32, #tpu.memory_space<vmem>> -> memref<336xi32, #tpu.memory_space<vmem>>
    %dma_wait3A_22 = tpu.memref_slice %arg3[%mul3A_18] : memref<344064xi32, #tpu.memory_space<hbm>> -> memref<336xi32, #tpu.memory_space<hbm>>
    %dma_wait3A_23 = arith.constant 0 : i32
    %dma_wait3A_24 = tpu.memref_slice %arg6[%dma_wait3A, %dma_wait3A_23] : memref<2x336xi32, #tpu.memory_space<vmem>> -> memref<1x336xi32, #tpu.memory_space<vmem>>
    %dma_wait3A_25 = tpu.memref_squeeze %dma_wait3A_24 : memref<1x336xi32, #tpu.memory_space<vmem>> -> memref<336xi32, #tpu.memory_space<vmem>>
    %dma_wait3A_26 = tpu.memref_slice %arg3[%mul3A_18] : memref<344064xi32, #tpu.memory_space<hbm>> -> memref<336xi32, #tpu.memory_space<hbm>>
    tpu.wait_dma2 semaphore(%arg12 : memref<!tpu.dma_semaphore, #tpu.memory_space<semaphore_mem>>) src(%dma_wait3A_26 : memref<336xi32, #tpu.memory_space<hbm>>) dst(%dma_wait3A_25 : memref<336xi32, #tpu.memory_space<vmem>>)
    %dma_start3A_27 = arith.constant 0 : i32
    %dma_start3A_28 = arith.constant 0 : i32
    %dma_start3A_29 = arith.constant 0 : i32
    %dma_start3A_30 = arith.constant 0 : i32
    %dma_start3A_31 = arith.constant 0 : i32
    %dma_start3A_32 = tpu.memref_slice %arg8[%dma_start3A_28, %dma_start3A_30, %dma_start3A_31] : memref<2x336x128xf32, #tpu.memory_space<vmem>> -> memref<1x336x128xf32, #tpu.memory_space<vmem>>
    %dma_start3A_33 = tpu.memref_squeeze %dma_start3A_32 : memref<1x336x128xf32, #tpu.memory_space<vmem>> -> memref<336x128xf32, #tpu.memory_space<vmem>>
    %dma_start3A_34 = arith.constant 0 : i32
    %dma_start3A_35 = tpu.memref_slice %arg6[%dma_start3A_27, %dma_start3A_34] : memref<2x336xi32, #tpu.memory_space<vmem>> -> memref<1x336xi32, #tpu.memory_space<vmem>>
    %dma_start3A_36 = tpu.memref_squeeze %dma_start3A_35 : memref<1x336xi32, #tpu.memory_space<vmem>> -> memref<336xi32, #tpu.memory_space<vmem>>
    %dma_start3A_37 = arith.constant 0 : i32
    %dma_start3A_38 = arith.constant 0 : i32
    %dma_start3A_39 = tpu.memref_slice %arg4[%dma_start3A_37, %dma_start3A_38] : memref<1000000x128xf32, #tpu.memory_space<hbm>> -> memref<1000000x128xf32, #tpu.memory_space<hbm>>
    %dma_start3A_40 = tpu.memref_slice %arg11[%dma_start3A_29] : memref<2x!tpu.dma_semaphore, #tpu.memory_space<semaphore_mem>> -> memref<1x!tpu.dma_semaphore, #tpu.memory_space<semaphore_mem>>
    %dma_start3A_41 = tpu.memref_squeeze %dma_start3A_40 : memref<1x!tpu.dma_semaphore, #tpu.memory_space<semaphore_mem>> -> memref<!tpu.dma_semaphore, #tpu.memory_space<semaphore_mem>>
    tpu.enqueue_indirect_dma source(%dma_start3A_39 : memref<1000000x128xf32, #tpu.memory_space<hbm>>) target(%dma_start3A_33 : memref<336x128xf32, #tpu.memory_space<vmem>>) offsets(%dma_start3A_36 : memref<336xi32, #tpu.memory_space<vmem>>) semaphore(%dma_start3A_41 : memref<!tpu.dma_semaphore, #tpu.memory_space<semaphore_mem>>)
    %add3A_42 = arith.constant 0 : i32
    %add3A_43 = arith.addi %multiple_of3A, %add3A_42 : i32
    %dma_start3A_44 = arith.constant 0 : i32
    %dma_start3A_45 = arith.constant 0 : i32
    %dma_start3A_46 = arith.constant 0 : i32
    %dma_start3A_47 = arith.constant 0 : i32
    %dma_start3A_48 = tpu.memref_slice %arg7[%dma_start3A_44, %dma_start3A_46, %dma_start3A_47] : memref<2x16x128xf32, #tpu.memory_space<vmem>> -> memref<1x16x128xf32, #tpu.memory_space<vmem>>
    %dma_start3A_49 = tpu.memref_squeeze %dma_start3A_48 : memref<1x16x128xf32, #tpu.memory_space<vmem>> -> memref<16x128xf32, #tpu.memory_space<vmem>>
    %dma_start3A_50 = arith.constant 0 : i32
    %dma_start3A_51 = tpu.memref_slice %arg2[%add3A_43, %dma_start3A_50] : memref<16384x128xf32, #tpu.memory_space<hbm>> -> memref<16x128xf32, #tpu.memory_space<hbm>>
    %dma_start3A_52 = tpu.memref_slice %arg10[%dma_start3A_45] : memref<2x!tpu.dma_semaphore, #tpu.memory_space<semaphore_mem>> -> memref<1x!tpu.dma_semaphore, #tpu.memory_space<semaphore_mem>>
    %dma_start3A_53 = tpu.memref_squeeze %dma_start3A_52 : memref<1x!tpu.dma_semaphore, #tpu.memory_space<semaphore_mem>> -> memref<!tpu.dma_semaphore, #tpu.memory_space<semaphore_mem>>
    %dma_start3A_54 = arith.constant 0 : i32
    %dma_start3A_55 = arith.constant 0 : i32
    %dma_start3A_56 = tpu.memref_slice %arg7[%dma_start3A_44, %dma_start3A_54, %dma_start3A_55] : memref<2x16x128xf32, #tpu.memory_space<vmem>> -> memref<1x16x128xf32, #tpu.memory_space<vmem>>
    %dma_start3A_57 = tpu.memref_squeeze %dma_start3A_56 : memref<1x16x128xf32, #tpu.memory_space<vmem>> -> memref<16x128xf32, #tpu.memory_space<vmem>>
    %dma_start3A_58 = arith.constant 0 : i32
    %dma_start3A_59 = tpu.memref_slice %arg2[%add3A_43, %dma_start3A_58] : memref<16384x128xf32, #tpu.memory_space<hbm>> -> memref<16x128xf32, #tpu.memory_space<hbm>>
    tpu.enqueue_dma source(%dma_start3A_59 : memref<16x128xf32, #tpu.memory_space<hbm>>) target(%dma_start3A_57 : memref<16x128xf32, #tpu.memory_space<vmem>>) target_semaphore(%dma_start3A_53 : memref<!tpu.dma_semaphore, #tpu.memory_space<semaphore_mem>>)
    %add3A_60 = arith.constant 16 : i32
    %add3A_61 = arith.addi %multiple_of3A, %add3A_60 : i32
    %mul3A_62 = arith.constant 21 : i32
    %mul3A_63 = arith.muli %add3A_61, %mul3A_62 : i32
    %dma_start3A_64 = arith.constant 1 : i32
    %dma_start3A_65 = arith.constant 0 : i32
    %dma_start3A_66 = tpu.memref_slice %arg6[%dma_start3A_64, %dma_start3A_65] : memref<2x336xi32, #tpu.memory_space<vmem>> -> memref<1x336xi32, #tpu.memory_space<vmem>>
    %dma_start3A_67 = tpu.memref_squeeze %dma_start3A_66 : memref<1x336xi32, #tpu.memory_space<vmem>> -> memref<336xi32, #tpu.memory_space<vmem>>
    %dma_start3A_68 = tpu.memref_slice %arg3[%mul3A_63] : memref<344064xi32, #tpu.memory_space<hbm>> -> memref<336xi32, #tpu.memory_space<hbm>>
    %dma_start3A_69 = arith.constant 0 : i32
    %dma_start3A_70 = tpu.memref_slice %arg6[%dma_start3A_64, %dma_start3A_69] : memref<2x336xi32, #tpu.memory_space<vmem>> -> memref<1x336xi32, #tpu.memory_space<vmem>>
    %dma_start3A_71 = tpu.memref_squeeze %dma_start3A_70 : memref<1x336xi32, #tpu.memory_space<vmem>> -> memref<336xi32, #tpu.memory_space<vmem>>
    %dma_start3A_72 = tpu.memref_slice %arg3[%mul3A_63] : memref<344064xi32, #tpu.memory_space<hbm>> -> memref<336xi32, #tpu.memory_space<hbm>>
    tpu.enqueue_dma source(%dma_start3A_72 : memref<336xi32, #tpu.memory_space<hbm>>) target(%dma_start3A_71 : memref<336xi32, #tpu.memory_space<vmem>>) target_semaphore(%arg12 : memref<!tpu.dma_semaphore, #tpu.memory_space<semaphore_mem>>)
    %scan3A = arith.constant 0 : i32
    %scan3A_73 = arith.constant 0 : i32
    %scan3A_74 = arith.constant 32 : i32
    %scan3A_75 = arith.addi %scan3A_73, %scan3A_74 : i32
    %scan3A_76 = arith.constant 1 : i32
    scf.for %scan3A_91 = %scan3A_73 to %scan3A_75 step %scan3A_76  : i32 {
      %and3A = arith.constant 1 : i32
      %and3A_92 = arith.andi %scan3A_91, %and3A : i32
      %add3A_93 = arith.constant 1 : i32
      %add3A_94 = arith.addi %scan3A_91, %add3A_93 : i32
      %lt3A = arith.constant 32 : i32
      %lt3A_95 = arith.cmpi slt, %add3A_94, %lt3A : i32
      %convert_element_type3A = arith.extui %lt3A_95 : i1 to i32
      %cond3A = arith.constant 0 : i32
      %cond3A_96 = arith.cmpi ne, %convert_element_type3A, %cond3A : i32
      scf.if %cond3A_96 {
        %add3A_331 = arith.constant 1 : i32
        %add3A_332 = arith.addi %scan3A_91, %add3A_331 : i32
        %sub3A = arith.constant 1 : i32
        %sub3A_333 = arith.subi %sub3A, %and3A_92 : i32
        %mul3A_334 = arith.constant 16 : i32
        %mul3A_335 = arith.muli %add3A_332, %mul3A_334 : i32
        %add3A_336 = arith.addi %multiple_of3A, %mul3A_335 : i32
        %mul3A_337 = arith.constant 21 : i32
        %mul3A_338 = arith.muli %add3A_336, %mul3A_337 : i32
        %dma_wait3A_339 = arith.constant 0 : i32
        %dma_wait3A_340 = tpu.memref_slice %arg6[%sub3A_333, %dma_wait3A_339] : memref<2x336xi32, #tpu.memory_space<vmem>> -> memref<1x336xi32, #tpu.memory_space<vmem>>
        %dma_wait3A_341 = tpu.memref_squeeze %dma_wait3A_340 : memref<1x336xi32, #tpu.memory_space<vmem>> -> memref<336xi32, #tpu.memory_space<vmem>>
        %dma_wait3A_342 = tpu.memref_slice %arg3[%mul3A_338] : memref<344064xi32, #tpu.memory_space<hbm>> -> memref<336xi32, #tpu.memory_space<hbm>>
        %dma_wait3A_343 = arith.constant 0 : i32
        %dma_wait3A_344 = tpu.memref_slice %arg6[%sub3A_333, %dma_wait3A_343] : memref<2x336xi32, #tpu.memory_space<vmem>> -> memref<1x336xi32, #tpu.memory_space<vmem>>
        %dma_wait3A_345 = tpu.memref_squeeze %dma_wait3A_344 : memref<1x336xi32, #tpu.memory_space<vmem>> -> memref<336xi32, #tpu.memory_space<vmem>>
        %dma_wait3A_346 = tpu.memref_slice %arg3[%mul3A_338] : memref<344064xi32, #tpu.memory_space<hbm>> -> memref<336xi32, #tpu.memory_space<hbm>>
        tpu.wait_dma2 semaphore(%arg12 : memref<!tpu.dma_semaphore, #tpu.memory_space<semaphore_mem>>) src(%dma_wait3A_346 : memref<336xi32, #tpu.memory_space<hbm>>) dst(%dma_wait3A_345 : memref<336xi32, #tpu.memory_space<vmem>>)
        %sub3A_347 = arith.constant 1 : i32
        %sub3A_348 = arith.subi %sub3A_347, %and3A_92 : i32
        %dma_start3A_349 = arith.constant 0 : i32
        %dma_start3A_350 = arith.constant 0 : i32
        %dma_start3A_351 = tpu.memref_slice %arg8[%sub3A_348, %dma_start3A_349, %dma_start3A_350] : memref<2x336x128xf32, #tpu.memory_space<vmem>> -> memref<1x336x128xf32, #tpu.memory_space<vmem>>
        %dma_start3A_352 = tpu.memref_squeeze %dma_start3A_351 : memref<1x336x128xf32, #tpu.memory_space<vmem>> -> memref<336x128xf32, #tpu.memory_space<vmem>>
        %dma_start3A_353 = arith.constant 0 : i32
        %dma_start3A_354 = tpu.memref_slice %arg6[%sub3A_348, %dma_start3A_353] : memref<2x336xi32, #tpu.memory_space<vmem>> -> memref<1x336xi32, #tpu.memory_space<vmem>>
        %dma_start3A_355 = tpu.memref_squeeze %dma_start3A_354 : memref<1x336xi32, #tpu.memory_space<vmem>> -> memref<336xi32, #tpu.memory_space<vmem>>
        %dma_start3A_356 = arith.constant 0 : i32
        %dma_start3A_357 = arith.constant 0 : i32
        %dma_start3A_358 = tpu.memref_slice %arg4[%dma_start3A_356, %dma_start3A_357] : memref<1000000x128xf32, #tpu.memory_space<hbm>> -> memref<1000000x128xf32, #tpu.memory_space<hbm>>
        %dma_start3A_359 = tpu.memref_slice %arg11[%sub3A_348] : memref<2x!tpu.dma_semaphore, #tpu.memory_space<semaphore_mem>> -> memref<1x!tpu.dma_semaphore, #tpu.memory_space<semaphore_mem>>
        %dma_start3A_360 = tpu.memref_squeeze %dma_start3A_359 : memref<1x!tpu.dma_semaphore, #tpu.memory_space<semaphore_mem>> -> memref<!tpu.dma_semaphore, #tpu.memory_space<semaphore_mem>>
        tpu.enqueue_indirect_dma source(%dma_start3A_358 : memref<1000000x128xf32, #tpu.memory_space<hbm>>) target(%dma_start3A_352 : memref<336x128xf32, #tpu.memory_space<vmem>>) offsets(%dma_start3A_355 : memref<336xi32, #tpu.memory_space<vmem>>) semaphore(%dma_start3A_360 : memref<!tpu.dma_semaphore, #tpu.memory_space<semaphore_mem>>)
        %add3A_361 = arith.constant 1 : i32
        %add3A_362 = arith.addi %scan3A_91, %add3A_361 : i32
        %sub3A_363 = arith.constant 1 : i32
        %sub3A_364 = arith.subi %sub3A_363, %and3A_92 : i32
        %mul3A_365 = arith.constant 16 : i32
        %mul3A_366 = arith.muli %add3A_362, %mul3A_365 : i32
        %add3A_367 = arith.addi %multiple_of3A, %mul3A_366 : i32
        %dma_start3A_368 = arith.constant 0 : i32
        %dma_start3A_369 = arith.constant 0 : i32
        %dma_start3A_370 = tpu.memref_slice %arg7[%sub3A_364, %dma_start3A_368, %dma_start3A_369] : memref<2x16x128xf32, #tpu.memory_space<vmem>> -> memref<1x16x128xf32, #tpu.memory_space<vmem>>
        %dma_start3A_371 = tpu.memref_squeeze %dma_start3A_370 : memref<1x16x128xf32, #tpu.memory_space<vmem>> -> memref<16x128xf32, #tpu.memory_space<vmem>>
        %dma_start3A_372 = arith.constant 0 : i32
        %dma_start3A_373 = tpu.memref_slice %arg2[%add3A_367, %dma_start3A_372] : memref<16384x128xf32, #tpu.memory_space<hbm>> -> memref<16x128xf32, #tpu.memory_space<hbm>>
        %dma_start3A_374 = tpu.memref_slice %arg10[%sub3A_364] : memref<2x!tpu.dma_semaphore, #tpu.memory_space<semaphore_mem>> -> memref<1x!tpu.dma_semaphore, #tpu.memory_space<semaphore_mem>>
        %dma_start3A_375 = tpu.memref_squeeze %dma_start3A_374 : memref<1x!tpu.dma_semaphore, #tpu.memory_space<semaphore_mem>> -> memref<!tpu.dma_semaphore, #tpu.memory_space<semaphore_mem>>
        %dma_start3A_376 = arith.constant 0 : i32
        %dma_start3A_377 = arith.constant 0 : i32
        %dma_start3A_378 = tpu.memref_slice %arg7[%sub3A_364, %dma_start3A_376, %dma_start3A_377] : memref<2x16x128xf32, #tpu.memory_space<vmem>> -> memref<1x16x128xf32, #tpu.memory_space<vmem>>
        %dma_start3A_379 = tpu.memref_squeeze %dma_start3A_378 : memref<1x16x128xf32, #tpu.memory_space<vmem>> -> memref<16x128xf32, #tpu.memory_space<vmem>>
        %dma_start3A_380 = arith.constant 0 : i32
        %dma_start3A_381 = tpu.memref_slice %arg2[%add3A_367, %dma_start3A_380] : memref<16384x128xf32, #tpu.memory_space<hbm>> -> memref<16x128xf32, #tpu.memory_space<hbm>>
        tpu.enqueue_dma source(%dma_start3A_381 : memref<16x128xf32, #tpu.memory_space<hbm>>) target(%dma_start3A_379 : memref<16x128xf32, #tpu.memory_space<vmem>>) target_semaphore(%dma_start3A_375 : memref<!tpu.dma_semaphore, #tpu.memory_space<semaphore_mem>>)
      } else {
      }
      %add3A_97 = arith.constant 2 : i32
      %add3A_98 = arith.addi %scan3A_91, %add3A_97 : i32
      %lt3A_99 = arith.constant 32 : i32
      %lt3A_100 = arith.cmpi slt, %add3A_98, %lt3A_99 : i32
      %convert_element_type3A_101 = arith.extui %lt3A_100 : i1 to i32
      %cond3A_102 = arith.constant 0 : i32
      %cond3A_103 = arith.cmpi ne, %convert_element_type3A_101, %cond3A_102 : i32
      scf.if %cond3A_103 {
        %add3A_331 = arith.constant 2 : i32
        %add3A_332 = arith.addi %scan3A_91, %add3A_331 : i32
        %mul3A_333 = arith.constant 16 : i32
        %mul3A_334 = arith.muli %add3A_332, %mul3A_333 : i32
        %add3A_335 = arith.addi %multiple_of3A, %mul3A_334 : i32
        %mul3A_336 = arith.constant 21 : i32
        %mul3A_337 = arith.muli %add3A_335, %mul3A_336 : i32
        %dma_start3A_338 = arith.constant 0 : i32
        %dma_start3A_339 = tpu.memref_slice %arg6[%and3A_92, %dma_start3A_338] : memref<2x336xi32, #tpu.memory_space<vmem>> -> memref<1x336xi32, #tpu.memory_space<vmem>>
        %dma_start3A_340 = tpu.memref_squeeze %dma_start3A_339 : memref<1x336xi32, #tpu.memory_space<vmem>> -> memref<336xi32, #tpu.memory_space<vmem>>
        %dma_start3A_341 = tpu.memref_slice %arg3[%mul3A_337] : memref<344064xi32, #tpu.memory_space<hbm>> -> memref<336xi32, #tpu.memory_space<hbm>>
        %dma_start3A_342 = arith.constant 0 : i32
        %dma_start3A_343 = tpu.memref_slice %arg6[%and3A_92, %dma_start3A_342] : memref<2x336xi32, #tpu.memory_space<vmem>> -> memref<1x336xi32, #tpu.memory_space<vmem>>
        %dma_start3A_344 = tpu.memref_squeeze %dma_start3A_343 : memref<1x336xi32, #tpu.memory_space<vmem>> -> memref<336xi32, #tpu.memory_space<vmem>>
        %dma_start3A_345 = tpu.memref_slice %arg3[%mul3A_337] : memref<344064xi32, #tpu.memory_space<hbm>> -> memref<336xi32, #tpu.memory_space<hbm>>
        tpu.enqueue_dma source(%dma_start3A_345 : memref<336xi32, #tpu.memory_space<hbm>>) target(%dma_start3A_344 : memref<336xi32, #tpu.memory_space<vmem>>) target_semaphore(%arg12 : memref<!tpu.dma_semaphore, #tpu.memory_space<semaphore_mem>>)
      } else {
      }
      %dma_wait3A_104 = arith.constant 0 : i32
      %dma_wait3A_105 = arith.constant 0 : i32
      %dma_wait3A_106 = tpu.memref_slice %arg8[%and3A_92, %dma_wait3A_104, %dma_wait3A_105] : memref<2x336x128xf32, #tpu.memory_space<vmem>> -> memref<1x336x128xf32, #tpu.memory_space<vmem>>
      %dma_wait3A_107 = tpu.memref_squeeze %dma_wait3A_106 : memref<1x336x128xf32, #tpu.memory_space<vmem>> -> memref<336x128xf32, #tpu.memory_space<vmem>>
      %dma_wait3A_108 = arith.constant 0 : i32
      %dma_wait3A_109 = tpu.memref_slice %arg6[%and3A_92, %dma_wait3A_108] : memref<2x336xi32, #tpu.memory_space<vmem>> -> memref<1x336xi32, #tpu.memory_space<vmem>>
      %dma_wait3A_110 = tpu.memref_squeeze %dma_wait3A_109 : memref<1x336xi32, #tpu.memory_space<vmem>> -> memref<336xi32, #tpu.memory_space<vmem>>
      %dma_wait3A_111 = arith.constant 0 : i32
      %dma_wait3A_112 = arith.constant 0 : i32
      %dma_wait3A_113 = tpu.memref_slice %arg4[%dma_wait3A_111, %dma_wait3A_112] : memref<1000000x128xf32, #tpu.memory_space<hbm>> -> memref<1000000x128xf32, #tpu.memory_space<hbm>>
      %dma_wait3A_114 = tpu.memref_slice %arg11[%and3A_92] : memref<2x!tpu.dma_semaphore, #tpu.memory_space<semaphore_mem>> -> memref<1x!tpu.dma_semaphore, #tpu.memory_space<semaphore_mem>>
      %dma_wait3A_115 = tpu.memref_squeeze %dma_wait3A_114 : memref<1x!tpu.dma_semaphore, #tpu.memory_space<semaphore_mem>> -> memref<!tpu.dma_semaphore, #tpu.memory_space<semaphore_mem>>
      tpu.wait_indirect_dma semaphore(%dma_wait3A_115 : memref<!tpu.dma_semaphore, #tpu.memory_space<semaphore_mem>>) src(%dma_wait3A_113 : memref<1000000x128xf32, #tpu.memory_space<hbm>>) dst(%dma_wait3A_107 : memref<336x128xf32, #tpu.memory_space<vmem>>)
      %mul3A_116 = arith.constant 16 : i32
      %mul3A_117 = arith.muli %scan3A_91, %mul3A_116 : i32
      %add3A_118 = arith.addi %multiple_of3A, %mul3A_117 : i32
      %dma_wait3A_119 = arith.constant 0 : i32
      %dma_wait3A_120 = arith.constant 0 : i32
      %dma_wait3A_121 = tpu.memref_slice %arg7[%and3A_92, %dma_wait3A_119, %dma_wait3A_120] : memref<2x16x128xf32, #tpu.memory_space<vmem>> -> memref<1x16x128xf32, #tpu.memory_space<vmem>>
      %dma_wait3A_122 = tpu.memref_squeeze %dma_wait3A_121 : memref<1x16x128xf32, #tpu.memory_space<vmem>> -> memref<16x128xf32, #tpu.memory_space<vmem>>
      %dma_wait3A_123 = arith.constant 0 : i32
      %dma_wait3A_124 = tpu.memref_slice %arg2[%add3A_118, %dma_wait3A_123] : memref<16384x128xf32, #tpu.memory_space<hbm>> -> memref<16x128xf32, #tpu.memory_space<hbm>>
      %dma_wait3A_125 = tpu.memref_slice %arg10[%and3A_92] : memref<2x!tpu.dma_semaphore, #tpu.memory_space<semaphore_mem>> -> memref<1x!tpu.dma_semaphore, #tpu.memory_space<semaphore_mem>>
      %dma_wait3A_126 = tpu.memref_squeeze %dma_wait3A_125 : memref<1x!tpu.dma_semaphore, #tpu.memory_space<semaphore_mem>> -> memref<!tpu.dma_semaphore, #tpu.memory_space<semaphore_mem>>
      %dma_wait3A_127 = arith.constant 0 : i32
      %dma_wait3A_128 = arith.constant 0 : i32
      %dma_wait3A_129 = tpu.memref_slice %arg7[%and3A_92, %dma_wait3A_127, %dma_wait3A_128] : memref<2x16x128xf32, #tpu.memory_space<vmem>> -> memref<1x16x128xf32, #tpu.memory_space<vmem>>
      %dma_wait3A_130 = tpu.memref_squeeze %dma_wait3A_129 : memref<1x16x128xf32, #tpu.memory_space<vmem>> -> memref<16x128xf32, #tpu.memory_space<vmem>>
      %dma_wait3A_131 = arith.constant 0 : i32
      %dma_wait3A_132 = tpu.memref_slice %arg2[%add3A_118, %dma_wait3A_131] : memref<16384x128xf32, #tpu.memory_space<hbm>> -> memref<16x128xf32, #tpu.memory_space<hbm>>
      tpu.wait_dma2 semaphore(%dma_wait3A_126 : memref<!tpu.dma_semaphore, #tpu.memory_space<semaphore_mem>>) src(%dma_wait3A_132 : memref<16x128xf32, #tpu.memory_space<hbm>>) dst(%dma_wait3A_130 : memref<16x128xf32, #tpu.memory_space<vmem>>)
      %ge3A = arith.constant 1 : i32
      %ge3A_133 = arith.cmpi sge, %scan3A_91, %ge3A : i32
      %convert_element_type3A_134 = arith.extui %ge3A_133 : i1 to i32
      %cond3A_135 = arith.constant 0 : i32
      %cond3A_136 = arith.cmpi ne, %convert_element_type3A_134, %cond3A_135 : i32
      scf.if %cond3A_136 {
        %sub3A = arith.constant 1 : i32
        %sub3A_331 = arith.subi %scan3A_91, %sub3A : i32
        %sub3A_332 = arith.constant 1 : i32
        %sub3A_333 = arith.subi %sub3A_332, %and3A_92 : i32
        %mul3A_334 = arith.constant 16 : i32
        %mul3A_335 = arith.muli %sub3A_331, %mul3A_334 : i32
        %add3A_336 = arith.addi %multiple_of3A, %mul3A_335 : i32
        %mul3A_337 = arith.constant 21 : i32
        %mul3A_338 = arith.muli %add3A_336, %mul3A_337 : i32
        %dma_wait3A_339 = arith.constant 0 : i32
        %dma_wait3A_340 = tpu.memref_slice %arg9[%sub3A_333, %dma_wait3A_339] : memref<2x336xf32, #tpu.memory_space<vmem>> -> memref<1x336xf32, #tpu.memory_space<vmem>>
        %dma_wait3A_341 = tpu.memref_squeeze %dma_wait3A_340 : memref<1x336xf32, #tpu.memory_space<vmem>> -> memref<336xf32, #tpu.memory_space<vmem>>
        %dma_wait3A_342 = tpu.memref_slice %arg5[%mul3A_338] : memref<344064xf32, #tpu.memory_space<hbm>> -> memref<336xf32, #tpu.memory_space<hbm>>
        %dma_wait3A_343 = tpu.memref_slice %arg5[%mul3A_338] : memref<344064xf32, #tpu.memory_space<hbm>> -> memref<336xf32, #tpu.memory_space<hbm>>
        %dma_wait3A_344 = arith.constant 0 : i32
        %dma_wait3A_345 = tpu.memref_slice %arg9[%sub3A_333, %dma_wait3A_344] : memref<2x336xf32, #tpu.memory_space<vmem>> -> memref<1x336xf32, #tpu.memory_space<vmem>>
        %dma_wait3A_346 = tpu.memref_squeeze %dma_wait3A_345 : memref<1x336xf32, #tpu.memory_space<vmem>> -> memref<336xf32, #tpu.memory_space<vmem>>
        tpu.wait_dma2 semaphore(%arg13 : memref<!tpu.dma_semaphore, #tpu.memory_space<semaphore_mem>>) src(%dma_wait3A_346 : memref<336xf32, #tpu.memory_space<vmem>>) dst(%dma_wait3A_343 : memref<336xf32, #tpu.memory_space<hbm>>)
      } else {
      }
      %mul3A_137 = arith.constant 21 : i32
      %mul3A_138 = vector.broadcast %mul3A_137 : i32 to vector<16xi32>
      %mul3A_139 = arith.muli %iota3A, %mul3A_138 : vector<16xi32>
      %add3A_140 = arith.constant 0 : i32
      %add3A_141 = vector.broadcast %add3A_140 : i32 to vector<16xi32>
      %add3A_142 = arith.addi %mul3A_139, %add3A_141 : vector<16xi32>
      %add3A_143 = arith.constant 1 : i32
      %add3A_144 = vector.broadcast %add3A_143 : i32 to vector<16xi32>
      %add3A_145 = arith.addi %mul3A_139, %add3A_144 : vector<16xi32>
      %add3A_146 = arith.constant 2 : i32
      %add3A_147 = vector.broadcast %add3A_146 : i32 to vector<16xi32>
      %add3A_148 = arith.addi %mul3A_139, %add3A_147 : vector<16xi32>
      %add3A_149 = arith.constant 3 : i32
      %add3A_150 = vector.broadcast %add3A_149 : i32 to vector<16xi32>
      %add3A_151 = arith.addi %mul3A_139, %add3A_150 : vector<16xi32>
      %add3A_152 = arith.constant 4 : i32
      %add3A_153 = vector.broadcast %add3A_152 : i32 to vector<16xi32>
      %add3A_154 = arith.addi %mul3A_139, %add3A_153 : vector<16xi32>
      %add3A_155 = arith.constant 5 : i32
      %add3A_156 = vector.broadcast %add3A_155 : i32 to vector<16xi32>
      %add3A_157 = arith.addi %mul3A_139, %add3A_156 : vector<16xi32>
      %add3A_158 = arith.constant 6 : i32
      %add3A_159 = vector.broadcast %add3A_158 : i32 to vector<16xi32>
      %add3A_160 = arith.addi %mul3A_139, %add3A_159 : vector<16xi32>
      %add3A_161 = arith.constant 7 : i32
      %add3A_162 = vector.broadcast %add3A_161 : i32 to vector<16xi32>
      %add3A_163 = arith.addi %mul3A_139, %add3A_162 : vector<16xi32>
      %add3A_164 = arith.constant 8 : i32
      %add3A_165 = vector.broadcast %add3A_164 : i32 to vector<16xi32>
      %add3A_166 = arith.addi %mul3A_139, %add3A_165 : vector<16xi32>
      %add3A_167 = arith.constant 9 : i32
      %add3A_168 = vector.broadcast %add3A_167 : i32 to vector<16xi32>
      %add3A_169 = arith.addi %mul3A_139, %add3A_168 : vector<16xi32>
      %add3A_170 = arith.constant 10 : i32
      %add3A_171 = vector.broadcast %add3A_170 : i32 to vector<16xi32>
      %add3A_172 = arith.addi %mul3A_139, %add3A_171 : vector<16xi32>
      %broadcast_in_dim3A = arith.constant 0.000000e+00 : f32
      %broadcast_in_dim3A_173 = vector.broadcast %broadcast_in_dim3A : f32 to vector<16xf32>
      %broadcast_in_dim3A_174 = arith.constant 0.000000e+00 : f32
      %broadcast_in_dim3A_175 = vector.broadcast %broadcast_in_dim3A_174 : f32 to vector<16xf32>
      %broadcast_in_dim3A_176 = arith.constant 0.000000e+00 : f32
      %broadcast_in_dim3A_177 = vector.broadcast %broadcast_in_dim3A_176 : f32 to vector<16xf32>
      %broadcast_in_dim3A_178 = arith.constant 0.000000e+00 : f32
      %broadcast_in_dim3A_179 = vector.broadcast %broadcast_in_dim3A_178 : f32 to vector<16xf32>
      %broadcast_in_dim3A_180 = arith.constant 0.000000e+00 : f32
      %broadcast_in_dim3A_181 = vector.broadcast %broadcast_in_dim3A_180 : f32 to vector<16xf32>
      %broadcast_in_dim3A_182 = arith.constant 0.000000e+00 : f32
      %broadcast_in_dim3A_183 = vector.broadcast %broadcast_in_dim3A_182 : f32 to vector<16xf32>
      %broadcast_in_dim3A_184 = arith.constant 0.000000e+00 : f32
      %broadcast_in_dim3A_185 = vector.broadcast %broadcast_in_dim3A_184 : f32 to vector<16xf32>
      %broadcast_in_dim3A_186 = arith.constant 0.000000e+00 : f32
      %broadcast_in_dim3A_187 = vector.broadcast %broadcast_in_dim3A_186 : f32 to vector<16xf32>
      %broadcast_in_dim3A_188 = arith.constant 0.000000e+00 : f32
      %broadcast_in_dim3A_189 = vector.broadcast %broadcast_in_dim3A_188 : f32 to vector<16xf32>
      %broadcast_in_dim3A_190 = arith.constant 0.000000e+00 : f32
      %broadcast_in_dim3A_191 = vector.broadcast %broadcast_in_dim3A_190 : f32 to vector<16xf32>
      %broadcast_in_dim3A_192 = arith.constant 0.000000e+00 : f32
      %broadcast_in_dim3A_193 = vector.broadcast %broadcast_in_dim3A_192 : f32 to vector<16xf32>
      %scan3A_194 = arith.constant 0 : i32
      %scan3A_195 = arith.constant 16 : i32
      %scan3A_196 = arith.addi %scan3A_194, %scan3A_195 : i32
      %scan3A_197 = arith.constant 1 : i32
      %scan3A_198:11 = scf.for %scan3A_331 = %scan3A_194 to %scan3A_196 step %scan3A_197 iter_args(%scan3A_332 = %broadcast_in_dim3A_173, %scan3A_333 = %broadcast_in_dim3A_175, %scan3A_334 = %broadcast_in_dim3A_177, %scan3A_335 = %broadcast_in_dim3A_179, %scan3A_336 = %broadcast_in_dim3A_181, %scan3A_337 = %broadcast_in_dim3A_183, %scan3A_338 = %broadcast_in_dim3A_185, %scan3A_339 = %broadcast_in_dim3A_187, %scan3A_340 = %broadcast_in_dim3A_189, %scan3A_341 = %broadcast_in_dim3A_191, %scan3A_342 = %broadcast_in_dim3A_193) -> (vector<16xf32>, vector<16xf32>, vector<16xf32>, vector<16xf32>, vector<16xf32>, vector<16xf32>, vector<16xf32>, vector<16xf32>, vector<16xf32>, vector<16xf32>, vector<16xf32>)  : i32 {
        %mul3A_343 = arith.constant 4 : i32
        %mul3A_344 = arith.muli %scan3A_331, %mul3A_343 : i32
        %add3A_345 = arith.constant 0 : i32
        %add3A_346 = arith.addi %mul3A_344, %add3A_345 : i32
        %add3A_347 = vector.broadcast %add3A_346 : i32 to vector<16xi32>
        %add3A_348 = arith.addi %iota3A, %add3A_347 : vector<16xi32>
        %and3A_349 = arith.constant 63 : i32
        %and3A_350 = vector.broadcast %and3A_349 : i32 to vector<16xi32>
        %and3A_351 = arith.andi %add3A_348, %and3A_350 : vector<16xi32>
        %gather3A = arith.constant 0 : i32
        %gather3A_352 = arith.constant 0 : i32
        %gather3A_353 = tpu.memref_slice %arg7[%and3A_92, %gather3A, %gather3A_352] : memref<2x16x128xf32, #tpu.memory_space<vmem>> -> memref<1x16x128xf32, #tpu.memory_space<vmem>>
        %gather3A_354 = tpu.memref_squeeze %gather3A_353 : memref<1x16x128xf32, #tpu.memory_space<vmem>> -> memref<16x128xf32, #tpu.memory_space<vmem>>
        %gather3A_355 = tpu.vector_load_idx %gather3A_354[%iota3A, %and3A_351] : memref<16x128xf32, #tpu.memory_space<vmem>>[vector<16xi32>, vector<16xi32>], vector<16xf32>,
        %gather3A_356 = arith.constant 0 : i32
        %gather3A_357 = arith.constant 0 : i32
        %gather3A_358 = tpu.memref_slice %arg8[%and3A_92, %gather3A_356, %gather3A_357] : memref<2x336x128xf32, #tpu.memory_space<vmem>> -> memref<1x336x128xf32, #tpu.memory_space<vmem>>
        %gather3A_359 = tpu.memref_squeeze %gather3A_358 : memref<1x336x128xf32, #tpu.memory_space<vmem>> -> memref<336x128xf32, #tpu.memory_space<vmem>>
        %gather3A_360 = tpu.vector_load_idx %gather3A_359[%add3A_142, %and3A_351] : memref<336x128xf32, #tpu.memory_space<vmem>>[vector<16xi32>, vector<16xi32>], vector<16xf32>,
        %mul3A_361 = arith.mulf %gather3A_355, %gather3A_360 : vector<16xf32>
        %add3A_362 = arith.addf %scan3A_332, %mul3A_361 : vector<16xf32>
        %gather3A_363 = arith.constant 0 : i32
        %gather3A_364 = arith.constant 0 : i32
        %gather3A_365 = tpu.memref_slice %arg8[%and3A_92, %gather3A_363, %gather3A_364] : memref<2x336x128xf32, #tpu.memory_space<vmem>> -> memref<1x336x128xf32, #tpu.memory_space<vmem>>
        %gather3A_366 = tpu.memref_squeeze %gather3A_365 : memref<1x336x128xf32, #tpu.memory_space<vmem>> -> memref<336x128xf32, #tpu.memory_space<vmem>>
        %gather3A_367 = tpu.vector_load_idx %gather3A_366[%add3A_145, %and3A_351] : memref<336x128xf32, #tpu.memory_space<vmem>>[vector<16xi32>, vector<16xi32>], vector<16xf32>,
        %mul3A_368 = arith.mulf %gather3A_355, %gather3A_367 : vector<16xf32>
        %add3A_369 = arith.addf %scan3A_333, %mul3A_368 : vector<16xf32>
        %gather3A_370 = arith.constant 0 : i32
        %gather3A_371 = arith.constant 0 : i32
        %gather3A_372 = tpu.memref_slice %arg8[%and3A_92, %gather3A_370, %gather3A_371] : memref<2x336x128xf32, #tpu.memory_space<vmem>> -> memref<1x336x128xf32, #tpu.memory_space<vmem>>
        %gather3A_373 = tpu.memref_squeeze %gather3A_372 : memref<1x336x128xf32, #tpu.memory_space<vmem>> -> memref<336x128xf32, #tpu.memory_space<vmem>>
        %gather3A_374 = tpu.vector_load_idx %gather3A_373[%add3A_148, %and3A_351] : memref<336x128xf32, #tpu.memory_space<vmem>>[vector<16xi32>, vector<16xi32>], vector<16xf32>,
        %mul3A_375 = arith.mulf %gather3A_355, %gather3A_374 : vector<16xf32>
        %add3A_376 = arith.addf %scan3A_334, %mul3A_375 : vector<16xf32>
        %gather3A_377 = arith.constant 0 : i32
        %gather3A_378 = arith.constant 0 : i32
        %gather3A_379 = tpu.memref_slice %arg8[%and3A_92, %gather3A_377, %gather3A_378] : memref<2x336x128xf32, #tpu.memory_space<vmem>> -> memref<1x336x128xf32, #tpu.memory_space<vmem>>
        %gather3A_380 = tpu.memref_squeeze %gather3A_379 : memref<1x336x128xf32, #tpu.memory_space<vmem>> -> memref<336x128xf32, #tpu.memory_space<vmem>>
        %gather3A_381 = tpu.vector_load_idx %gather3A_380[%add3A_151, %and3A_351] : memref<336x128xf32, #tpu.memory_space<vmem>>[vector<16xi32>, vector<16xi32>], vector<16xf32>,
        %mul3A_382 = arith.mulf %gather3A_355, %gather3A_381 : vector<16xf32>
        %add3A_383 = arith.addf %scan3A_335, %mul3A_382 : vector<16xf32>
        %gather3A_384 = arith.constant 0 : i32
        %gather3A_385 = arith.constant 0 : i32
        %gather3A_386 = tpu.memref_slice %arg8[%and3A_92, %gather3A_384, %gather3A_385] : memref<2x336x128xf32, #tpu.memory_space<vmem>> -> memref<1x336x128xf32, #tpu.memory_space<vmem>>
        %gather3A_387 = tpu.memref_squeeze %gather3A_386 : memref<1x336x128xf32, #tpu.memory_space<vmem>> -> memref<336x128xf32, #tpu.memory_space<vmem>>
        %gather3A_388 = tpu.vector_load_idx %gather3A_387[%add3A_154, %and3A_351] : memref<336x128xf32, #tpu.memory_space<vmem>>[vector<16xi32>, vector<16xi32>], vector<16xf32>,
        %mul3A_389 = arith.mulf %gather3A_355, %gather3A_388 : vector<16xf32>
        %add3A_390 = arith.addf %scan3A_336, %mul3A_389 : vector<16xf32>
        %gather3A_391 = arith.constant 0 : i32
        %gather3A_392 = arith.constant 0 : i32
        %gather3A_393 = tpu.memref_slice %arg8[%and3A_92, %gather3A_391, %gather3A_392] : memref<2x336x128xf32, #tpu.memory_space<vmem>> -> memref<1x336x128xf32, #tpu.memory_space<vmem>>
        %gather3A_394 = tpu.memref_squeeze %gather3A_393 : memref<1x336x128xf32, #tpu.memory_space<vmem>> -> memref<336x128xf32, #tpu.memory_space<vmem>>
        %gather3A_395 = tpu.vector_load_idx %gather3A_394[%add3A_157, %and3A_351] : memref<336x128xf32, #tpu.memory_space<vmem>>[vector<16xi32>, vector<16xi32>], vector<16xf32>,
        %mul3A_396 = arith.mulf %gather3A_355, %gather3A_395 : vector<16xf32>
        %add3A_397 = arith.addf %scan3A_337, %mul3A_396 : vector<16xf32>
        %gather3A_398 = arith.constant 0 : i32
        %gather3A_399 = arith.constant 0 : i32
        %gather3A_400 = tpu.memref_slice %arg8[%and3A_92, %gather3A_398, %gather3A_399] : memref<2x336x128xf32, #tpu.memory_space<vmem>> -> memref<1x336x128xf32, #tpu.memory_space<vmem>>
        %gather3A_401 = tpu.memref_squeeze %gather3A_400 : memref<1x336x128xf32, #tpu.memory_space<vmem>> -> memref<336x128xf32, #tpu.memory_space<vmem>>
        %gather3A_402 = tpu.vector_load_idx %gather3A_401[%add3A_160, %and3A_351] : memref<336x128xf32, #tpu.memory_space<vmem>>[vector<16xi32>, vector<16xi32>], vector<16xf32>,
        %mul3A_403 = arith.mulf %gather3A_355, %gather3A_402 : vector<16xf32>
        %add3A_404 = arith.addf %scan3A_338, %mul3A_403 : vector<16xf32>
        %gather3A_405 = arith.constant 0 : i32
        %gather3A_406 = arith.constant 0 : i32
        %gather3A_407 = tpu.memref_slice %arg8[%and3A_92, %gather3A_405, %gather3A_406] : memref<2x336x128xf32, #tpu.memory_space<vmem>> -> memref<1x336x128xf32, #tpu.memory_space<vmem>>
        %gather3A_408 = tpu.memref_squeeze %gather3A_407 : memref<1x336x128xf32, #tpu.memory_space<vmem>> -> memref<336x128xf32, #tpu.memory_space<vmem>>
        %gather3A_409 = tpu.vector_load_idx %gather3A_408[%add3A_163, %and3A_351] : memref<336x128xf32, #tpu.memory_space<vmem>>[vector<16xi32>, vector<16xi32>], vector<16xf32>,
        %mul3A_410 = arith.mulf %gather3A_355, %gather3A_409 : vector<16xf32>
        %add3A_411 = arith.addf %scan3A_339, %mul3A_410 : vector<16xf32>
        %gather3A_412 = arith.constant 0 : i32
        %gather3A_413 = arith.constant 0 : i32
        %gather3A_414 = tpu.memref_slice %arg8[%and3A_92, %gather3A_412, %gather3A_413] : memref<2x336x128xf32, #tpu.memory_space<vmem>> -> memref<1x336x128xf32, #tpu.memory_space<vmem>>
        %gather3A_415 = tpu.memref_squeeze %gather3A_414 : memref<1x336x128xf32, #tpu.memory_space<vmem>> -> memref<336x128xf32, #tpu.memory_space<vmem>>
        %gather3A_416 = tpu.vector_load_idx %gather3A_415[%add3A_166, %and3A_351] : memref<336x128xf32, #tpu.memory_space<vmem>>[vector<16xi32>, vector<16xi32>], vector<16xf32>,
        %mul3A_417 = arith.mulf %gather3A_355, %gather3A_416 : vector<16xf32>
        %add3A_418 = arith.addf %scan3A_340, %mul3A_417 : vector<16xf32>
        %gather3A_419 = arith.constant 0 : i32
        %gather3A_420 = arith.constant 0 : i32
        %gather3A_421 = tpu.memref_slice %arg8[%and3A_92, %gather3A_419, %gather3A_420] : memref<2x336x128xf32, #tpu.memory_space<vmem>> -> memref<1x336x128xf32, #tpu.memory_space<vmem>>
        %gather3A_422 = tpu.memref_squeeze %gather3A_421 : memref<1x336x128xf32, #tpu.memory_space<vmem>> -> memref<336x128xf32, #tpu.memory_space<vmem>>
        %gather3A_423 = tpu.vector_load_idx %gather3A_422[%add3A_169, %and3A_351] : memref<336x128xf32, #tpu.memory_space<vmem>>[vector<16xi32>, vector<16xi32>], vector<16xf32>,
        %mul3A_424 = arith.mulf %gather3A_355, %gather3A_423 : vector<16xf32>
        %add3A_425 = arith.addf %scan3A_341, %mul3A_424 : vector<16xf32>
        %gather3A_426 = arith.constant 0 : i32
        %gather3A_427 = arith.constant 0 : i32
        %gather3A_428 = tpu.memref_slice %arg8[%and3A_92, %gather3A_426, %gather3A_427] : memref<2x336x128xf32, #tpu.memory_space<vmem>> -> memref<1x336x128xf32, #tpu.memory_space<vmem>>
        %gather3A_429 = tpu.memref_squeeze %gather3A_428 : memref<1x336x128xf32, #tpu.memory_space<vmem>> -> memref<336x128xf32, #tpu.memory_space<vmem>>
        %gather3A_430 = tpu.vector_load_idx %gather3A_429[%add3A_172, %and3A_351] : memref<336x128xf32, #tpu.memory_space<vmem>>[vector<16xi32>, vector<16xi32>], vector<16xf32>,
        %mul3A_431 = arith.mulf %gather3A_355, %gather3A_430 : vector<16xf32>
        %add3A_432 = arith.addf %scan3A_342, %mul3A_431 : vector<16xf32>
        %mul3A_433 = arith.constant 4 : i32
        %mul3A_434 = arith.muli %scan3A_331, %mul3A_433 : i32
        %add3A_435 = arith.constant 1 : i32
        %add3A_436 = arith.addi %mul3A_434, %add3A_435 : i32
        %add3A_437 = vector.broadcast %add3A_436 : i32 to vector<16xi32>
        %add3A_438 = arith.addi %iota3A, %add3A_437 : vector<16xi32>
        %and3A_439 = arith.constant 63 : i32
        %and3A_440 = vector.broadcast %and3A_439 : i32 to vector<16xi32>
        %and3A_441 = arith.andi %add3A_438, %and3A_440 : vector<16xi32>
        %gather3A_442 = arith.constant 0 : i32
        %gather3A_443 = arith.constant 0 : i32
        %gather3A_444 = tpu.memref_slice %arg7[%and3A_92, %gather3A_442, %gather3A_443] : memref<2x16x128xf32, #tpu.memory_space<vmem>> -> memref<1x16x128xf32, #tpu.memory_space<vmem>>
        %gather3A_445 = tpu.memref_squeeze %gather3A_444 : memref<1x16x128xf32, #tpu.memory_space<vmem>> -> memref<16x128xf32, #tpu.memory_space<vmem>>
        %gather3A_446 = tpu.vector_load_idx %gather3A_445[%iota3A, %and3A_441] : memref<16x128xf32, #tpu.memory_space<vmem>>[vector<16xi32>, vector<16xi32>], vector<16xf32>,
        %gather3A_447 = arith.constant 0 : i32
        %gather3A_448 = arith.constant 0 : i32
        %gather3A_449 = tpu.memref_slice %arg8[%and3A_92, %gather3A_447, %gather3A_448] : memref<2x336x128xf32, #tpu.memory_space<vmem>> -> memref<1x336x128xf32, #tpu.memory_space<vmem>>
        %gather3A_450 = tpu.memref_squeeze %gather3A_449 : memref<1x336x128xf32, #tpu.memory_space<vmem>> -> memref<336x128xf32, #tpu.memory_space<vmem>>
        %gather3A_451 = tpu.vector_load_idx %gather3A_450[%add3A_142, %and3A_441] : memref<336x128xf32, #tpu.memory_space<vmem>>[vector<16xi32>, vector<16xi32>], vector<16xf32>,
        %mul3A_452 = arith.mulf %gather3A_446, %gather3A_451 : vector<16xf32>
        %add3A_453 = arith.addf %add3A_362, %mul3A_452 : vector<16xf32>
        %gather3A_454 = arith.constant 0 : i32
        %gather3A_455 = arith.constant 0 : i32
        %gather3A_456 = tpu.memref_slice %arg8[%and3A_92, %gather3A_454, %gather3A_455] : memref<2x336x128xf32, #tpu.memory_space<vmem>> -> memref<1x336x128xf32, #tpu.memory_space<vmem>>
        %gather3A_457 = tpu.memref_squeeze %gather3A_456 : memref<1x336x128xf32, #tpu.memory_space<vmem>> -> memref<336x128xf32, #tpu.memory_space<vmem>>
        %gather3A_458 = tpu.vector_load_idx %gather3A_457[%add3A_145, %and3A_441] : memref<336x128xf32, #tpu.memory_space<vmem>>[vector<16xi32>, vector<16xi32>], vector<16xf32>,
        %mul3A_459 = arith.mulf %gather3A_446, %gather3A_458 : vector<16xf32>
        %add3A_460 = arith.addf %add3A_369, %mul3A_459 : vector<16xf32>
        %gather3A_461 = arith.constant 0 : i32
        %gather3A_462 = arith.constant 0 : i32
        %gather3A_463 = tpu.memref_slice %arg8[%and3A_92, %gather3A_461, %gather3A_462] : memref<2x336x128xf32, #tpu.memory_space<vmem>> -> memref<1x336x128xf32, #tpu.memory_space<vmem>>
        %gather3A_464 = tpu.memref_squeeze %gather3A_463 : memref<1x336x128xf32, #tpu.memory_space<vmem>> -> memref<336x128xf32, #tpu.memory_space<vmem>>
        %gather3A_465 = tpu.vector_load_idx %gather3A_464[%add3A_148, %and3A_441] : memref<336x128xf32, #tpu.memory_space<vmem>>[vector<16xi32>, vector<16xi32>], vector<16xf32>,
        %mul3A_466 = arith.mulf %gather3A_446, %gather3A_465 : vector<16xf32>
        %add3A_467 = arith.addf %add3A_376, %mul3A_466 : vector<16xf32>
        %gather3A_468 = arith.constant 0 : i32
        %gather3A_469 = arith.constant 0 : i32
        %gather3A_470 = tpu.memref_slice %arg8[%and3A_92, %gather3A_468, %gather3A_469] : memref<2x336x128xf32, #tpu.memory_space<vmem>> -> memref<1x336x128xf32, #tpu.memory_space<vmem>>
        %gather3A_471 = tpu.memref_squeeze %gather3A_470 : memref<1x336x128xf32, #tpu.memory_space<vmem>> -> memref<336x128xf32, #tpu.memory_space<vmem>>
        %gather3A_472 = tpu.vector_load_idx %gather3A_471[%add3A_151, %and3A_441] : memref<336x128xf32, #tpu.memory_space<vmem>>[vector<16xi32>, vector<16xi32>], vector<16xf32>,
        %mul3A_473 = arith.mulf %gather3A_446, %gather3A_472 : vector<16xf32>
        %add3A_474 = arith.addf %add3A_383, %mul3A_473 : vector<16xf32>
        %gather3A_475 = arith.constant 0 : i32
        %gather3A_476 = arith.constant 0 : i32
        %gather3A_477 = tpu.memref_slice %arg8[%and3A_92, %gather3A_475, %gather3A_476] : memref<2x336x128xf32, #tpu.memory_space<vmem>> -> memref<1x336x128xf32, #tpu.memory_space<vmem>>
        %gather3A_478 = tpu.memref_squeeze %gather3A_477 : memref<1x336x128xf32, #tpu.memory_space<vmem>> -> memref<336x128xf32, #tpu.memory_space<vmem>>
        %gather3A_479 = tpu.vector_load_idx %gather3A_478[%add3A_154, %and3A_441] : memref<336x128xf32, #tpu.memory_space<vmem>>[vector<16xi32>, vector<16xi32>], vector<16xf32>,
        %mul3A_480 = arith.mulf %gather3A_446, %gather3A_479 : vector<16xf32>
        %add3A_481 = arith.addf %add3A_390, %mul3A_480 : vector<16xf32>
        %gather3A_482 = arith.constant 0 : i32
        %gather3A_483 = arith.constant 0 : i32
        %gather3A_484 = tpu.memref_slice %arg8[%and3A_92, %gather3A_482, %gather3A_483] : memref<2x336x128xf32, #tpu.memory_space<vmem>> -> memref<1x336x128xf32, #tpu.memory_space<vmem>>
        %gather3A_485 = tpu.memref_squeeze %gather3A_484 : memref<1x336x128xf32, #tpu.memory_space<vmem>> -> memref<336x128xf32, #tpu.memory_space<vmem>>
        %gather3A_486 = tpu.vector_load_idx %gather3A_485[%add3A_157, %and3A_441] : memref<336x128xf32, #tpu.memory_space<vmem>>[vector<16xi32>, vector<16xi32>], vector<16xf32>,
        %mul3A_487 = arith.mulf %gather3A_446, %gather3A_486 : vector<16xf32>
        %add3A_488 = arith.addf %add3A_397, %mul3A_487 : vector<16xf32>
        %gather3A_489 = arith.constant 0 : i32
        %gather3A_490 = arith.constant 0 : i32
        %gather3A_491 = tpu.memref_slice %arg8[%and3A_92, %gather3A_489, %gather3A_490] : memref<2x336x128xf32, #tpu.memory_space<vmem>> -> memref<1x336x128xf32, #tpu.memory_space<vmem>>
        %gather3A_492 = tpu.memref_squeeze %gather3A_491 : memref<1x336x128xf32, #tpu.memory_space<vmem>> -> memref<336x128xf32, #tpu.memory_space<vmem>>
        %gather3A_493 = tpu.vector_load_idx %gather3A_492[%add3A_160, %and3A_441] : memref<336x128xf32, #tpu.memory_space<vmem>>[vector<16xi32>, vector<16xi32>], vector<16xf32>,
        %mul3A_494 = arith.mulf %gather3A_446, %gather3A_493 : vector<16xf32>
        %add3A_495 = arith.addf %add3A_404, %mul3A_494 : vector<16xf32>
        %gather3A_496 = arith.constant 0 : i32
        %gather3A_497 = arith.constant 0 : i32
        %gather3A_498 = tpu.memref_slice %arg8[%and3A_92, %gather3A_496, %gather3A_497] : memref<2x336x128xf32, #tpu.memory_space<vmem>> -> memref<1x336x128xf32, #tpu.memory_space<vmem>>
        %gather3A_499 = tpu.memref_squeeze %gather3A_498 : memref<1x336x128xf32, #tpu.memory_space<vmem>> -> memref<336x128xf32, #tpu.memory_space<vmem>>
        %gather3A_500 = tpu.vector_load_idx %gather3A_499[%add3A_163, %and3A_441] : memref<336x128xf32, #tpu.memory_space<vmem>>[vector<16xi32>, vector<16xi32>], vector<16xf32>,
        %mul3A_501 = arith.mulf %gather3A_446, %gather3A_500 : vector<16xf32>
        %add3A_502 = arith.addf %add3A_411, %mul3A_501 : vector<16xf32>
        %gather3A_503 = arith.constant 0 : i32
        %gather3A_504 = arith.constant 0 : i32
        %gather3A_505 = tpu.memref_slice %arg8[%and3A_92, %gather3A_503, %gather3A_504] : memref<2x336x128xf32, #tpu.memory_space<vmem>> -> memref<1x336x128xf32, #tpu.memory_space<vmem>>
        %gather3A_506 = tpu.memref_squeeze %gather3A_505 : memref<1x336x128xf32, #tpu.memory_space<vmem>> -> memref<336x128xf32, #tpu.memory_space<vmem>>
        %gather3A_507 = tpu.vector_load_idx %gather3A_506[%add3A_166, %and3A_441] : memref<336x128xf32, #tpu.memory_space<vmem>>[vector<16xi32>, vector<16xi32>], vector<16xf32>,
        %mul3A_508 = arith.mulf %gather3A_446, %gather3A_507 : vector<16xf32>
        %add3A_509 = arith.addf %add3A_418, %mul3A_508 : vector<16xf32>
        %gather3A_510 = arith.constant 0 : i32
        %gather3A_511 = arith.constant 0 : i32
        %gather3A_512 = tpu.memref_slice %arg8[%and3A_92, %gather3A_510, %gather3A_511] : memref<2x336x128xf32, #tpu.memory_space<vmem>> -> memref<1x336x128xf32, #tpu.memory_space<vmem>>
        %gather3A_513 = tpu.memref_squeeze %gather3A_512 : memref<1x336x128xf32, #tpu.memory_space<vmem>> -> memref<336x128xf32, #tpu.memory_space<vmem>>
        %gather3A_514 = tpu.vector_load_idx %gather3A_513[%add3A_169, %and3A_441] : memref<336x128xf32, #tpu.memory_space<vmem>>[vector<16xi32>, vector<16xi32>], vector<16xf32>,
        %mul3A_515 = arith.mulf %gather3A_446, %gather3A_514 : vector<16xf32>
        %add3A_516 = arith.addf %add3A_425, %mul3A_515 : vector<16xf32>
        %gather3A_517 = arith.constant 0 : i32
        %gather3A_518 = arith.constant 0 : i32
        %gather3A_519 = tpu.memref_slice %arg8[%and3A_92, %gather3A_517, %gather3A_518] : memref<2x336x128xf32, #tpu.memory_space<vmem>> -> memref<1x336x128xf32, #tpu.memory_space<vmem>>
        %gather3A_520 = tpu.memref_squeeze %gather3A_519 : memref<1x336x128xf32, #tpu.memory_space<vmem>> -> memref<336x128xf32, #tpu.memory_space<vmem>>
        %gather3A_521 = tpu.vector_load_idx %gather3A_520[%add3A_172, %and3A_441] : memref<336x128xf32, #tpu.memory_space<vmem>>[vector<16xi32>, vector<16xi32>], vector<16xf32>,
        %mul3A_522 = arith.mulf %gather3A_446, %gather3A_521 : vector<16xf32>
        %add3A_523 = arith.addf %add3A_432, %mul3A_522 : vector<16xf32>
        %mul3A_524 = arith.constant 4 : i32
        %mul3A_525 = arith.muli %scan3A_331, %mul3A_524 : i32
        %add3A_526 = arith.constant 2 : i32
        %add3A_527 = arith.addi %mul3A_525, %add3A_526 : i32
        %add3A_528 = vector.broadcast %add3A_527 : i32 to vector<16xi32>
        %add3A_529 = arith.addi %iota3A, %add3A_528 : vector<16xi32>
        %and3A_530 = arith.constant 63 : i32
        %and3A_531 = vector.broadcast %and3A_530 : i32 to vector<16xi32>
        %and3A_532 = arith.andi %add3A_529, %and3A_531 : vector<16xi32>
        %gather3A_533 = arith.constant 0 : i32
        %gather3A_534 = arith.constant 0 : i32
        %gather3A_535 = tpu.memref_slice %arg7[%and3A_92, %gather3A_533, %gather3A_534] : memref<2x16x128xf32, #tpu.memory_space<vmem>> -> memref<1x16x128xf32, #tpu.memory_space<vmem>>
        %gather3A_536 = tpu.memref_squeeze %gather3A_535 : memref<1x16x128xf32, #tpu.memory_space<vmem>> -> memref<16x128xf32, #tpu.memory_space<vmem>>
        %gather3A_537 = tpu.vector_load_idx %gather3A_536[%iota3A, %and3A_532] : memref<16x128xf32, #tpu.memory_space<vmem>>[vector<16xi32>, vector<16xi32>], vector<16xf32>,
        %gather3A_538 = arith.constant 0 : i32
        %gather3A_539 = arith.constant 0 : i32
        %gather3A_540 = tpu.memref_slice %arg8[%and3A_92, %gather3A_538, %gather3A_539] : memref<2x336x128xf32, #tpu.memory_space<vmem>> -> memref<1x336x128xf32, #tpu.memory_space<vmem>>
        %gather3A_541 = tpu.memref_squeeze %gather3A_540 : memref<1x336x128xf32, #tpu.memory_space<vmem>> -> memref<336x128xf32, #tpu.memory_space<vmem>>
        %gather3A_542 = tpu.vector_load_idx %gather3A_541[%add3A_142, %and3A_532] : memref<336x128xf32, #tpu.memory_space<vmem>>[vector<16xi32>, vector<16xi32>], vector<16xf32>,
        %mul3A_543 = arith.mulf %gather3A_537, %gather3A_542 : vector<16xf32>
        %add3A_544 = arith.addf %add3A_453, %mul3A_543 : vector<16xf32>
        %gather3A_545 = arith.constant 0 : i32
        %gather3A_546 = arith.constant 0 : i32
        %gather3A_547 = tpu.memref_slice %arg8[%and3A_92, %gather3A_545, %gather3A_546] : memref<2x336x128xf32, #tpu.memory_space<vmem>> -> memref<1x336x128xf32, #tpu.memory_space<vmem>>
        %gather3A_548 = tpu.memref_squeeze %gather3A_547 : memref<1x336x128xf32, #tpu.memory_space<vmem>> -> memref<336x128xf32, #tpu.memory_space<vmem>>
        %gather3A_549 = tpu.vector_load_idx %gather3A_548[%add3A_145, %and3A_532] : memref<336x128xf32, #tpu.memory_space<vmem>>[vector<16xi32>, vector<16xi32>], vector<16xf32>,
        %mul3A_550 = arith.mulf %gather3A_537, %gather3A_549 : vector<16xf32>
        %add3A_551 = arith.addf %add3A_460, %mul3A_550 : vector<16xf32>
        %gather3A_552 = arith.constant 0 : i32
        %gather3A_553 = arith.constant 0 : i32
        %gather3A_554 = tpu.memref_slice %arg8[%and3A_92, %gather3A_552, %gather3A_553] : memref<2x336x128xf32, #tpu.memory_space<vmem>> -> memref<1x336x128xf32, #tpu.memory_space<vmem>>
        %gather3A_555 = tpu.memref_squeeze %gather3A_554 : memref<1x336x128xf32, #tpu.memory_space<vmem>> -> memref<336x128xf32, #tpu.memory_space<vmem>>
        %gather3A_556 = tpu.vector_load_idx %gather3A_555[%add3A_148, %and3A_532] : memref<336x128xf32, #tpu.memory_space<vmem>>[vector<16xi32>, vector<16xi32>], vector<16xf32>,
        %mul3A_557 = arith.mulf %gather3A_537, %gather3A_556 : vector<16xf32>
        %add3A_558 = arith.addf %add3A_467, %mul3A_557 : vector<16xf32>
        %gather3A_559 = arith.constant 0 : i32
        %gather3A_560 = arith.constant 0 : i32
        %gather3A_561 = tpu.memref_slice %arg8[%and3A_92, %gather3A_559, %gather3A_560] : memref<2x336x128xf32, #tpu.memory_space<vmem>> -> memref<1x336x128xf32, #tpu.memory_space<vmem>>
        %gather3A_562 = tpu.memref_squeeze %gather3A_561 : memref<1x336x128xf32, #tpu.memory_space<vmem>> -> memref<336x128xf32, #tpu.memory_space<vmem>>
        %gather3A_563 = tpu.vector_load_idx %gather3A_562[%add3A_151, %and3A_532] : memref<336x128xf32, #tpu.memory_space<vmem>>[vector<16xi32>, vector<16xi32>], vector<16xf32>,
        %mul3A_564 = arith.mulf %gather3A_537, %gather3A_563 : vector<16xf32>
        %add3A_565 = arith.addf %add3A_474, %mul3A_564 : vector<16xf32>
        %gather3A_566 = arith.constant 0 : i32
        %gather3A_567 = arith.constant 0 : i32
        %gather3A_568 = tpu.memref_slice %arg8[%and3A_92, %gather3A_566, %gather3A_567] : memref<2x336x128xf32, #tpu.memory_space<vmem>> -> memref<1x336x128xf32, #tpu.memory_space<vmem>>
        %gather3A_569 = tpu.memref_squeeze %gather3A_568 : memref<1x336x128xf32, #tpu.memory_space<vmem>> -> memref<336x128xf32, #tpu.memory_space<vmem>>
        %gather3A_570 = tpu.vector_load_idx %gather3A_569[%add3A_154, %and3A_532] : memref<336x128xf32, #tpu.memory_space<vmem>>[vector<16xi32>, vector<16xi32>], vector<16xf32>,
        %mul3A_571 = arith.mulf %gather3A_537, %gather3A_570 : vector<16xf32>
        %add3A_572 = arith.addf %add3A_481, %mul3A_571 : vector<16xf32>
        %gather3A_573 = arith.constant 0 : i32
        %gather3A_574 = arith.constant 0 : i32
        %gather3A_575 = tpu.memref_slice %arg8[%and3A_92, %gather3A_573, %gather3A_574] : memref<2x336x128xf32, #tpu.memory_space<vmem>> -> memref<1x336x128xf32, #tpu.memory_space<vmem>>
        %gather3A_576 = tpu.memref_squeeze %gather3A_575 : memref<1x336x128xf32, #tpu.memory_space<vmem>> -> memref<336x128xf32, #tpu.memory_space<vmem>>
        %gather3A_577 = tpu.vector_load_idx %gather3A_576[%add3A_157, %and3A_532] : memref<336x128xf32, #tpu.memory_space<vmem>>[vector<16xi32>, vector<16xi32>], vector<16xf32>,
        %mul3A_578 = arith.mulf %gather3A_537, %gather3A_577 : vector<16xf32>
        %add3A_579 = arith.addf %add3A_488, %mul3A_578 : vector<16xf32>
        %gather3A_580 = arith.constant 0 : i32
        %gather3A_581 = arith.constant 0 : i32
        %gather3A_582 = tpu.memref_slice %arg8[%and3A_92, %gather3A_580, %gather3A_581] : memref<2x336x128xf32, #tpu.memory_space<vmem>> -> memref<1x336x128xf32, #tpu.memory_space<vmem>>
        %gather3A_583 = tpu.memref_squeeze %gather3A_582 : memref<1x336x128xf32, #tpu.memory_space<vmem>> -> memref<336x128xf32, #tpu.memory_space<vmem>>
        %gather3A_584 = tpu.vector_load_idx %gather3A_583[%add3A_160, %and3A_532] : memref<336x128xf32, #tpu.memory_space<vmem>>[vector<16xi32>, vector<16xi32>], vector<16xf32>,
        %mul3A_585 = arith.mulf %gather3A_537, %gather3A_584 : vector<16xf32>
        %add3A_586 = arith.addf %add3A_495, %mul3A_585 : vector<16xf32>
        %gather3A_587 = arith.constant 0 : i32
        %gather3A_588 = arith.constant 0 : i32
        %gather3A_589 = tpu.memref_slice %arg8[%and3A_92, %gather3A_587, %gather3A_588] : memref<2x336x128xf32, #tpu.memory_space<vmem>> -> memref<1x336x128xf32, #tpu.memory_space<vmem>>
        %gather3A_590 = tpu.memref_squeeze %gather3A_589 : memref<1x336x128xf32, #tpu.memory_space<vmem>> -> memref<336x128xf32, #tpu.memory_space<vmem>>
        %gather3A_591 = tpu.vector_load_idx %gather3A_590[%add3A_163, %and3A_532] : memref<336x128xf32, #tpu.memory_space<vmem>>[vector<16xi32>, vector<16xi32>], vector<16xf32>,
        %mul3A_592 = arith.mulf %gather3A_537, %gather3A_591 : vector<16xf32>
        %add3A_593 = arith.addf %add3A_502, %mul3A_592 : vector<16xf32>
        %gather3A_594 = arith.constant 0 : i32
        %gather3A_595 = arith.constant 0 : i32
        %gather3A_596 = tpu.memref_slice %arg8[%and3A_92, %gather3A_594, %gather3A_595] : memref<2x336x128xf32, #tpu.memory_space<vmem>> -> memref<1x336x128xf32, #tpu.memory_space<vmem>>
        %gather3A_597 = tpu.memref_squeeze %gather3A_596 : memref<1x336x128xf32, #tpu.memory_space<vmem>> -> memref<336x128xf32, #tpu.memory_space<vmem>>
        %gather3A_598 = tpu.vector_load_idx %gather3A_597[%add3A_166, %and3A_532] : memref<336x128xf32, #tpu.memory_space<vmem>>[vector<16xi32>, vector<16xi32>], vector<16xf32>,
        %mul3A_599 = arith.mulf %gather3A_537, %gather3A_598 : vector<16xf32>
        %add3A_600 = arith.addf %add3A_509, %mul3A_599 : vector<16xf32>
        %gather3A_601 = arith.constant 0 : i32
        %gather3A_602 = arith.constant 0 : i32
        %gather3A_603 = tpu.memref_slice %arg8[%and3A_92, %gather3A_601, %gather3A_602] : memref<2x336x128xf32, #tpu.memory_space<vmem>> -> memref<1x336x128xf32, #tpu.memory_space<vmem>>
        %gather3A_604 = tpu.memref_squeeze %gather3A_603 : memref<1x336x128xf32, #tpu.memory_space<vmem>> -> memref<336x128xf32, #tpu.memory_space<vmem>>
        %gather3A_605 = tpu.vector_load_idx %gather3A_604[%add3A_169, %and3A_532] : memref<336x128xf32, #tpu.memory_space<vmem>>[vector<16xi32>, vector<16xi32>], vector<16xf32>,
        %mul3A_606 = arith.mulf %gather3A_537, %gather3A_605 : vector<16xf32>
        %add3A_607 = arith.addf %add3A_516, %mul3A_606 : vector<16xf32>
        %gather3A_608 = arith.constant 0 : i32
        %gather3A_609 = arith.constant 0 : i32
        %gather3A_610 = tpu.memref_slice %arg8[%and3A_92, %gather3A_608, %gather3A_609] : memref<2x336x128xf32, #tpu.memory_space<vmem>> -> memref<1x336x128xf32, #tpu.memory_space<vmem>>
        %gather3A_611 = tpu.memref_squeeze %gather3A_610 : memref<1x336x128xf32, #tpu.memory_space<vmem>> -> memref<336x128xf32, #tpu.memory_space<vmem>>
        %gather3A_612 = tpu.vector_load_idx %gather3A_611[%add3A_172, %and3A_532] : memref<336x128xf32, #tpu.memory_space<vmem>>[vector<16xi32>, vector<16xi32>], vector<16xf32>,
        %mul3A_613 = arith.mulf %gather3A_537, %gather3A_612 : vector<16xf32>
        %add3A_614 = arith.addf %add3A_523, %mul3A_613 : vector<16xf32>
        %mul3A_615 = arith.constant 4 : i32
        %mul3A_616 = arith.muli %scan3A_331, %mul3A_615 : i32
        %add3A_617 = arith.constant 3 : i32
        %add3A_618 = arith.addi %mul3A_616, %add3A_617 : i32
        %add3A_619 = vector.broadcast %add3A_618 : i32 to vector<16xi32>
        %add3A_620 = arith.addi %iota3A, %add3A_619 : vector<16xi32>
        %and3A_621 = arith.constant 63 : i32
        %and3A_622 = vector.broadcast %and3A_621 : i32 to vector<16xi32>
        %and3A_623 = arith.andi %add3A_620, %and3A_622 : vector<16xi32>
        %gather3A_624 = arith.constant 0 : i32
        %gather3A_625 = arith.constant 0 : i32
        %gather3A_626 = tpu.memref_slice %arg7[%and3A_92, %gather3A_624, %gather3A_625] : memref<2x16x128xf32, #tpu.memory_space<vmem>> -> memref<1x16x128xf32, #tpu.memory_space<vmem>>
        %gather3A_627 = tpu.memref_squeeze %gather3A_626 : memref<1x16x128xf32, #tpu.memory_space<vmem>> -> memref<16x128xf32, #tpu.memory_space<vmem>>
        %gather3A_628 = tpu.vector_load_idx %gather3A_627[%iota3A, %and3A_623] : memref<16x128xf32, #tpu.memory_space<vmem>>[vector<16xi32>, vector<16xi32>], vector<16xf32>,
        %gather3A_629 = arith.constant 0 : i32
        %gather3A_630 = arith.constant 0 : i32
        %gather3A_631 = tpu.memref_slice %arg8[%and3A_92, %gather3A_629, %gather3A_630] : memref<2x336x128xf32, #tpu.memory_space<vmem>> -> memref<1x336x128xf32, #tpu.memory_space<vmem>>
        %gather3A_632 = tpu.memref_squeeze %gather3A_631 : memref<1x336x128xf32, #tpu.memory_space<vmem>> -> memref<336x128xf32, #tpu.memory_space<vmem>>
        %gather3A_633 = tpu.vector_load_idx %gather3A_632[%add3A_142, %and3A_623] : memref<336x128xf32, #tpu.memory_space<vmem>>[vector<16xi32>, vector<16xi32>], vector<16xf32>,
        %mul3A_634 = arith.mulf %gather3A_628, %gather3A_633 : vector<16xf32>
        %add3A_635 = arith.addf %add3A_544, %mul3A_634 : vector<16xf32>
        %gather3A_636 = arith.constant 0 : i32
        %gather3A_637 = arith.constant 0 : i32
        %gather3A_638 = tpu.memref_slice %arg8[%and3A_92, %gather3A_636, %gather3A_637] : memref<2x336x128xf32, #tpu.memory_space<vmem>> -> memref<1x336x128xf32, #tpu.memory_space<vmem>>
        %gather3A_639 = tpu.memref_squeeze %gather3A_638 : memref<1x336x128xf32, #tpu.memory_space<vmem>> -> memref<336x128xf32, #tpu.memory_space<vmem>>
        %gather3A_640 = tpu.vector_load_idx %gather3A_639[%add3A_145, %and3A_623] : memref<336x128xf32, #tpu.memory_space<vmem>>[vector<16xi32>, vector<16xi32>], vector<16xf32>,
        %mul3A_641 = arith.mulf %gather3A_628, %gather3A_640 : vector<16xf32>
        %add3A_642 = arith.addf %add3A_551, %mul3A_641 : vector<16xf32>
        %gather3A_643 = arith.constant 0 : i32
        %gather3A_644 = arith.constant 0 : i32
        %gather3A_645 = tpu.memref_slice %arg8[%and3A_92, %gather3A_643, %gather3A_644] : memref<2x336x128xf32, #tpu.memory_space<vmem>> -> memref<1x336x128xf32, #tpu.memory_space<vmem>>
        %gather3A_646 = tpu.memref_squeeze %gather3A_645 : memref<1x336x128xf32, #tpu.memory_space<vmem>> -> memref<336x128xf32, #tpu.memory_space<vmem>>
        %gather3A_647 = tpu.vector_load_idx %gather3A_646[%add3A_148, %and3A_623] : memref<336x128xf32, #tpu.memory_space<vmem>>[vector<16xi32>, vector<16xi32>], vector<16xf32>,
        %mul3A_648 = arith.mulf %gather3A_628, %gather3A_647 : vector<16xf32>
        %add3A_649 = arith.addf %add3A_558, %mul3A_648 : vector<16xf32>
        %gather3A_650 = arith.constant 0 : i32
        %gather3A_651 = arith.constant 0 : i32
        %gather3A_652 = tpu.memref_slice %arg8[%and3A_92, %gather3A_650, %gather3A_651] : memref<2x336x128xf32, #tpu.memory_space<vmem>> -> memref<1x336x128xf32, #tpu.memory_space<vmem>>
        %gather3A_653 = tpu.memref_squeeze %gather3A_652 : memref<1x336x128xf32, #tpu.memory_space<vmem>> -> memref<336x128xf32, #tpu.memory_space<vmem>>
        %gather3A_654 = tpu.vector_load_idx %gather3A_653[%add3A_151, %and3A_623] : memref<336x128xf32, #tpu.memory_space<vmem>>[vector<16xi32>, vector<16xi32>], vector<16xf32>,
        %mul3A_655 = arith.mulf %gather3A_628, %gather3A_654 : vector<16xf32>
        %add3A_656 = arith.addf %add3A_565, %mul3A_655 : vector<16xf32>
        %gather3A_657 = arith.constant 0 : i32
        %gather3A_658 = arith.constant 0 : i32
        %gather3A_659 = tpu.memref_slice %arg8[%and3A_92, %gather3A_657, %gather3A_658] : memref<2x336x128xf32, #tpu.memory_space<vmem>> -> memref<1x336x128xf32, #tpu.memory_space<vmem>>
        %gather3A_660 = tpu.memref_squeeze %gather3A_659 : memref<1x336x128xf32, #tpu.memory_space<vmem>> -> memref<336x128xf32, #tpu.memory_space<vmem>>
        %gather3A_661 = tpu.vector_load_idx %gather3A_660[%add3A_154, %and3A_623] : memref<336x128xf32, #tpu.memory_space<vmem>>[vector<16xi32>, vector<16xi32>], vector<16xf32>,
        %mul3A_662 = arith.mulf %gather3A_628, %gather3A_661 : vector<16xf32>
        %add3A_663 = arith.addf %add3A_572, %mul3A_662 : vector<16xf32>
        %gather3A_664 = arith.constant 0 : i32
        %gather3A_665 = arith.constant 0 : i32
        %gather3A_666 = tpu.memref_slice %arg8[%and3A_92, %gather3A_664, %gather3A_665] : memref<2x336x128xf32, #tpu.memory_space<vmem>> -> memref<1x336x128xf32, #tpu.memory_space<vmem>>
        %gather3A_667 = tpu.memref_squeeze %gather3A_666 : memref<1x336x128xf32, #tpu.memory_space<vmem>> -> memref<336x128xf32, #tpu.memory_space<vmem>>
        %gather3A_668 = tpu.vector_load_idx %gather3A_667[%add3A_157, %and3A_623] : memref<336x128xf32, #tpu.memory_space<vmem>>[vector<16xi32>, vector<16xi32>], vector<16xf32>,
        %mul3A_669 = arith.mulf %gather3A_628, %gather3A_668 : vector<16xf32>
        %add3A_670 = arith.addf %add3A_579, %mul3A_669 : vector<16xf32>
        %gather3A_671 = arith.constant 0 : i32
        %gather3A_672 = arith.constant 0 : i32
        %gather3A_673 = tpu.memref_slice %arg8[%and3A_92, %gather3A_671, %gather3A_672] : memref<2x336x128xf32, #tpu.memory_space<vmem>> -> memref<1x336x128xf32, #tpu.memory_space<vmem>>
        %gather3A_674 = tpu.memref_squeeze %gather3A_673 : memref<1x336x128xf32, #tpu.memory_space<vmem>> -> memref<336x128xf32, #tpu.memory_space<vmem>>
        %gather3A_675 = tpu.vector_load_idx %gather3A_674[%add3A_160, %and3A_623] : memref<336x128xf32, #tpu.memory_space<vmem>>[vector<16xi32>, vector<16xi32>], vector<16xf32>,
        %mul3A_676 = arith.mulf %gather3A_628, %gather3A_675 : vector<16xf32>
        %add3A_677 = arith.addf %add3A_586, %mul3A_676 : vector<16xf32>
        %gather3A_678 = arith.constant 0 : i32
        %gather3A_679 = arith.constant 0 : i32
        %gather3A_680 = tpu.memref_slice %arg8[%and3A_92, %gather3A_678, %gather3A_679] : memref<2x336x128xf32, #tpu.memory_space<vmem>> -> memref<1x336x128xf32, #tpu.memory_space<vmem>>
        %gather3A_681 = tpu.memref_squeeze %gather3A_680 : memref<1x336x128xf32, #tpu.memory_space<vmem>> -> memref<336x128xf32, #tpu.memory_space<vmem>>
        %gather3A_682 = tpu.vector_load_idx %gather3A_681[%add3A_163, %and3A_623] : memref<336x128xf32, #tpu.memory_space<vmem>>[vector<16xi32>, vector<16xi32>], vector<16xf32>,
        %mul3A_683 = arith.mulf %gather3A_628, %gather3A_682 : vector<16xf32>
        %add3A_684 = arith.addf %add3A_593, %mul3A_683 : vector<16xf32>
        %gather3A_685 = arith.constant 0 : i32
        %gather3A_686 = arith.constant 0 : i32
        %gather3A_687 = tpu.memref_slice %arg8[%and3A_92, %gather3A_685, %gather3A_686] : memref<2x336x128xf32, #tpu.memory_space<vmem>> -> memref<1x336x128xf32, #tpu.memory_space<vmem>>
        %gather3A_688 = tpu.memref_squeeze %gather3A_687 : memref<1x336x128xf32, #tpu.memory_space<vmem>> -> memref<336x128xf32, #tpu.memory_space<vmem>>
        %gather3A_689 = tpu.vector_load_idx %gather3A_688[%add3A_166, %and3A_623] : memref<336x128xf32, #tpu.memory_space<vmem>>[vector<16xi32>, vector<16xi32>], vector<16xf32>,
        %mul3A_690 = arith.mulf %gather3A_628, %gather3A_689 : vector<16xf32>
        %add3A_691 = arith.addf %add3A_600, %mul3A_690 : vector<16xf32>
        %gather3A_692 = arith.constant 0 : i32
        %gather3A_693 = arith.constant 0 : i32
        %gather3A_694 = tpu.memref_slice %arg8[%and3A_92, %gather3A_692, %gather3A_693] : memref<2x336x128xf32, #tpu.memory_space<vmem>> -> memref<1x336x128xf32, #tpu.memory_space<vmem>>
        %gather3A_695 = tpu.memref_squeeze %gather3A_694 : memref<1x336x128xf32, #tpu.memory_space<vmem>> -> memref<336x128xf32, #tpu.memory_space<vmem>>
        %gather3A_696 = tpu.vector_load_idx %gather3A_695[%add3A_169, %and3A_623] : memref<336x128xf32, #tpu.memory_space<vmem>>[vector<16xi32>, vector<16xi32>], vector<16xf32>,
        %mul3A_697 = arith.mulf %gather3A_628, %gather3A_696 : vector<16xf32>
        %add3A_698 = arith.addf %add3A_607, %mul3A_697 : vector<16xf32>
        %gather3A_699 = arith.constant 0 : i32
        %gather3A_700 = arith.constant 0 : i32
        %gather3A_701 = tpu.memref_slice %arg8[%and3A_92, %gather3A_699, %gather3A_700] : memref<2x336x128xf32, #tpu.memory_space<vmem>> -> memref<1x336x128xf32, #tpu.memory_space<vmem>>
        %gather3A_702 = tpu.memref_squeeze %gather3A_701 : memref<1x336x128xf32, #tpu.memory_space<vmem>> -> memref<336x128xf32, #tpu.memory_space<vmem>>
        %gather3A_703 = tpu.vector_load_idx %gather3A_702[%add3A_172, %and3A_623] : memref<336x128xf32, #tpu.memory_space<vmem>>[vector<16xi32>, vector<16xi32>], vector<16xf32>,
        %mul3A_704 = arith.mulf %gather3A_628, %gather3A_703 : vector<16xf32>
        %add3A_705 = arith.addf %add3A_614, %mul3A_704 : vector<16xf32>
        scf.yield %add3A_635, %add3A_642, %add3A_649, %add3A_656, %add3A_663, %add3A_670, %add3A_677, %add3A_684, %add3A_691, %add3A_698, %add3A_705 : vector<16xf32>, vector<16xf32>, vector<16xf32>, vector<16xf32>, vector<16xf32>, vector<16xf32>, vector<16xf32>, vector<16xf32>, vector<16xf32>, vector<16xf32>, vector<16xf32>
      }
      %scan3A_199 = arith.constant 16 : i32
      %swap3A = arith.index_cast %and3A_92 : i32 to index
      %swap3A_200 = arith.constant 0 : index
      %swap3A_201 = tpu.vector_load %arg9[%swap3A, %swap3A_200] {strides = array<i32>} : memref<2x336xf32, #tpu.memory_space<vmem>>, vector<16xf32>,
      tpu.vector_store %arg9[%swap3A, %swap3A_200], %scan3A_198#0 {strides = array<i32>} : memref<2x336xf32, #tpu.memory_space<vmem>>, vector<16xf32>,
      %swap3A_202 = arith.index_cast %and3A_92 : i32 to index
      %swap3A_203 = arith.constant 16 : index
      %swap3A_204 = tpu.vector_load %arg9[%swap3A_202, %swap3A_203] {strides = array<i32>} : memref<2x336xf32, #tpu.memory_space<vmem>>, vector<16xf32>,
      tpu.vector_store %arg9[%swap3A_202, %swap3A_203], %scan3A_198#1 {strides = array<i32>} : memref<2x336xf32, #tpu.memory_space<vmem>>, vector<16xf32>,
      %swap3A_205 = arith.index_cast %and3A_92 : i32 to index
      %swap3A_206 = arith.constant 32 : index
      %swap3A_207 = tpu.vector_load %arg9[%swap3A_205, %swap3A_206] {strides = array<i32>} : memref<2x336xf32, #tpu.memory_space<vmem>>, vector<16xf32>,
      tpu.vector_store %arg9[%swap3A_205, %swap3A_206], %scan3A_198#2 {strides = array<i32>} : memref<2x336xf32, #tpu.memory_space<vmem>>, vector<16xf32>,
      %swap3A_208 = arith.index_cast %and3A_92 : i32 to index
      %swap3A_209 = arith.constant 48 : index
      %swap3A_210 = tpu.vector_load %arg9[%swap3A_208, %swap3A_209] {strides = array<i32>} : memref<2x336xf32, #tpu.memory_space<vmem>>, vector<16xf32>,
      tpu.vector_store %arg9[%swap3A_208, %swap3A_209], %scan3A_198#3 {strides = array<i32>} : memref<2x336xf32, #tpu.memory_space<vmem>>, vector<16xf32>,
      %swap3A_211 = arith.index_cast %and3A_92 : i32 to index
      %swap3A_212 = arith.constant 64 : index
      %swap3A_213 = tpu.vector_load %arg9[%swap3A_211, %swap3A_212] {strides = array<i32>} : memref<2x336xf32, #tpu.memory_space<vmem>>, vector<16xf32>,
      tpu.vector_store %arg9[%swap3A_211, %swap3A_212], %scan3A_198#4 {strides = array<i32>} : memref<2x336xf32, #tpu.memory_space<vmem>>, vector<16xf32>,
      %swap3A_214 = arith.index_cast %and3A_92 : i32 to index
      %swap3A_215 = arith.constant 80 : index
      %swap3A_216 = tpu.vector_load %arg9[%swap3A_214, %swap3A_215] {strides = array<i32>} : memref<2x336xf32, #tpu.memory_space<vmem>>, vector<16xf32>,
      tpu.vector_store %arg9[%swap3A_214, %swap3A_215], %scan3A_198#5 {strides = array<i32>} : memref<2x336xf32, #tpu.memory_space<vmem>>, vector<16xf32>,
      %swap3A_217 = arith.index_cast %and3A_92 : i32 to index
      %swap3A_218 = arith.constant 96 : index
      %swap3A_219 = tpu.vector_load %arg9[%swap3A_217, %swap3A_218] {strides = array<i32>} : memref<2x336xf32, #tpu.memory_space<vmem>>, vector<16xf32>,
      tpu.vector_store %arg9[%swap3A_217, %swap3A_218], %scan3A_198#6 {strides = array<i32>} : memref<2x336xf32, #tpu.memory_space<vmem>>, vector<16xf32>,
      %swap3A_220 = arith.index_cast %and3A_92 : i32 to index
      %swap3A_221 = arith.constant 112 : index
      %swap3A_222 = tpu.vector_load %arg9[%swap3A_220, %swap3A_221] {strides = array<i32>} : memref<2x336xf32, #tpu.memory_space<vmem>>, vector<16xf32>,
      tpu.vector_store %arg9[%swap3A_220, %swap3A_221], %scan3A_198#7 {strides = array<i32>} : memref<2x336xf32, #tpu.memory_space<vmem>>, vector<16xf32>,
      %swap3A_223 = arith.index_cast %and3A_92 : i32 to index
      %swap3A_224 = arith.constant 128 : index
      %swap3A_225 = tpu.vector_load %arg9[%swap3A_223, %swap3A_224] {strides = array<i32>} : memref<2x336xf32, #tpu.memory_space<vmem>>, vector<16xf32>,
      tpu.vector_store %arg9[%swap3A_223, %swap3A_224], %scan3A_198#8 {strides = array<i32>} : memref<2x336xf32, #tpu.memory_space<vmem>>, vector<16xf32>,
      %swap3A_226 = arith.index_cast %and3A_92 : i32 to index
      %swap3A_227 = arith.constant 144 : index
      %swap3A_228 = tpu.vector_load %arg9[%swap3A_226, %swap3A_227] {strides = array<i32>} : memref<2x336xf32, #tpu.memory_space<vmem>>, vector<16xf32>,
      tpu.vector_store %arg9[%swap3A_226, %swap3A_227], %scan3A_198#9 {strides = array<i32>} : memref<2x336xf32, #tpu.memory_space<vmem>>, vector<16xf32>,
      %swap3A_229 = arith.index_cast %and3A_92 : i32 to index
      %swap3A_230 = arith.constant 160 : index
      %swap3A_231 = tpu.vector_load %arg9[%swap3A_229, %swap3A_230] {strides = array<i32>} : memref<2x336xf32, #tpu.memory_space<vmem>>, vector<16xf32>,
      tpu.vector_store %arg9[%swap3A_229, %swap3A_230], %scan3A_198#10 {strides = array<i32>} : memref<2x336xf32, #tpu.memory_space<vmem>>, vector<16xf32>,
      %add3A_232 = arith.constant 11 : i32
      %add3A_233 = vector.broadcast %add3A_232 : i32 to vector<16xi32>
      %add3A_234 = arith.addi %mul3A_139, %add3A_233 : vector<16xi32>
      %add3A_235 = arith.constant 12 : i32
      %add3A_236 = vector.broadcast %add3A_235 : i32 to vector<16xi32>
      %add3A_237 = arith.addi %mul3A_139, %add3A_236 : vector<16xi32>
      %add3A_238 = arith.constant 13 : i32
      %add3A_239 = vector.broadcast %add3A_238 : i32 to vector<16xi32>
      %add3A_240 = arith.addi %mul3A_139, %add3A_239 : vector<16xi32>
      %add3A_241 = arith.constant 14 : i32
      %add3A_242 = vector.broadcast %add3A_241 : i32 to vector<16xi32>
      %add3A_243 = arith.addi %mul3A_139, %add3A_242 : vector<16xi32>
      %add3A_244 = arith.constant 15 : i32
      %add3A_245 = vector.broadcast %add3A_244 : i32 to vector<16xi32>
      %add3A_246 = arith.addi %mul3A_139, %add3A_245 : vector<16xi32>
      %add3A_247 = arith.constant 16 : i32
      %add3A_248 = vector.broadcast %add3A_247 : i32 to vector<16xi32>
      %add3A_249 = arith.addi %mul3A_139, %add3A_248 : vector<16xi32>
      %add3A_250 = arith.constant 17 : i32
      %add3A_251 = vector.broadcast %add3A_250 : i32 to vector<16xi32>
      %add3A_252 = arith.addi %mul3A_139, %add3A_251 : vector<16xi32>
      %add3A_253 = arith.constant 18 : i32
      %add3A_254 = vector.broadcast %add3A_253 : i32 to vector<16xi32>
      %add3A_255 = arith.addi %mul3A_139, %add3A_254 : vector<16xi32>
      %add3A_256 = arith.constant 19 : i32
      %add3A_257 = vector.broadcast %add3A_256 : i32 to vector<16xi32>
      %add3A_258 = arith.addi %mul3A_139, %add3A_257 : vector<16xi32>
      %add3A_259 = arith.constant 20 : i32
      %add3A_260 = vector.broadcast %add3A_259 : i32 to vector<16xi32>
      %add3A_261 = arith.addi %mul3A_139, %add3A_260 : vector<16xi32>
      %broadcast_in_dim3A_262 = arith.constant 0.000000e+00 : f32
      %broadcast_in_dim3A_263 = vector.broadcast %broadcast_in_dim3A_262 : f32 to vector<16xf32>
      %broadcast_in_dim3A_264 = arith.constant 0.000000e+00 : f32
      %broadcast_in_dim3A_265 = vector.broadcast %broadcast_in_dim3A_264 : f32 to vector<16xf32>
      %broadcast_in_dim3A_266 = arith.constant 0.000000e+00 : f32
      %broadcast_in_dim3A_267 = vector.broadcast %broadcast_in_dim3A_266 : f32 to vector<16xf32>
      %broadcast_in_dim3A_268 = arith.constant 0.000000e+00 : f32
      %broadcast_in_dim3A_269 = vector.broadcast %broadcast_in_dim3A_268 : f32 to vector<16xf32>
      %broadcast_in_dim3A_270 = arith.constant 0.000000e+00 : f32
      %broadcast_in_dim3A_271 = vector.broadcast %broadcast_in_dim3A_270 : f32 to vector<16xf32>
      %broadcast_in_dim3A_272 = arith.constant 0.000000e+00 : f32
      %broadcast_in_dim3A_273 = vector.broadcast %broadcast_in_dim3A_272 : f32 to vector<16xf32>
      %broadcast_in_dim3A_274 = arith.constant 0.000000e+00 : f32
      %broadcast_in_dim3A_275 = vector.broadcast %broadcast_in_dim3A_274 : f32 to vector<16xf32>
      %broadcast_in_dim3A_276 = arith.constant 0.000000e+00 : f32
      %broadcast_in_dim3A_277 = vector.broadcast %broadcast_in_dim3A_276 : f32 to vector<16xf32>
      %broadcast_in_dim3A_278 = arith.constant 0.000000e+00 : f32
      %broadcast_in_dim3A_279 = vector.broadcast %broadcast_in_dim3A_278 : f32 to vector<16xf32>
      %broadcast_in_dim3A_280 = arith.constant 0.000000e+00 : f32
      %broadcast_in_dim3A_281 = vector.broadcast %broadcast_in_dim3A_280 : f32 to vector<16xf32>
      %scan3A_282 = arith.constant 0 : i32
      %scan3A_283 = arith.constant 16 : i32
      %scan3A_284 = arith.addi %scan3A_282, %scan3A_283 : i32
      %scan3A_285 = arith.constant 1 : i32
      %scan3A_286:10 = scf.for %scan3A_331 = %scan3A_282 to %scan3A_284 step %scan3A_285 iter_args(%scan3A_332 = %broadcast_in_dim3A_263, %scan3A_333 = %broadcast_in_dim3A_265, %scan3A_334 = %broadcast_in_dim3A_267, %scan3A_335 = %broadcast_in_dim3A_269, %scan3A_336 = %broadcast_in_dim3A_271, %scan3A_337 = %broadcast_in_dim3A_273, %scan3A_338 = %broadcast_in_dim3A_275, %scan3A_339 = %broadcast_in_dim3A_277, %scan3A_340 = %broadcast_in_dim3A_279, %scan3A_341 = %broadcast_in_dim3A_281) -> (vector<16xf32>, vector<16xf32>, vector<16xf32>, vector<16xf32>, vector<16xf32>, vector<16xf32>, vector<16xf32>, vector<16xf32>, vector<16xf32>, vector<16xf32>)  : i32 {
        %mul3A_342 = arith.constant 4 : i32
        %mul3A_343 = arith.muli %scan3A_331, %mul3A_342 : i32
        %add3A_344 = arith.constant 0 : i32
        %add3A_345 = arith.addi %mul3A_343, %add3A_344 : i32
        %add3A_346 = vector.broadcast %add3A_345 : i32 to vector<16xi32>
        %add3A_347 = arith.addi %iota3A, %add3A_346 : vector<16xi32>
        %and3A_348 = arith.constant 63 : i32
        %and3A_349 = vector.broadcast %and3A_348 : i32 to vector<16xi32>
        %and3A_350 = arith.andi %add3A_347, %and3A_349 : vector<16xi32>
        %gather3A = arith.constant 0 : i32
        %gather3A_351 = arith.constant 0 : i32
        %gather3A_352 = tpu.memref_slice %arg7[%and3A_92, %gather3A, %gather3A_351] : memref<2x16x128xf32, #tpu.memory_space<vmem>> -> memref<1x16x128xf32, #tpu.memory_space<vmem>>
        %gather3A_353 = tpu.memref_squeeze %gather3A_352 : memref<1x16x128xf32, #tpu.memory_space<vmem>> -> memref<16x128xf32, #tpu.memory_space<vmem>>
        %gather3A_354 = tpu.vector_load_idx %gather3A_353[%iota3A, %and3A_350] : memref<16x128xf32, #tpu.memory_space<vmem>>[vector<16xi32>, vector<16xi32>], vector<16xf32>,
        %gather3A_355 = arith.constant 0 : i32
        %gather3A_356 = arith.constant 0 : i32
        %gather3A_357 = tpu.memref_slice %arg8[%and3A_92, %gather3A_355, %gather3A_356] : memref<2x336x128xf32, #tpu.memory_space<vmem>> -> memref<1x336x128xf32, #tpu.memory_space<vmem>>
        %gather3A_358 = tpu.memref_squeeze %gather3A_357 : memref<1x336x128xf32, #tpu.memory_space<vmem>> -> memref<336x128xf32, #tpu.memory_space<vmem>>
        %gather3A_359 = tpu.vector_load_idx %gather3A_358[%add3A_234, %and3A_350] : memref<336x128xf32, #tpu.memory_space<vmem>>[vector<16xi32>, vector<16xi32>], vector<16xf32>,
        %mul3A_360 = arith.mulf %gather3A_354, %gather3A_359 : vector<16xf32>
        %add3A_361 = arith.addf %scan3A_332, %mul3A_360 : vector<16xf32>
        %gather3A_362 = arith.constant 0 : i32
        %gather3A_363 = arith.constant 0 : i32
        %gather3A_364 = tpu.memref_slice %arg8[%and3A_92, %gather3A_362, %gather3A_363] : memref<2x336x128xf32, #tpu.memory_space<vmem>> -> memref<1x336x128xf32, #tpu.memory_space<vmem>>
        %gather3A_365 = tpu.memref_squeeze %gather3A_364 : memref<1x336x128xf32, #tpu.memory_space<vmem>> -> memref<336x128xf32, #tpu.memory_space<vmem>>
        %gather3A_366 = tpu.vector_load_idx %gather3A_365[%add3A_237, %and3A_350] : memref<336x128xf32, #tpu.memory_space<vmem>>[vector<16xi32>, vector<16xi32>], vector<16xf32>,
        %mul3A_367 = arith.mulf %gather3A_354, %gather3A_366 : vector<16xf32>
        %add3A_368 = arith.addf %scan3A_333, %mul3A_367 : vector<16xf32>
        %gather3A_369 = arith.constant 0 : i32
        %gather3A_370 = arith.constant 0 : i32
        %gather3A_371 = tpu.memref_slice %arg8[%and3A_92, %gather3A_369, %gather3A_370] : memref<2x336x128xf32, #tpu.memory_space<vmem>> -> memref<1x336x128xf32, #tpu.memory_space<vmem>>
        %gather3A_372 = tpu.memref_squeeze %gather3A_371 : memref<1x336x128xf32, #tpu.memory_space<vmem>> -> memref<336x128xf32, #tpu.memory_space<vmem>>
        %gather3A_373 = tpu.vector_load_idx %gather3A_372[%add3A_240, %and3A_350] : memref<336x128xf32, #tpu.memory_space<vmem>>[vector<16xi32>, vector<16xi32>], vector<16xf32>,
        %mul3A_374 = arith.mulf %gather3A_354, %gather3A_373 : vector<16xf32>
        %add3A_375 = arith.addf %scan3A_334, %mul3A_374 : vector<16xf32>
        %gather3A_376 = arith.constant 0 : i32
        %gather3A_377 = arith.constant 0 : i32
        %gather3A_378 = tpu.memref_slice %arg8[%and3A_92, %gather3A_376, %gather3A_377] : memref<2x336x128xf32, #tpu.memory_space<vmem>> -> memref<1x336x128xf32, #tpu.memory_space<vmem>>
        %gather3A_379 = tpu.memref_squeeze %gather3A_378 : memref<1x336x128xf32, #tpu.memory_space<vmem>> -> memref<336x128xf32, #tpu.memory_space<vmem>>
        %gather3A_380 = tpu.vector_load_idx %gather3A_379[%add3A_243, %and3A_350] : memref<336x128xf32, #tpu.memory_space<vmem>>[vector<16xi32>, vector<16xi32>], vector<16xf32>,
        %mul3A_381 = arith.mulf %gather3A_354, %gather3A_380 : vector<16xf32>
        %add3A_382 = arith.addf %scan3A_335, %mul3A_381 : vector<16xf32>
        %gather3A_383 = arith.constant 0 : i32
        %gather3A_384 = arith.constant 0 : i32
        %gather3A_385 = tpu.memref_slice %arg8[%and3A_92, %gather3A_383, %gather3A_384] : memref<2x336x128xf32, #tpu.memory_space<vmem>> -> memref<1x336x128xf32, #tpu.memory_space<vmem>>
        %gather3A_386 = tpu.memref_squeeze %gather3A_385 : memref<1x336x128xf32, #tpu.memory_space<vmem>> -> memref<336x128xf32, #tpu.memory_space<vmem>>
        %gather3A_387 = tpu.vector_load_idx %gather3A_386[%add3A_246, %and3A_350] : memref<336x128xf32, #tpu.memory_space<vmem>>[vector<16xi32>, vector<16xi32>], vector<16xf32>,
        %mul3A_388 = arith.mulf %gather3A_354, %gather3A_387 : vector<16xf32>
        %add3A_389 = arith.addf %scan3A_336, %mul3A_388 : vector<16xf32>
        %gather3A_390 = arith.constant 0 : i32
        %gather3A_391 = arith.constant 0 : i32
        %gather3A_392 = tpu.memref_slice %arg8[%and3A_92, %gather3A_390, %gather3A_391] : memref<2x336x128xf32, #tpu.memory_space<vmem>> -> memref<1x336x128xf32, #tpu.memory_space<vmem>>
        %gather3A_393 = tpu.memref_squeeze %gather3A_392 : memref<1x336x128xf32, #tpu.memory_space<vmem>> -> memref<336x128xf32, #tpu.memory_space<vmem>>
        %gather3A_394 = tpu.vector_load_idx %gather3A_393[%add3A_249, %and3A_350] : memref<336x128xf32, #tpu.memory_space<vmem>>[vector<16xi32>, vector<16xi32>], vector<16xf32>,
        %mul3A_395 = arith.mulf %gather3A_354, %gather3A_394 : vector<16xf32>
        %add3A_396 = arith.addf %scan3A_337, %mul3A_395 : vector<16xf32>
        %gather3A_397 = arith.constant 0 : i32
        %gather3A_398 = arith.constant 0 : i32
        %gather3A_399 = tpu.memref_slice %arg8[%and3A_92, %gather3A_397, %gather3A_398] : memref<2x336x128xf32, #tpu.memory_space<vmem>> -> memref<1x336x128xf32, #tpu.memory_space<vmem>>
        %gather3A_400 = tpu.memref_squeeze %gather3A_399 : memref<1x336x128xf32, #tpu.memory_space<vmem>> -> memref<336x128xf32, #tpu.memory_space<vmem>>
        %gather3A_401 = tpu.vector_load_idx %gather3A_400[%add3A_252, %and3A_350] : memref<336x128xf32, #tpu.memory_space<vmem>>[vector<16xi32>, vector<16xi32>], vector<16xf32>,
        %mul3A_402 = arith.mulf %gather3A_354, %gather3A_401 : vector<16xf32>
        %add3A_403 = arith.addf %scan3A_338, %mul3A_402 : vector<16xf32>
        %gather3A_404 = arith.constant 0 : i32
        %gather3A_405 = arith.constant 0 : i32
        %gather3A_406 = tpu.memref_slice %arg8[%and3A_92, %gather3A_404, %gather3A_405] : memref<2x336x128xf32, #tpu.memory_space<vmem>> -> memref<1x336x128xf32, #tpu.memory_space<vmem>>
        %gather3A_407 = tpu.memref_squeeze %gather3A_406 : memref<1x336x128xf32, #tpu.memory_space<vmem>> -> memref<336x128xf32, #tpu.memory_space<vmem>>
        %gather3A_408 = tpu.vector_load_idx %gather3A_407[%add3A_255, %and3A_350] : memref<336x128xf32, #tpu.memory_space<vmem>>[vector<16xi32>, vector<16xi32>], vector<16xf32>,
        %mul3A_409 = arith.mulf %gather3A_354, %gather3A_408 : vector<16xf32>
        %add3A_410 = arith.addf %scan3A_339, %mul3A_409 : vector<16xf32>
        %gather3A_411 = arith.constant 0 : i32
        %gather3A_412 = arith.constant 0 : i32
        %gather3A_413 = tpu.memref_slice %arg8[%and3A_92, %gather3A_411, %gather3A_412] : memref<2x336x128xf32, #tpu.memory_space<vmem>> -> memref<1x336x128xf32, #tpu.memory_space<vmem>>
        %gather3A_414 = tpu.memref_squeeze %gather3A_413 : memref<1x336x128xf32, #tpu.memory_space<vmem>> -> memref<336x128xf32, #tpu.memory_space<vmem>>
        %gather3A_415 = tpu.vector_load_idx %gather3A_414[%add3A_258, %and3A_350] : memref<336x128xf32, #tpu.memory_space<vmem>>[vector<16xi32>, vector<16xi32>], vector<16xf32>,
        %mul3A_416 = arith.mulf %gather3A_354, %gather3A_415 : vector<16xf32>
        %add3A_417 = arith.addf %scan3A_340, %mul3A_416 : vector<16xf32>
        %gather3A_418 = arith.constant 0 : i32
        %gather3A_419 = arith.constant 0 : i32
        %gather3A_420 = tpu.memref_slice %arg8[%and3A_92, %gather3A_418, %gather3A_419] : memref<2x336x128xf32, #tpu.memory_space<vmem>> -> memref<1x336x128xf32, #tpu.memory_space<vmem>>
        %gather3A_421 = tpu.memref_squeeze %gather3A_420 : memref<1x336x128xf32, #tpu.memory_space<vmem>> -> memref<336x128xf32, #tpu.memory_space<vmem>>
        %gather3A_422 = tpu.vector_load_idx %gather3A_421[%add3A_261, %and3A_350] : memref<336x128xf32, #tpu.memory_space<vmem>>[vector<16xi32>, vector<16xi32>], vector<16xf32>,
        %mul3A_423 = arith.mulf %gather3A_354, %gather3A_422 : vector<16xf32>
        %add3A_424 = arith.addf %scan3A_341, %mul3A_423 : vector<16xf32>
        %mul3A_425 = arith.constant 4 : i32
        %mul3A_426 = arith.muli %scan3A_331, %mul3A_425 : i32
        %add3A_427 = arith.constant 1 : i32
        %add3A_428 = arith.addi %mul3A_426, %add3A_427 : i32
        %add3A_429 = vector.broadcast %add3A_428 : i32 to vector<16xi32>
        %add3A_430 = arith.addi %iota3A, %add3A_429 : vector<16xi32>
        %and3A_431 = arith.constant 63 : i32
        %and3A_432 = vector.broadcast %and3A_431 : i32 to vector<16xi32>
        %and3A_433 = arith.andi %add3A_430, %and3A_432 : vector<16xi32>
        %gather3A_434 = arith.constant 0 : i32
        %gather3A_435 = arith.constant 0 : i32
        %gather3A_436 = tpu.memref_slice %arg7[%and3A_92, %gather3A_434, %gather3A_435] : memref<2x16x128xf32, #tpu.memory_space<vmem>> -> memref<1x16x128xf32, #tpu.memory_space<vmem>>
        %gather3A_437 = tpu.memref_squeeze %gather3A_436 : memref<1x16x128xf32, #tpu.memory_space<vmem>> -> memref<16x128xf32, #tpu.memory_space<vmem>>
        %gather3A_438 = tpu.vector_load_idx %gather3A_437[%iota3A, %and3A_433] : memref<16x128xf32, #tpu.memory_space<vmem>>[vector<16xi32>, vector<16xi32>], vector<16xf32>,
        %gather3A_439 = arith.constant 0 : i32
        %gather3A_440 = arith.constant 0 : i32
        %gather3A_441 = tpu.memref_slice %arg8[%and3A_92, %gather3A_439, %gather3A_440] : memref<2x336x128xf32, #tpu.memory_space<vmem>> -> memref<1x336x128xf32, #tpu.memory_space<vmem>>
        %gather3A_442 = tpu.memref_squeeze %gather3A_441 : memref<1x336x128xf32, #tpu.memory_space<vmem>> -> memref<336x128xf32, #tpu.memory_space<vmem>>
        %gather3A_443 = tpu.vector_load_idx %gather3A_442[%add3A_234, %and3A_433] : memref<336x128xf32, #tpu.memory_space<vmem>>[vector<16xi32>, vector<16xi32>], vector<16xf32>,
        %mul3A_444 = arith.mulf %gather3A_438, %gather3A_443 : vector<16xf32>
        %add3A_445 = arith.addf %add3A_361, %mul3A_444 : vector<16xf32>
        %gather3A_446 = arith.constant 0 : i32
        %gather3A_447 = arith.constant 0 : i32
        %gather3A_448 = tpu.memref_slice %arg8[%and3A_92, %gather3A_446, %gather3A_447] : memref<2x336x128xf32, #tpu.memory_space<vmem>> -> memref<1x336x128xf32, #tpu.memory_space<vmem>>
        %gather3A_449 = tpu.memref_squeeze %gather3A_448 : memref<1x336x128xf32, #tpu.memory_space<vmem>> -> memref<336x128xf32, #tpu.memory_space<vmem>>
        %gather3A_450 = tpu.vector_load_idx %gather3A_449[%add3A_237, %and3A_433] : memref<336x128xf32, #tpu.memory_space<vmem>>[vector<16xi32>, vector<16xi32>], vector<16xf32>,
        %mul3A_451 = arith.mulf %gather3A_438, %gather3A_450 : vector<16xf32>
        %add3A_452 = arith.addf %add3A_368, %mul3A_451 : vector<16xf32>
        %gather3A_453 = arith.constant 0 : i32
        %gather3A_454 = arith.constant 0 : i32
        %gather3A_455 = tpu.memref_slice %arg8[%and3A_92, %gather3A_453, %gather3A_454] : memref<2x336x128xf32, #tpu.memory_space<vmem>> -> memref<1x336x128xf32, #tpu.memory_space<vmem>>
        %gather3A_456 = tpu.memref_squeeze %gather3A_455 : memref<1x336x128xf32, #tpu.memory_space<vmem>> -> memref<336x128xf32, #tpu.memory_space<vmem>>
        %gather3A_457 = tpu.vector_load_idx %gather3A_456[%add3A_240, %and3A_433] : memref<336x128xf32, #tpu.memory_space<vmem>>[vector<16xi32>, vector<16xi32>], vector<16xf32>,
        %mul3A_458 = arith.mulf %gather3A_438, %gather3A_457 : vector<16xf32>
        %add3A_459 = arith.addf %add3A_375, %mul3A_458 : vector<16xf32>
        %gather3A_460 = arith.constant 0 : i32
        %gather3A_461 = arith.constant 0 : i32
        %gather3A_462 = tpu.memref_slice %arg8[%and3A_92, %gather3A_460, %gather3A_461] : memref<2x336x128xf32, #tpu.memory_space<vmem>> -> memref<1x336x128xf32, #tpu.memory_space<vmem>>
        %gather3A_463 = tpu.memref_squeeze %gather3A_462 : memref<1x336x128xf32, #tpu.memory_space<vmem>> -> memref<336x128xf32, #tpu.memory_space<vmem>>
        %gather3A_464 = tpu.vector_load_idx %gather3A_463[%add3A_243, %and3A_433] : memref<336x128xf32, #tpu.memory_space<vmem>>[vector<16xi32>, vector<16xi32>], vector<16xf32>,
        %mul3A_465 = arith.mulf %gather3A_438, %gather3A_464 : vector<16xf32>
        %add3A_466 = arith.addf %add3A_382, %mul3A_465 : vector<16xf32>
        %gather3A_467 = arith.constant 0 : i32
        %gather3A_468 = arith.constant 0 : i32
        %gather3A_469 = tpu.memref_slice %arg8[%and3A_92, %gather3A_467, %gather3A_468] : memref<2x336x128xf32, #tpu.memory_space<vmem>> -> memref<1x336x128xf32, #tpu.memory_space<vmem>>
        %gather3A_470 = tpu.memref_squeeze %gather3A_469 : memref<1x336x128xf32, #tpu.memory_space<vmem>> -> memref<336x128xf32, #tpu.memory_space<vmem>>
        %gather3A_471 = tpu.vector_load_idx %gather3A_470[%add3A_246, %and3A_433] : memref<336x128xf32, #tpu.memory_space<vmem>>[vector<16xi32>, vector<16xi32>], vector<16xf32>,
        %mul3A_472 = arith.mulf %gather3A_438, %gather3A_471 : vector<16xf32>
        %add3A_473 = arith.addf %add3A_389, %mul3A_472 : vector<16xf32>
        %gather3A_474 = arith.constant 0 : i32
        %gather3A_475 = arith.constant 0 : i32
        %gather3A_476 = tpu.memref_slice %arg8[%and3A_92, %gather3A_474, %gather3A_475] : memref<2x336x128xf32, #tpu.memory_space<vmem>> -> memref<1x336x128xf32, #tpu.memory_space<vmem>>
        %gather3A_477 = tpu.memref_squeeze %gather3A_476 : memref<1x336x128xf32, #tpu.memory_space<vmem>> -> memref<336x128xf32, #tpu.memory_space<vmem>>
        %gather3A_478 = tpu.vector_load_idx %gather3A_477[%add3A_249, %and3A_433] : memref<336x128xf32, #tpu.memory_space<vmem>>[vector<16xi32>, vector<16xi32>], vector<16xf32>,
        %mul3A_479 = arith.mulf %gather3A_438, %gather3A_478 : vector<16xf32>
        %add3A_480 = arith.addf %add3A_396, %mul3A_479 : vector<16xf32>
        %gather3A_481 = arith.constant 0 : i32
        %gather3A_482 = arith.constant 0 : i32
        %gather3A_483 = tpu.memref_slice %arg8[%and3A_92, %gather3A_481, %gather3A_482] : memref<2x336x128xf32, #tpu.memory_space<vmem>> -> memref<1x336x128xf32, #tpu.memory_space<vmem>>
        %gather3A_484 = tpu.memref_squeeze %gather3A_483 : memref<1x336x128xf32, #tpu.memory_space<vmem>> -> memref<336x128xf32, #tpu.memory_space<vmem>>
        %gather3A_485 = tpu.vector_load_idx %gather3A_484[%add3A_252, %and3A_433] : memref<336x128xf32, #tpu.memory_space<vmem>>[vector<16xi32>, vector<16xi32>], vector<16xf32>,
        %mul3A_486 = arith.mulf %gather3A_438, %gather3A_485 : vector<16xf32>
        %add3A_487 = arith.addf %add3A_403, %mul3A_486 : vector<16xf32>
        %gather3A_488 = arith.constant 0 : i32
        %gather3A_489 = arith.constant 0 : i32
        %gather3A_490 = tpu.memref_slice %arg8[%and3A_92, %gather3A_488, %gather3A_489] : memref<2x336x128xf32, #tpu.memory_space<vmem>> -> memref<1x336x128xf32, #tpu.memory_space<vmem>>
        %gather3A_491 = tpu.memref_squeeze %gather3A_490 : memref<1x336x128xf32, #tpu.memory_space<vmem>> -> memref<336x128xf32, #tpu.memory_space<vmem>>
        %gather3A_492 = tpu.vector_load_idx %gather3A_491[%add3A_255, %and3A_433] : memref<336x128xf32, #tpu.memory_space<vmem>>[vector<16xi32>, vector<16xi32>], vector<16xf32>,
        %mul3A_493 = arith.mulf %gather3A_438, %gather3A_492 : vector<16xf32>
        %add3A_494 = arith.addf %add3A_410, %mul3A_493 : vector<16xf32>
        %gather3A_495 = arith.constant 0 : i32
        %gather3A_496 = arith.constant 0 : i32
        %gather3A_497 = tpu.memref_slice %arg8[%and3A_92, %gather3A_495, %gather3A_496] : memref<2x336x128xf32, #tpu.memory_space<vmem>> -> memref<1x336x128xf32, #tpu.memory_space<vmem>>
        %gather3A_498 = tpu.memref_squeeze %gather3A_497 : memref<1x336x128xf32, #tpu.memory_space<vmem>> -> memref<336x128xf32, #tpu.memory_space<vmem>>
        %gather3A_499 = tpu.vector_load_idx %gather3A_498[%add3A_258, %and3A_433] : memref<336x128xf32, #tpu.memory_space<vmem>>[vector<16xi32>, vector<16xi32>], vector<16xf32>,
        %mul3A_500 = arith.mulf %gather3A_438, %gather3A_499 : vector<16xf32>
        %add3A_501 = arith.addf %add3A_417, %mul3A_500 : vector<16xf32>
        %gather3A_502 = arith.constant 0 : i32
        %gather3A_503 = arith.constant 0 : i32
        %gather3A_504 = tpu.memref_slice %arg8[%and3A_92, %gather3A_502, %gather3A_503] : memref<2x336x128xf32, #tpu.memory_space<vmem>> -> memref<1x336x128xf32, #tpu.memory_space<vmem>>
        %gather3A_505 = tpu.memref_squeeze %gather3A_504 : memref<1x336x128xf32, #tpu.memory_space<vmem>> -> memref<336x128xf32, #tpu.memory_space<vmem>>
        %gather3A_506 = tpu.vector_load_idx %gather3A_505[%add3A_261, %and3A_433] : memref<336x128xf32, #tpu.memory_space<vmem>>[vector<16xi32>, vector<16xi32>], vector<16xf32>,
        %mul3A_507 = arith.mulf %gather3A_438, %gather3A_506 : vector<16xf32>
        %add3A_508 = arith.addf %add3A_424, %mul3A_507 : vector<16xf32>
        %mul3A_509 = arith.constant 4 : i32
        %mul3A_510 = arith.muli %scan3A_331, %mul3A_509 : i32
        %add3A_511 = arith.constant 2 : i32
        %add3A_512 = arith.addi %mul3A_510, %add3A_511 : i32
        %add3A_513 = vector.broadcast %add3A_512 : i32 to vector<16xi32>
        %add3A_514 = arith.addi %iota3A, %add3A_513 : vector<16xi32>
        %and3A_515 = arith.constant 63 : i32
        %and3A_516 = vector.broadcast %and3A_515 : i32 to vector<16xi32>
        %and3A_517 = arith.andi %add3A_514, %and3A_516 : vector<16xi32>
        %gather3A_518 = arith.constant 0 : i32
        %gather3A_519 = arith.constant 0 : i32
        %gather3A_520 = tpu.memref_slice %arg7[%and3A_92, %gather3A_518, %gather3A_519] : memref<2x16x128xf32, #tpu.memory_space<vmem>> -> memref<1x16x128xf32, #tpu.memory_space<vmem>>
        %gather3A_521 = tpu.memref_squeeze %gather3A_520 : memref<1x16x128xf32, #tpu.memory_space<vmem>> -> memref<16x128xf32, #tpu.memory_space<vmem>>
        %gather3A_522 = tpu.vector_load_idx %gather3A_521[%iota3A, %and3A_517] : memref<16x128xf32, #tpu.memory_space<vmem>>[vector<16xi32>, vector<16xi32>], vector<16xf32>,
        %gather3A_523 = arith.constant 0 : i32
        %gather3A_524 = arith.constant 0 : i32
        %gather3A_525 = tpu.memref_slice %arg8[%and3A_92, %gather3A_523, %gather3A_524] : memref<2x336x128xf32, #tpu.memory_space<vmem>> -> memref<1x336x128xf32, #tpu.memory_space<vmem>>
        %gather3A_526 = tpu.memref_squeeze %gather3A_525 : memref<1x336x128xf32, #tpu.memory_space<vmem>> -> memref<336x128xf32, #tpu.memory_space<vmem>>
        %gather3A_527 = tpu.vector_load_idx %gather3A_526[%add3A_234, %and3A_517] : memref<336x128xf32, #tpu.memory_space<vmem>>[vector<16xi32>, vector<16xi32>], vector<16xf32>,
        %mul3A_528 = arith.mulf %gather3A_522, %gather3A_527 : vector<16xf32>
        %add3A_529 = arith.addf %add3A_445, %mul3A_528 : vector<16xf32>
        %gather3A_530 = arith.constant 0 : i32
        %gather3A_531 = arith.constant 0 : i32
        %gather3A_532 = tpu.memref_slice %arg8[%and3A_92, %gather3A_530, %gather3A_531] : memref<2x336x128xf32, #tpu.memory_space<vmem>> -> memref<1x336x128xf32, #tpu.memory_space<vmem>>
        %gather3A_533 = tpu.memref_squeeze %gather3A_532 : memref<1x336x128xf32, #tpu.memory_space<vmem>> -> memref<336x128xf32, #tpu.memory_space<vmem>>
        %gather3A_534 = tpu.vector_load_idx %gather3A_533[%add3A_237, %and3A_517] : memref<336x128xf32, #tpu.memory_space<vmem>>[vector<16xi32>, vector<16xi32>], vector<16xf32>,
        %mul3A_535 = arith.mulf %gather3A_522, %gather3A_534 : vector<16xf32>
        %add3A_536 = arith.addf %add3A_452, %mul3A_535 : vector<16xf32>
        %gather3A_537 = arith.constant 0 : i32
        %gather3A_538 = arith.constant 0 : i32
        %gather3A_539 = tpu.memref_slice %arg8[%and3A_92, %gather3A_537, %gather3A_538] : memref<2x336x128xf32, #tpu.memory_space<vmem>> -> memref<1x336x128xf32, #tpu.memory_space<vmem>>
        %gather3A_540 = tpu.memref_squeeze %gather3A_539 : memref<1x336x128xf32, #tpu.memory_space<vmem>> -> memref<336x128xf32, #tpu.memory_space<vmem>>
        %gather3A_541 = tpu.vector_load_idx %gather3A_540[%add3A_240, %and3A_517] : memref<336x128xf32, #tpu.memory_space<vmem>>[vector<16xi32>, vector<16xi32>], vector<16xf32>,
        %mul3A_542 = arith.mulf %gather3A_522, %gather3A_541 : vector<16xf32>
        %add3A_543 = arith.addf %add3A_459, %mul3A_542 : vector<16xf32>
        %gather3A_544 = arith.constant 0 : i32
        %gather3A_545 = arith.constant 0 : i32
        %gather3A_546 = tpu.memref_slice %arg8[%and3A_92, %gather3A_544, %gather3A_545] : memref<2x336x128xf32, #tpu.memory_space<vmem>> -> memref<1x336x128xf32, #tpu.memory_space<vmem>>
        %gather3A_547 = tpu.memref_squeeze %gather3A_546 : memref<1x336x128xf32, #tpu.memory_space<vmem>> -> memref<336x128xf32, #tpu.memory_space<vmem>>
        %gather3A_548 = tpu.vector_load_idx %gather3A_547[%add3A_243, %and3A_517] : memref<336x128xf32, #tpu.memory_space<vmem>>[vector<16xi32>, vector<16xi32>], vector<16xf32>,
        %mul3A_549 = arith.mulf %gather3A_522, %gather3A_548 : vector<16xf32>
        %add3A_550 = arith.addf %add3A_466, %mul3A_549 : vector<16xf32>
        %gather3A_551 = arith.constant 0 : i32
        %gather3A_552 = arith.constant 0 : i32
        %gather3A_553 = tpu.memref_slice %arg8[%and3A_92, %gather3A_551, %gather3A_552] : memref<2x336x128xf32, #tpu.memory_space<vmem>> -> memref<1x336x128xf32, #tpu.memory_space<vmem>>
        %gather3A_554 = tpu.memref_squeeze %gather3A_553 : memref<1x336x128xf32, #tpu.memory_space<vmem>> -> memref<336x128xf32, #tpu.memory_space<vmem>>
        %gather3A_555 = tpu.vector_load_idx %gather3A_554[%add3A_246, %and3A_517] : memref<336x128xf32, #tpu.memory_space<vmem>>[vector<16xi32>, vector<16xi32>], vector<16xf32>,
        %mul3A_556 = arith.mulf %gather3A_522, %gather3A_555 : vector<16xf32>
        %add3A_557 = arith.addf %add3A_473, %mul3A_556 : vector<16xf32>
        %gather3A_558 = arith.constant 0 : i32
        %gather3A_559 = arith.constant 0 : i32
        %gather3A_560 = tpu.memref_slice %arg8[%and3A_92, %gather3A_558, %gather3A_559] : memref<2x336x128xf32, #tpu.memory_space<vmem>> -> memref<1x336x128xf32, #tpu.memory_space<vmem>>
        %gather3A_561 = tpu.memref_squeeze %gather3A_560 : memref<1x336x128xf32, #tpu.memory_space<vmem>> -> memref<336x128xf32, #tpu.memory_space<vmem>>
        %gather3A_562 = tpu.vector_load_idx %gather3A_561[%add3A_249, %and3A_517] : memref<336x128xf32, #tpu.memory_space<vmem>>[vector<16xi32>, vector<16xi32>], vector<16xf32>,
        %mul3A_563 = arith.mulf %gather3A_522, %gather3A_562 : vector<16xf32>
        %add3A_564 = arith.addf %add3A_480, %mul3A_563 : vector<16xf32>
        %gather3A_565 = arith.constant 0 : i32
        %gather3A_566 = arith.constant 0 : i32
        %gather3A_567 = tpu.memref_slice %arg8[%and3A_92, %gather3A_565, %gather3A_566] : memref<2x336x128xf32, #tpu.memory_space<vmem>> -> memref<1x336x128xf32, #tpu.memory_space<vmem>>
        %gather3A_568 = tpu.memref_squeeze %gather3A_567 : memref<1x336x128xf32, #tpu.memory_space<vmem>> -> memref<336x128xf32, #tpu.memory_space<vmem>>
        %gather3A_569 = tpu.vector_load_idx %gather3A_568[%add3A_252, %and3A_517] : memref<336x128xf32, #tpu.memory_space<vmem>>[vector<16xi32>, vector<16xi32>], vector<16xf32>,
        %mul3A_570 = arith.mulf %gather3A_522, %gather3A_569 : vector<16xf32>
        %add3A_571 = arith.addf %add3A_487, %mul3A_570 : vector<16xf32>
        %gather3A_572 = arith.constant 0 : i32
        %gather3A_573 = arith.constant 0 : i32
        %gather3A_574 = tpu.memref_slice %arg8[%and3A_92, %gather3A_572, %gather3A_573] : memref<2x336x128xf32, #tpu.memory_space<vmem>> -> memref<1x336x128xf32, #tpu.memory_space<vmem>>
        %gather3A_575 = tpu.memref_squeeze %gather3A_574 : memref<1x336x128xf32, #tpu.memory_space<vmem>> -> memref<336x128xf32, #tpu.memory_space<vmem>>
        %gather3A_576 = tpu.vector_load_idx %gather3A_575[%add3A_255, %and3A_517] : memref<336x128xf32, #tpu.memory_space<vmem>>[vector<16xi32>, vector<16xi32>], vector<16xf32>,
        %mul3A_577 = arith.mulf %gather3A_522, %gather3A_576 : vector<16xf32>
        %add3A_578 = arith.addf %add3A_494, %mul3A_577 : vector<16xf32>
        %gather3A_579 = arith.constant 0 : i32
        %gather3A_580 = arith.constant 0 : i32
        %gather3A_581 = tpu.memref_slice %arg8[%and3A_92, %gather3A_579, %gather3A_580] : memref<2x336x128xf32, #tpu.memory_space<vmem>> -> memref<1x336x128xf32, #tpu.memory_space<vmem>>
        %gather3A_582 = tpu.memref_squeeze %gather3A_581 : memref<1x336x128xf32, #tpu.memory_space<vmem>> -> memref<336x128xf32, #tpu.memory_space<vmem>>
        %gather3A_583 = tpu.vector_load_idx %gather3A_582[%add3A_258, %and3A_517] : memref<336x128xf32, #tpu.memory_space<vmem>>[vector<16xi32>, vector<16xi32>], vector<16xf32>,
        %mul3A_584 = arith.mulf %gather3A_522, %gather3A_583 : vector<16xf32>
        %add3A_585 = arith.addf %add3A_501, %mul3A_584 : vector<16xf32>
        %gather3A_586 = arith.constant 0 : i32
        %gather3A_587 = arith.constant 0 : i32
        %gather3A_588 = tpu.memref_slice %arg8[%and3A_92, %gather3A_586, %gather3A_587] : memref<2x336x128xf32, #tpu.memory_space<vmem>> -> memref<1x336x128xf32, #tpu.memory_space<vmem>>
        %gather3A_589 = tpu.memref_squeeze %gather3A_588 : memref<1x336x128xf32, #tpu.memory_space<vmem>> -> memref<336x128xf32, #tpu.memory_space<vmem>>
        %gather3A_590 = tpu.vector_load_idx %gather3A_589[%add3A_261, %and3A_517] : memref<336x128xf32, #tpu.memory_space<vmem>>[vector<16xi32>, vector<16xi32>], vector<16xf32>,
        %mul3A_591 = arith.mulf %gather3A_522, %gather3A_590 : vector<16xf32>
        %add3A_592 = arith.addf %add3A_508, %mul3A_591 : vector<16xf32>
        %mul3A_593 = arith.constant 4 : i32
        %mul3A_594 = arith.muli %scan3A_331, %mul3A_593 : i32
        %add3A_595 = arith.constant 3 : i32
        %add3A_596 = arith.addi %mul3A_594, %add3A_595 : i32
        %add3A_597 = vector.broadcast %add3A_596 : i32 to vector<16xi32>
        %add3A_598 = arith.addi %iota3A, %add3A_597 : vector<16xi32>
        %and3A_599 = arith.constant 63 : i32
        %and3A_600 = vector.broadcast %and3A_599 : i32 to vector<16xi32>
        %and3A_601 = arith.andi %add3A_598, %and3A_600 : vector<16xi32>
        %gather3A_602 = arith.constant 0 : i32
        %gather3A_603 = arith.constant 0 : i32
        %gather3A_604 = tpu.memref_slice %arg7[%and3A_92, %gather3A_602, %gather3A_603] : memref<2x16x128xf32, #tpu.memory_space<vmem>> -> memref<1x16x128xf32, #tpu.memory_space<vmem>>
        %gather3A_605 = tpu.memref_squeeze %gather3A_604 : memref<1x16x128xf32, #tpu.memory_space<vmem>> -> memref<16x128xf32, #tpu.memory_space<vmem>>
        %gather3A_606 = tpu.vector_load_idx %gather3A_605[%iota3A, %and3A_601] : memref<16x128xf32, #tpu.memory_space<vmem>>[vector<16xi32>, vector<16xi32>], vector<16xf32>,
        %gather3A_607 = arith.constant 0 : i32
        %gather3A_608 = arith.constant 0 : i32
        %gather3A_609 = tpu.memref_slice %arg8[%and3A_92, %gather3A_607, %gather3A_608] : memref<2x336x128xf32, #tpu.memory_space<vmem>> -> memref<1x336x128xf32, #tpu.memory_space<vmem>>
        %gather3A_610 = tpu.memref_squeeze %gather3A_609 : memref<1x336x128xf32, #tpu.memory_space<vmem>> -> memref<336x128xf32, #tpu.memory_space<vmem>>
        %gather3A_611 = tpu.vector_load_idx %gather3A_610[%add3A_234, %and3A_601] : memref<336x128xf32, #tpu.memory_space<vmem>>[vector<16xi32>, vector<16xi32>], vector<16xf32>,
        %mul3A_612 = arith.mulf %gather3A_606, %gather3A_611 : vector<16xf32>
        %add3A_613 = arith.addf %add3A_529, %mul3A_612 : vector<16xf32>
        %gather3A_614 = arith.constant 0 : i32
        %gather3A_615 = arith.constant 0 : i32
        %gather3A_616 = tpu.memref_slice %arg8[%and3A_92, %gather3A_614, %gather3A_615] : memref<2x336x128xf32, #tpu.memory_space<vmem>> -> memref<1x336x128xf32, #tpu.memory_space<vmem>>
        %gather3A_617 = tpu.memref_squeeze %gather3A_616 : memref<1x336x128xf32, #tpu.memory_space<vmem>> -> memref<336x128xf32, #tpu.memory_space<vmem>>
        %gather3A_618 = tpu.vector_load_idx %gather3A_617[%add3A_237, %and3A_601] : memref<336x128xf32, #tpu.memory_space<vmem>>[vector<16xi32>, vector<16xi32>], vector<16xf32>,
        %mul3A_619 = arith.mulf %gather3A_606, %gather3A_618 : vector<16xf32>
        %add3A_620 = arith.addf %add3A_536, %mul3A_619 : vector<16xf32>
        %gather3A_621 = arith.constant 0 : i32
        %gather3A_622 = arith.constant 0 : i32
        %gather3A_623 = tpu.memref_slice %arg8[%and3A_92, %gather3A_621, %gather3A_622] : memref<2x336x128xf32, #tpu.memory_space<vmem>> -> memref<1x336x128xf32, #tpu.memory_space<vmem>>
        %gather3A_624 = tpu.memref_squeeze %gather3A_623 : memref<1x336x128xf32, #tpu.memory_space<vmem>> -> memref<336x128xf32, #tpu.memory_space<vmem>>
        %gather3A_625 = tpu.vector_load_idx %gather3A_624[%add3A_240, %and3A_601] : memref<336x128xf32, #tpu.memory_space<vmem>>[vector<16xi32>, vector<16xi32>], vector<16xf32>,
        %mul3A_626 = arith.mulf %gather3A_606, %gather3A_625 : vector<16xf32>
        %add3A_627 = arith.addf %add3A_543, %mul3A_626 : vector<16xf32>
        %gather3A_628 = arith.constant 0 : i32
        %gather3A_629 = arith.constant 0 : i32
        %gather3A_630 = tpu.memref_slice %arg8[%and3A_92, %gather3A_628, %gather3A_629] : memref<2x336x128xf32, #tpu.memory_space<vmem>> -> memref<1x336x128xf32, #tpu.memory_space<vmem>>
        %gather3A_631 = tpu.memref_squeeze %gather3A_630 : memref<1x336x128xf32, #tpu.memory_space<vmem>> -> memref<336x128xf32, #tpu.memory_space<vmem>>
        %gather3A_632 = tpu.vector_load_idx %gather3A_631[%add3A_243, %and3A_601] : memref<336x128xf32, #tpu.memory_space<vmem>>[vector<16xi32>, vector<16xi32>], vector<16xf32>,
        %mul3A_633 = arith.mulf %gather3A_606, %gather3A_632 : vector<16xf32>
        %add3A_634 = arith.addf %add3A_550, %mul3A_633 : vector<16xf32>
        %gather3A_635 = arith.constant 0 : i32
        %gather3A_636 = arith.constant 0 : i32
        %gather3A_637 = tpu.memref_slice %arg8[%and3A_92, %gather3A_635, %gather3A_636] : memref<2x336x128xf32, #tpu.memory_space<vmem>> -> memref<1x336x128xf32, #tpu.memory_space<vmem>>
        %gather3A_638 = tpu.memref_squeeze %gather3A_637 : memref<1x336x128xf32, #tpu.memory_space<vmem>> -> memref<336x128xf32, #tpu.memory_space<vmem>>
        %gather3A_639 = tpu.vector_load_idx %gather3A_638[%add3A_246, %and3A_601] : memref<336x128xf32, #tpu.memory_space<vmem>>[vector<16xi32>, vector<16xi32>], vector<16xf32>,
        %mul3A_640 = arith.mulf %gather3A_606, %gather3A_639 : vector<16xf32>
        %add3A_641 = arith.addf %add3A_557, %mul3A_640 : vector<16xf32>
        %gather3A_642 = arith.constant 0 : i32
        %gather3A_643 = arith.constant 0 : i32
        %gather3A_644 = tpu.memref_slice %arg8[%and3A_92, %gather3A_642, %gather3A_643] : memref<2x336x128xf32, #tpu.memory_space<vmem>> -> memref<1x336x128xf32, #tpu.memory_space<vmem>>
        %gather3A_645 = tpu.memref_squeeze %gather3A_644 : memref<1x336x128xf32, #tpu.memory_space<vmem>> -> memref<336x128xf32, #tpu.memory_space<vmem>>
        %gather3A_646 = tpu.vector_load_idx %gather3A_645[%add3A_249, %and3A_601] : memref<336x128xf32, #tpu.memory_space<vmem>>[vector<16xi32>, vector<16xi32>], vector<16xf32>,
        %mul3A_647 = arith.mulf %gather3A_606, %gather3A_646 : vector<16xf32>
        %add3A_648 = arith.addf %add3A_564, %mul3A_647 : vector<16xf32>
        %gather3A_649 = arith.constant 0 : i32
        %gather3A_650 = arith.constant 0 : i32
        %gather3A_651 = tpu.memref_slice %arg8[%and3A_92, %gather3A_649, %gather3A_650] : memref<2x336x128xf32, #tpu.memory_space<vmem>> -> memref<1x336x128xf32, #tpu.memory_space<vmem>>
        %gather3A_652 = tpu.memref_squeeze %gather3A_651 : memref<1x336x128xf32, #tpu.memory_space<vmem>> -> memref<336x128xf32, #tpu.memory_space<vmem>>
        %gather3A_653 = tpu.vector_load_idx %gather3A_652[%add3A_252, %and3A_601] : memref<336x128xf32, #tpu.memory_space<vmem>>[vector<16xi32>, vector<16xi32>], vector<16xf32>,
        %mul3A_654 = arith.mulf %gather3A_606, %gather3A_653 : vector<16xf32>
        %add3A_655 = arith.addf %add3A_571, %mul3A_654 : vector<16xf32>
        %gather3A_656 = arith.constant 0 : i32
        %gather3A_657 = arith.constant 0 : i32
        %gather3A_658 = tpu.memref_slice %arg8[%and3A_92, %gather3A_656, %gather3A_657] : memref<2x336x128xf32, #tpu.memory_space<vmem>> -> memref<1x336x128xf32, #tpu.memory_space<vmem>>
        %gather3A_659 = tpu.memref_squeeze %gather3A_658 : memref<1x336x128xf32, #tpu.memory_space<vmem>> -> memref<336x128xf32, #tpu.memory_space<vmem>>
        %gather3A_660 = tpu.vector_load_idx %gather3A_659[%add3A_255, %and3A_601] : memref<336x128xf32, #tpu.memory_space<vmem>>[vector<16xi32>, vector<16xi32>], vector<16xf32>,
        %mul3A_661 = arith.mulf %gather3A_606, %gather3A_660 : vector<16xf32>
        %add3A_662 = arith.addf %add3A_578, %mul3A_661 : vector<16xf32>
        %gather3A_663 = arith.constant 0 : i32
        %gather3A_664 = arith.constant 0 : i32
        %gather3A_665 = tpu.memref_slice %arg8[%and3A_92, %gather3A_663, %gather3A_664] : memref<2x336x128xf32, #tpu.memory_space<vmem>> -> memref<1x336x128xf32, #tpu.memory_space<vmem>>
        %gather3A_666 = tpu.memref_squeeze %gather3A_665 : memref<1x336x128xf32, #tpu.memory_space<vmem>> -> memref<336x128xf32, #tpu.memory_space<vmem>>
        %gather3A_667 = tpu.vector_load_idx %gather3A_666[%add3A_258, %and3A_601] : memref<336x128xf32, #tpu.memory_space<vmem>>[vector<16xi32>, vector<16xi32>], vector<16xf32>,
        %mul3A_668 = arith.mulf %gather3A_606, %gather3A_667 : vector<16xf32>
        %add3A_669 = arith.addf %add3A_585, %mul3A_668 : vector<16xf32>
        %gather3A_670 = arith.constant 0 : i32
        %gather3A_671 = arith.constant 0 : i32
        %gather3A_672 = tpu.memref_slice %arg8[%and3A_92, %gather3A_670, %gather3A_671] : memref<2x336x128xf32, #tpu.memory_space<vmem>> -> memref<1x336x128xf32, #tpu.memory_space<vmem>>
        %gather3A_673 = tpu.memref_squeeze %gather3A_672 : memref<1x336x128xf32, #tpu.memory_space<vmem>> -> memref<336x128xf32, #tpu.memory_space<vmem>>
        %gather3A_674 = tpu.vector_load_idx %gather3A_673[%add3A_261, %and3A_601] : memref<336x128xf32, #tpu.memory_space<vmem>>[vector<16xi32>, vector<16xi32>], vector<16xf32>,
        %mul3A_675 = arith.mulf %gather3A_606, %gather3A_674 : vector<16xf32>
        %add3A_676 = arith.addf %add3A_592, %mul3A_675 : vector<16xf32>
        scf.yield %add3A_613, %add3A_620, %add3A_627, %add3A_634, %add3A_641, %add3A_648, %add3A_655, %add3A_662, %add3A_669, %add3A_676 : vector<16xf32>, vector<16xf32>, vector<16xf32>, vector<16xf32>, vector<16xf32>, vector<16xf32>, vector<16xf32>, vector<16xf32>, vector<16xf32>, vector<16xf32>
      }
      %scan3A_287 = arith.constant 16 : i32
      %swap3A_288 = arith.index_cast %and3A_92 : i32 to index
      %swap3A_289 = arith.constant 176 : index
      %swap3A_290 = tpu.vector_load %arg9[%swap3A_288, %swap3A_289] {strides = array<i32>} : memref<2x336xf32, #tpu.memory_space<vmem>>, vector<16xf32>,
      tpu.vector_store %arg9[%swap3A_288, %swap3A_289], %scan3A_286#0 {strides = array<i32>} : memref<2x336xf32, #tpu.memory_space<vmem>>, vector<16xf32>,
      %swap3A_291 = arith.index_cast %and3A_92 : i32 to index
      %swap3A_292 = arith.constant 192 : index
      %swap3A_293 = tpu.vector_load %arg9[%swap3A_291, %swap3A_292] {strides = array<i32>} : memref<2x336xf32, #tpu.memory_space<vmem>>, vector<16xf32>,
      tpu.vector_store %arg9[%swap3A_291, %swap3A_292], %scan3A_286#1 {strides = array<i32>} : memref<2x336xf32, #tpu.memory_space<vmem>>, vector<16xf32>,
      %swap3A_294 = arith.index_cast %and3A_92 : i32 to index
      %swap3A_295 = arith.constant 208 : index
      %swap3A_296 = tpu.vector_load %arg9[%swap3A_294, %swap3A_295] {strides = array<i32>} : memref<2x336xf32, #tpu.memory_space<vmem>>, vector<16xf32>,
      tpu.vector_store %arg9[%swap3A_294, %swap3A_295], %scan3A_286#2 {strides = array<i32>} : memref<2x336xf32, #tpu.memory_space<vmem>>, vector<16xf32>,
      %swap3A_297 = arith.index_cast %and3A_92 : i32 to index
      %swap3A_298 = arith.constant 224 : index
      %swap3A_299 = tpu.vector_load %arg9[%swap3A_297, %swap3A_298] {strides = array<i32>} : memref<2x336xf32, #tpu.memory_space<vmem>>, vector<16xf32>,
      tpu.vector_store %arg9[%swap3A_297, %swap3A_298], %scan3A_286#3 {strides = array<i32>} : memref<2x336xf32, #tpu.memory_space<vmem>>, vector<16xf32>,
      %swap3A_300 = arith.index_cast %and3A_92 : i32 to index
      %swap3A_301 = arith.constant 240 : index
      %swap3A_302 = tpu.vector_load %arg9[%swap3A_300, %swap3A_301] {strides = array<i32>} : memref<2x336xf32, #tpu.memory_space<vmem>>, vector<16xf32>,
      tpu.vector_store %arg9[%swap3A_300, %swap3A_301], %scan3A_286#4 {strides = array<i32>} : memref<2x336xf32, #tpu.memory_space<vmem>>, vector<16xf32>,
      %swap3A_303 = arith.index_cast %and3A_92 : i32 to index
      %swap3A_304 = arith.constant 256 : index
      %swap3A_305 = tpu.vector_load %arg9[%swap3A_303, %swap3A_304] {strides = array<i32>} : memref<2x336xf32, #tpu.memory_space<vmem>>, vector<16xf32>,
      tpu.vector_store %arg9[%swap3A_303, %swap3A_304], %scan3A_286#5 {strides = array<i32>} : memref<2x336xf32, #tpu.memory_space<vmem>>, vector<16xf32>,
      %swap3A_306 = arith.index_cast %and3A_92 : i32 to index
      %swap3A_307 = arith.constant 272 : index
      %swap3A_308 = tpu.vector_load %arg9[%swap3A_306, %swap3A_307] {strides = array<i32>} : memref<2x336xf32, #tpu.memory_space<vmem>>, vector<16xf32>,
      tpu.vector_store %arg9[%swap3A_306, %swap3A_307], %scan3A_286#6 {strides = array<i32>} : memref<2x336xf32, #tpu.memory_space<vmem>>, vector<16xf32>,
      %swap3A_309 = arith.index_cast %and3A_92 : i32 to index
      %swap3A_310 = arith.constant 288 : index
      %swap3A_311 = tpu.vector_load %arg9[%swap3A_309, %swap3A_310] {strides = array<i32>} : memref<2x336xf32, #tpu.memory_space<vmem>>, vector<16xf32>,
      tpu.vector_store %arg9[%swap3A_309, %swap3A_310], %scan3A_286#7 {strides = array<i32>} : memref<2x336xf32, #tpu.memory_space<vmem>>, vector<16xf32>,
      %swap3A_312 = arith.index_cast %and3A_92 : i32 to index
      %swap3A_313 = arith.constant 304 : index
      %swap3A_314 = tpu.vector_load %arg9[%swap3A_312, %swap3A_313] {strides = array<i32>} : memref<2x336xf32, #tpu.memory_space<vmem>>, vector<16xf32>,
      tpu.vector_store %arg9[%swap3A_312, %swap3A_313], %scan3A_286#8 {strides = array<i32>} : memref<2x336xf32, #tpu.memory_space<vmem>>, vector<16xf32>,
      %swap3A_315 = arith.index_cast %and3A_92 : i32 to index
      %swap3A_316 = arith.constant 320 : index
      %swap3A_317 = tpu.vector_load %arg9[%swap3A_315, %swap3A_316] {strides = array<i32>} : memref<2x336xf32, #tpu.memory_space<vmem>>, vector<16xf32>,
      tpu.vector_store %arg9[%swap3A_315, %swap3A_316], %scan3A_286#9 {strides = array<i32>} : memref<2x336xf32, #tpu.memory_space<vmem>>, vector<16xf32>,
      %mul3A_318 = arith.constant 16 : i32
      %mul3A_319 = arith.muli %scan3A_91, %mul3A_318 : i32
      %add3A_320 = arith.addi %multiple_of3A, %mul3A_319 : i32
      %mul3A_321 = arith.constant 21 : i32
      %mul3A_322 = arith.muli %add3A_320, %mul3A_321 : i32
      %dma_start3A_323 = arith.constant 0 : i32
      %dma_start3A_324 = tpu.memref_slice %arg9[%and3A_92, %dma_start3A_323] : memref<2x336xf32, #tpu.memory_space<vmem>> -> memref<1x336xf32, #tpu.memory_space<vmem>>
      %dma_start3A_325 = tpu.memref_squeeze %dma_start3A_324 : memref<1x336xf32, #tpu.memory_space<vmem>> -> memref<336xf32, #tpu.memory_space<vmem>>
      %dma_start3A_326 = tpu.memref_slice %arg5[%mul3A_322] : memref<344064xf32, #tpu.memory_space<hbm>> -> memref<336xf32, #tpu.memory_space<hbm>>
      %dma_start3A_327 = tpu.memref_slice %arg5[%mul3A_322] : memref<344064xf32, #tpu.memory_space<hbm>> -> memref<336xf32, #tpu.memory_space<hbm>>
      %dma_start3A_328 = arith.constant 0 : i32
      %dma_start3A_329 = tpu.memref_slice %arg9[%and3A_92, %dma_start3A_328] : memref<2x336xf32, #tpu.memory_space<vmem>> -> memref<1x336xf32, #tpu.memory_space<vmem>>
      %dma_start3A_330 = tpu.memref_squeeze %dma_start3A_329 : memref<1x336xf32, #tpu.memory_space<vmem>> -> memref<336xf32, #tpu.memory_space<vmem>>
      tpu.enqueue_dma source(%dma_start3A_330 : memref<336xf32, #tpu.memory_space<vmem>>) target(%dma_start3A_327 : memref<336xf32, #tpu.memory_space<hbm>>) target_semaphore(%arg13 : memref<!tpu.dma_semaphore, #tpu.memory_space<semaphore_mem>>)
    }
    %scan3A_77 = arith.constant 32 : i32
    %add3A_78 = arith.constant 496 : i32
    %add3A_79 = arith.addi %multiple_of3A, %add3A_78 : i32
    %mul3A_80 = arith.constant 21 : i32
    %mul3A_81 = arith.muli %add3A_79, %mul3A_80 : i32
    %dma_wait3A_82 = arith.constant 1 : i32
    %dma_wait3A_83 = arith.constant 0 : i32
    %dma_wait3A_84 = tpu.memref_slice %arg9[%dma_wait3A_82, %dma_wait3A_83] : memref<2x336xf32, #tpu.memory_space<vmem>> -> memref<1x336xf32, #tpu.memory_space<vmem>>
    %dma_wait3A_85 = tpu.memref_squeeze %dma_wait3A_84 : memref<1x336xf32, #tpu.memory_space<vmem>> -> memref<336xf32, #tpu.memory_space<vmem>>
    %dma_wait3A_86 = tpu.memref_slice %arg5[%mul3A_81] : memref<344064xf32, #tpu.memory_space<hbm>> -> memref<336xf32, #tpu.memory_space<hbm>>
    %dma_wait3A_87 = tpu.memref_slice %arg5[%mul3A_81] : memref<344064xf32, #tpu.memory_space<hbm>> -> memref<336xf32, #tpu.memory_space<hbm>>
    %dma_wait3A_88 = arith.constant 0 : i32
    %dma_wait3A_89 = tpu.memref_slice %arg9[%dma_wait3A_82, %dma_wait3A_88] : memref<2x336xf32, #tpu.memory_space<vmem>> -> memref<1x336xf32, #tpu.memory_space<vmem>>
    %dma_wait3A_90 = tpu.memref_squeeze %dma_wait3A_89 : memref<1x336xf32, #tpu.memory_space<vmem>> -> memref<336xf32, #tpu.memory_space<vmem>>
    tpu.wait_dma2 semaphore(%arg13 : memref<!tpu.dma_semaphore, #tpu.memory_space<semaphore_mem>>) src(%dma_wait3A_90 : memref<336xf32, #tpu.memory_space<vmem>>) dst(%dma_wait3A_87 : memref<336xf32, #tpu.memory_space<hbm>>)
    return
  }
}

module attributes {stable_mosaic.version = 14 : i64} {
  func.func @_loss_body(%arg0: memref<2688x128xf32, #tpu.memory_space<vmem>>, %arg1: memref<1x1xf32, #tpu.memory_space<smem>>) attributes {dimension_semantics = [], scalar_prefetch = 0 : i64, scratch_operands = 0 : i64, tpu.core_type = #tpu.core_type<tc>} {
    %get3A = arith.constant 0 : index
    %get3A_0 = arith.constant 0 : index
    %get3A_1 = vector.load %arg0[%get3A, %get3A_0] : memref<2688x128xf32, #tpu.memory_space<vmem>>, vector<2688x128xf32>
    %neg3A = arith.constant 0.000000e+00 : f32
    %neg3A_2 = vector.broadcast %neg3A : f32 to vector<2688x128xf32>
    %neg3A_3 = arith.subf %neg3A_2, %get3A_1 : vector<2688x128xf32>
    %custom_jvp_call3A = arith.constant 0.000000e+00 : f32
    %max3A = vector.broadcast %custom_jvp_call3A : f32 to vector<2688x128xf32>
    %max3A_4 = arith.maximumf %neg3A_3, %max3A : vector<2688x128xf32>
    %sub3A = vector.broadcast %custom_jvp_call3A : f32 to vector<2688x128xf32>
    %sub3A_5 = arith.subf %neg3A_3, %sub3A : vector<2688x128xf32>
    %ne3A = arith.cmpf one, %sub3A_5, %sub3A_5 : vector<2688x128xf32>
    %add3A = vector.broadcast %custom_jvp_call3A : f32 to vector<2688x128xf32>
    %add3A_6 = arith.addf %neg3A_3, %add3A : vector<2688x128xf32>
    %abs3A = math.absf %sub3A_5 : vector<2688x128xf32>
    %neg3A_7 = arith.constant 0.000000e+00 : f32
    %neg3A_8 = vector.broadcast %neg3A_7 : f32 to vector<2688x128xf32>
    %neg3A_9 = arith.subf %neg3A_8, %abs3A : vector<2688x128xf32>
    %exp3A = math.exp %neg3A_9 : vector<2688x128xf32>
    %log1p3A = math.log1p %exp3A : vector<2688x128xf32>
    %add3A_10 = arith.addf %max3A_4, %log1p3A : vector<2688x128xf32>
    %select_n3A = arith.select %ne3A, %add3A_6, %add3A_10 : vector<2688x128xi1>, vector<2688x128xf32>
    %neg3A_11 = arith.constant 0.000000e+00 : f32
    %neg3A_12 = vector.broadcast %neg3A_11 : f32 to vector<2688x128xf32>
    %neg3A_13 = arith.subf %neg3A_12, %select_n3A : vector<2688x128xf32>
    %reduce_sum3A = vector.shape_cast %neg3A_13 : vector<2688x128xf32> to vector<1x2688x128xf32>
    %reduce_sum3A_14 = arith.constant dense<0.000000e+00> : vector<1xf32>
    %reduce_sum3A_15 = vector.multi_reduction <add>, %reduce_sum3A, %reduce_sum3A_14 [1, 2] : vector<1x2688x128xf32> to vector<1xf32>
    %reduce_sum3A_16 = vector.shape_cast %reduce_sum3A_15 : vector<1xf32> to vector<1x1x1xf32>
    %reduce_sum3A_17 = vector.extract %reduce_sum3A_16[0, 0, 0] : f32 from vector<1x1x1xf32>
    %neg3A_18 = arith.constant 0.000000e+00 : f32
    %neg3A_19 = arith.subf %neg3A_18, %reduce_sum3A_17 : f32
    %swap3A = arith.constant 0 : index
    %swap3A_20 = arith.constant 0 : index
    %swap3A_21 = memref.load %arg1[%swap3A, %swap3A_20] : memref<1x1xf32, #tpu.memory_space<smem>>
    memref.store %neg3A_19, %arg1[%swap3A, %swap3A_20] : memref<1x1xf32, #tpu.memory_space<smem>>
    return
  }
}

</mosaic_0001>

<sc_bundles>
// kernel: gather_offload_async_start
scs
__scs_entry_jumppad:
0x0: {  	(pc) =	sbr.rel $0x88, $3  }
0x1: {  	(tag) =	ssettag $0x0;
	lr =	simm.s32 $0x1  }
0x2: {  	[smem:$0x3F9C] =	sst lr;
	_ =	strace $0xD0000000  }
0x3: {  	_ = 	snop  }
0x4: {  	_ = 	snop  }
0x5: {  	_ = 	snop  }
0x6: {  	_ = 	snop  }
0x7: {  	_ = 	snop  }
__scs_overlays_trampoline_lowered:
0x8: {  	[smem:$0x3FAB] =	sst s0  }
0x9: {  	[smem:$0x3FAC] =	sst s1  }
0xa: {  	[smem:$0x3FAD] =	sst s2  }
0xb: {  	[smem:$0x3FAE] =	sst s3  }
0xc: {  	[smem:$0x3FAF] =	sst s4  }
0xd: {  	[smem:$0x3FB0] =	sst s5  }
0xe: {  	[smem:$0x3FB1] =	sst s6  }
0xf: {  	[smem:$0x3FB2] =	sst s7  }
0x10: {  	[smem:$0x3FB3] =	sst s8  }
0x11: {  	[smem:$0x3FB4] =	sst s9;
	s0 =	simm.s32 @!p0 $0x0  }
0x12: {  	s1 =	sld [smem:$0x3F9A];
	s0 =	simm.s32 @p0 $0x1  }
0x13: {  	[smem:$0x3FB5] =	sst s0;
	s0 =	simm.s32 @!p1 $0x0  }
0x14: {  	s2 =	sld [smem:$0x3F99];
	s0 =	simm.s32 @p1 $0x1  }
0x15: {  	[smem:$0x3FB6] =	sst s0;
	s0 =	simm.s32 @!p2 $0x0  }
0x16: {  	s3 =	sld [smem:$0x3FDB];
	s0 =	simm.s32 @p2 $0x1  }
0x17: {  	s4 =	simm.s32 $0x1BF5;
	[smem:$0x3FB8] =	sst s0  }
0x18: {  	s0 =	sld [smem:$0x3F9B];
	_ =	swait.ge [sflag:s4], $0x0  }
0x19: {  	s7 =	sld [smem:$0x3F9C]  }
0x1a: {  	s8 =	sadd.s32 $0xFFFFE003, lr  }
0x1b: {  	s9 =	sadd.s32 $0xFFFFFEF7, lr;
	s5 =	simm.s32 $0xFFFFFFFF;
	p2 =	slt.u32 s8, $0xFFFFF086  }
0x1c: {  	p1 =	slt.u32 s9, $0xF7A;
	s5 =	simm.s32 @!p2 $0x0  }
0x1d: {  	s5 =	simm.s32 @p1 $0x1;
	p0 =	seq.s32 s7, s2  }
0x1e: {  	s7 =	smul.u32 @!p0 $0xF7A, s2;
	p2 =	seq.s32 @!p0 s5, $0x0  }
0x1f: {  	s9 =	smul.u32 $0xF7A, s1;
	s8 =	simm.s32 @!p0 $0x1BF5;
	p2 =	por !p2, p0  }
0x20: {  	[sflag:s8] =	ssyncset.s32 @!p0 $0xFFFFF086;
	s6 =	sadd.s32 @!p0 s3, s7;
	s7 =	simm.s32 @!p0 $0x108  }
0x21: {  	s3 =	sadd.s32 s3, s9;
	s6 =	sadd.s32 @!p0 $0x88, s6;
	s7 =	simm.s32 @p2 $0x1082  }
0x22: {  	[simem:s7], [sflag:s8] =	dma.local @!p0 [hbm:s6], $0xF7A  }
0x23: {  	s9 =	sor.u32 $0xD0000000, s2;
	s6 =	simm.s32 $0x108;
	_ =	swait.ge @!p0 [sflag:s8], $0x0  }
0x24: {  	s3 =	sadd.s32 $0x88, s3;
	s6 =	simm.s32 @!p1 $0x1082;
	[sflag:s4] =	ssyncset.s32 $0xFFFFF086  }
0x25: {  	[simem:s6], [sflag:s4] =	dma.local [hbm:s3], $0xF7A  }
0x26: {  	[smem:$0x3F9C] =	sst s1;
	(tag) =	ssettag s2;
	_ =	strace s9  }
0x27: {  	s1 =	sld [smem:$0x3FAC]  }
0x28: {  	s2 =	sld [smem:$0x3FAD]  }
0x29: {  	s4 =	sld [smem:$0x3FAF]  }
0x2a: {  	p0 =	seq.s32 s5, $0x0;
	s5 =	sld [smem:$0x3FB0]  }
0x2b: {  	s6 =	sld [smem:$0x3FB1]  }
0x2c: {  	s7 =	sld [smem:$0x3FB2]  }
0x2d: {  	s3 =	simm.s32 $0x108;
	s8 =	sld [smem:$0x3FB3]  }
0x2e: {  	s3 =	simm.s32 @!p0 $0x1082;
	s9 =	sld [smem:$0x3FB4]  }
0x2f: {  	lr =	sadd.s32 s0, s3;
	s0 =	sld [smem:$0x3FAB]  }
0x30: {  	s3 =	sld [smem:$0x3FAE]  }
0x31: {  	[smem:$0x3FB7] =	sst s10  }
0x32: {  	s10 =	sld [smem:$0x3FB5];
	_ =	sdelay $0x3  }
0x33: {  	p0 =	seq.s32 s10, $0x1;
	s10 =	sld [smem:$0x3FB7];
	_ =	sdelay $0x3  }
0x34: {  	[smem:$0x3FB7] =	sst s10  }
0x35: {  	s10 =	sld [smem:$0x3FB6];
	_ =	sdelay $0x3  }
0x36: {  	p1 =	seq.s32 s10, $0x1;
	s10 =	sld [smem:$0x3FB7];
	_ =	sdelay $0x3  }
0x37: {  	[smem:$0x3FB7] =	sst s10  }
0x38: {  	s10 =	sld [smem:$0x3FB8]  }
0x39: {  	_ = 	snop;
	(pc) =	sbr.ind lr, $3  }
0x3a: {  	_ = 	snop  }
0x3b: {  	_ = 	snop  }
0x3c: {  	p2 =	seq.s32 s10, $0x1;
	s10 =	sld [smem:$0x3FB7]  }
0x3d: {  	_ =	shalt  }
0x3e: {  	_ =	shalt  }
0x3f: {  	_ =	shalt  }
0x40: {  	_ =	shalt  }
0x41: {  	_ =	shalt  }
0x42: {  	_ =	shalt  }
0x43: {  	_ =	shalt  }
0x44: {  	_ =	shalt  }
0x45: {  	_ =	shalt  }
0x46: {  	_ =	shalt  }
0x47: {  	_ =	shalt  }
0x48: {  	_ =	shalt  }
0x49: {  	_ =	shalt  }
0x4a: {  	_ =	shalt  }
0x4b: {  	_ =	shalt  }
0x4c: {  	_ =	shalt  }
0x4d: {  	_ =	shalt  }
0x4e: {  	_ =	shalt  }
0x4f: {  	_ =	shalt  }
0x50: {  	_ =	shalt  }
0x51: {  	_ =	shalt  }
0x52: {  	_ =	shalt  }
0x53: {  	_ =	shalt  }
0x54: {  	_ =	shalt  }
0x55: {  	_ =	shalt  }
0x56: {  	_ =	shalt  }
0x57: {  	_ =	shalt  }
0x58: {  	_ =	shalt  }
0x59: {  	_ =	shalt  }
0x5a: {  	_ =	shalt  }
0x5b: {  	_ =	shalt  }
0x5c: {  	_ =	shalt  }
0x5d: {  	_ =	shalt  }
0x5e: {  	_ =	shalt  }
0x5f: {  	_ =	shalt  }
0x60: {  	_ =	shalt  }
0x61: {  	_ =	shalt  }
0x62: {  	_ =	shalt  }
0x63: {  	_ =	shalt  }
0x64: {  	_ =	shalt  }
0x65: {  	_ =	shalt  }
0x66: {  	_ =	shalt  }
0x67: {  	_ =	shalt  }
0x68: {  	_ =	shalt  }
0x69: {  	_ =	shalt  }
0x6a: {  	_ =	shalt  }
0x6b: {  	_ =	shalt  }
0x6c: {  	_ =	shalt  }
0x6d: {  	_ =	shalt  }
0x6e: {  	_ =	shalt  }
0x6f: {  	_ =	shalt  }
0x70: {  	_ =	shalt  }
0x71: {  	_ =	shalt  }
0x72: {  	_ =	shalt  }
0x73: {  	_ =	shalt  }
0x74: {  	_ =	shalt  }
0x75: {  	_ =	shalt  }
0x76: {  	_ =	shalt  }
0x77: {  	_ =	shalt  }
0x78: {  	_ =	shalt  }
0x79: {  	_ =	shalt  }
0x7a: {  	_ =	shalt  }
0x7b: {  	_ =	shalt  }
0x7c: {  	_ =	shalt  }
0x7d: {  	_ =	shalt  }
0x7e: {  	_ =	shalt  }
0x7f: {  	_ =	shalt  }
0x80: {  	_ =	shalt  }
0x81: {  	_ =	shalt  }
0x82: {  	_ =	shalt  }
0x83: {  	_ =	shalt  }
0x84: {  	_ =	shalt  }
0x85: {  	_ =	shalt  }
0x86: {  	_ =	shalt  }
0x87: {  	_ =	shalt  }
.Lfunc_end0:
.L_simem_size_0:
called_computation_lowered:
.L_overlay_start_0:
0x88: {  	s2 =	sld [smem:$0x3FD9]  }
0x89: {  	s3 =	sld [smem:$0x3FFE];
	_ =	sdelay $0x1  }
0x8a: {  	s1 =	srdreg.scid  }
0x8b: {  	s0 =	sand.u32 $0x1, s1  }
0x8c: {  	s16 =	sshll.u32 s0, $0xA;
	s2 =	sadd.s32 s3, s2  }
0x8d: {  	s2 =	sadd.s32 s2, s16  }
0x8e: {  	[smem:$0x3FC3] =	sst s2  }
0x8f: {  	_ = 	snop  }
0x90: {  	(tm) =	ssettm $0x1  }
0x91: {  	s17 =	sld [smem:$0x3FFB];
	_ =	sdelay $0x3  }
0x92: {  	_ =	strace s17  }
0x93: {  	s2 =	sld [smem:$0x3FFC];
	_ =	sdelay $0x3  }
0x94: {  	_ =	strace s2  }
0x95: {  	s2 =	sld [smem:$0x3FFD];
	_ =	sdelay $0x3  }
0x96: {  	_ =	strace s2  }
0x97: {  	_ =	strace $0x8FFFFFFF  }
0x98: {  	s18 =	sld [smem:$0x3FDB];
	_ =	sdelay $0x1  }
0x99: {  	s19 =	simm.s32 $_scs_section_size  }
0x9a: {  	s4 =	simm.s32 $_size__tile_overlayer_lowered;
	s5 =	simm.s32 $_tile_overlayer_lowered  }
0x9b: {  	s22 =	simm.s32 $0x1BFF;
	s21 =	sshll.u32 s5, $0x1;
	s2 =	sadd.s32 s19, s18  }
0x9c: {  	s6 =	simm.s32 $0x0;
	s20 =	sshll.u32 s4, $0x1;
	s4 =	sadd.s32 s21, s2  }
0x9d: {  	[timem:s6], [sflag:s22] =	dma.local [hbm:s4], s20  }
0x9e: {  	_ =	swait.ge [sflag:s22], s20  }
0x9f: {  	s3 =	ssub.s32 $0x0, s20;
	[sflag:s22] =	ssyncset.done $0x0  }
0xa0: {  	[sflag:s22] =	ssyncadd.s32 s3;
	_ =	sdelay $0x1  }
0xa1: {  	s23 =	simm.s32 $0x1B8B  }
0xa2: {  	_ =	swait.ge [sflag:s23], $0x1  }
0xa3: {  	[sflag:s23] =	ssyncset.done $0x0  }
0xa4: {  	s25 =	simm.s32 $0x1B8E;
	s24 =	sld [smem:$0x3FFE];
	[sflag:s23] =	ssyncadd.s32 $0xFFFFFFFF  }
0xa5: {  	s26 =	simm.s32 $execute0_lowered;
	[smem:$0x3FD2] =	sst s25  }
0xa6: {  	s4 =	sshll.u32 s26, $0x1;
	_ =	strace $0x80000046;
	[dreg:$0x1] =	wrdreg $0xFFFFFFFF  }
0xa7: {  	s28 =	simm.s32 $_size_execute0_lowered;
	s2 =	sadd.s32 s2, s4;
	[dreg:$0x0] =	wrdreg $0x0  }
0xa8: {  	s4 =	sshll.u32 s28, $0x1;
	[dreg:$0x2] =	wrdreg s2  }
0xa9: {  	[dreg:$0x3] =	wrdreg s4  }
0xaa: {  	[dreg:$0x4] =	wrdreg $0xC0  }
0xab: {  	_ =	task [dreg:s6], $0x5FFFF  }
0xac: {  	[dreg:$0x1] =	wrdreg $0xFFFFFFFF  }
0xad: {  	[dreg:$0x0] =	wrdreg $0x60  }
0xae: {  	[dreg:$0x2] =	wrdreg s24  }
0xaf: {  	[dreg:$0x3] =	wrdreg $0x9  }
0xb0: {  	_ =	task.clear_ibuf [dreg:s6], $0x4FFFF;
	_ =	strace $0x90000046  }
0xb1: {  	s29 =	simm.s32 $0x9;
	_ =	strace $0x80000048  }
0xb2: {  	_ =	swait.ge [sflag:s29], $0x1  }
0xb3: {  	[sflag:s29] =	ssyncadd.s32 $0xFFFFFFFF  }
0xb4: {  	_ =	strace $0x90000048  }
0xb5: {  	_ =	sfence  }
0xb6: {  	s30 =	sld [smem:$0x0];
	_ =	sdelay $0x2  }
0xb7: {  	s31 =	sshll.u32 s1, $0xD;
	s1 =	sshrl.u32 s1, $0x2  }
0xb8: {  	s3 =	sand.u32 $0x4000, s31;
	s1 =	sadd.s32 s1, s30  }
0xb9: {  	s0 =	sor.u32 s3, s0;
	s1 =	sshll.u32 s1, $0x11  }
0xba: {  	s0 =	sor.u32 s1, s0  }
0xbb: {  	s0 =	sadd.s32 $0x8F2B, s0  }
0xbc: {  	[sflag:s0] =	ssyncadd.remote.s32 $0x1  }
0xbd: {  	_ =	sfence.sel $0xFFFF  }
0xbe: {  	[dreg:$0x0] =	wrdreg $0xFFFFFFFF;
	(pc) =	sbr.abs _section_cstart, $3  }
0xbf: {  	[dreg:$0x1] =	wrdreg $0xFFFFFFFF  }
0xc0: {  	_ =	task.clear_ibuf [dreg:s6], $0x2FFFF;
	_ =	strace $0x9FFFFFFF  }
0xc1: {  	(tm) =	ssettm $0x7FFFFFFF  }
tec
execute0_lowered:
.L_overlay_start_1:
0x0: {  	(tag) =	ssettag $0x1  }
0x1: {  	s7 =	rddreg [dreg:$0x0]  }
0x2: {  	s0 =	rddreg [dreg:$0x1];
	_ =	strace $0x80000047  }
0x3: {  	s1 =	srdreg.scid;
	s4 =	simm.s32 $0x1;
	s9 =	simm.s32 $0x3  }
0x4: {  	s11 =	simm.s32 $0x0;
	p0 =	por $0x0, $0x0;
	s5 =	sshll.u32 s1, $0x4  }
.Ltmp0:
0x5: {  	s1 =	stileid.u32;
	s5 =	sand.u32 $0x10, s5;
	(pc) =	sbr.rel .LBB2_1-.Ltmp0, $4  }
0x6: {  	s2 =	sadd.s32 $0x1200, s7;
	s3 =	sadd.s32 $0xF43600, s7;
	s6 =	sor.u32 s1, s5  }
0x7: {  	[sflag:s4] =	ssyncpa.u1 $0x0;
	s5 =	simm.s32 $0x2;
	s6 =	sshll.u32 s6, $0x9  }
0x8: {  	s7 =	sadd.s32 $0xF43E00, s7;
	[sflag:s5] =	ssyncpa.u1 $0x0;
	s8 =	sadd.s32 $0x200, s6  }
0x9: {  	vm0 =	vmmov $0xff;
	vm1 =	vcmask $0x3F20;
	[sflag:s9] =	ssyncpa.u1 $0x0;
	s10 =	smov.u32 s6;
	s9 =	simm.s32 $0x0  }
.LBB2_7:
0xa: {  	p1 =	slt.u32 s9, $0x2;
	s11 =	sadd.s32 $0x100, s10  }
0xb: {  	s13 =	smov.u32 s6;
	s9 =	sadd.s32 $0x1, s9;
	p2 =	slt.s32 s11, s8  }
0xc: {  	s13 =	smov.u32 @p2 s11;
	p2 =	sne.s32 s9, $0x4  }
.Ltmp1:
0xd: {  	_ = 	snop;
	(pc) =	sbr.rel @!p2 .LBB2_8-.Ltmp1, $4  }
0xe: {  	s12 =	simm.s32 @!p1 $0x3  }
0xf: {  	_ =	swait.ge @!p1 [sflag:s12], $0x8000  }
0x10: {  	p0 =	por !p0, !p0;
	[sflag:s12] =	ssyncset.done @!p1 $0x0  }
0x11: {  	s11 =	smov.u32 s10;
	s10 =	smov.u32 s13;
	[sflag:s12] =	ssyncadd.s32 @!p1 $0xFFFF8000  }
.LBB2_1:
0x12: {  	p1 =	sgt.u32 s9, $0x1  }
0x13: {  	s12 =	sshll.u32 @!p1 s9, $0x8;
	s13 =	sshrl.u32 @!p1 s10, $0x3  }
0x14: {  	s14 =	sand.u32 @!p1 $0x7, s10;
	s12 =	sxor.u32 @!p1 $0x100, s12;
	s13 =	sadd.s32 @!p1 s3, s13  }
0x15: {  	[tilespmem:s12], [sflag:$0x2] =	stream.linear.gather @!p1 [hbm4b:s13+s14], $0x100, $0x38;
	[tilespmem:$0x10200] =	vst v63  }
0x16: {  	p1 =	seq.s32 s9, $0x0  }
0x17: {  	p2 =	seq.s32 @!p1 s9, $0x3  }
0x18: {  	p1 =	por p1, p2  }
.Ltmp2:
0x19: {  	_ = 	snop;
	(pc) =	sbr.rel @p1 .LBB2_7-.Ltmp2, $1  }
0x1a: {  	_ =	sdelay $0x3  }
0x1b: {  	s12 =	simm.s32 $0x1  }
0x1c: {  	_ =	swait.ge [sflag:s5], $0x100;
	s12 =	simm.s32 @!p0 $0x0  }
0x1d: {  	[sflag:s5] =	ssyncset.done $0x0;
	s14 =	sshll.u32 s12, $0x8  }
0x1e: {  	[sflag:s5] =	ssyncadd.s32 $0xFFFFFF00;
	s13 =	sadd.s32 $0x0, s14  }
0x1f: {  	v0 =	vld.msk [tilespmem:s13+$0x0 ss:$0x1], $0xffff;
	_ =	sdelay $0x4  }
0x20: {  	vm2 =	vgt.s32 v0, $0x0  }
0x21: {  	v0 =	vnsel vm2, $0x0, v0  }
0x22: {  	v0 =	vmin.u32 v0, $0xF423F  }
0x23: {  	v0 =	vshll.u32 v0, $0x4;
	_ =	sdelay $0x2  }
0x24: {  	s12 =	sshll.u32 s12, $0xF  }
0x25: {  	s12 =	sor.u32 $0x200, s12  }
0x26: {  	[tilespmem:s12], [sflag:$0x1] =	stream.indirect_vreg.gather [hbm:s2], $0x80, v0, vm0, $0x38;
	[tilespmem:$0x10200] =	vst v63  }
0x27: {  	s15 =	sadd.s32 $0x10, s14;
	s13 =	sadd.s32 $0x400, s12  }
0x28: {  	[tilespmem:s13], [sflag:$0x1] =	stream.indirect_vreg.gather [hbm:s2], $0x80, v0, vm1, $0x38;
	[tilespmem:$0x10200] =	vst v63  }
0x29: {  	s16 =	simm.s32 $0x80;
	v0 =	vld.msk [tilespmem:s15+$0x0 ss:$0x1], $0xffff;
	s15 =	smov.u32 s12  }
.LBB2_3:
0x2a: {  	p1 =	sne.s32 s16, $0x3C0;
	_ =	sdelay $0x4  }
0x2b: {  	vm2 =	vgt.s32 v0, $0x0  }
0x2c: {  	v0 =	vnsel vm2, $0x0, v0  }
0x2d: {  	v0 =	vmin.u32 v0, $0xF423F  }
0x2e: {  	v0 =	vshll.u32 v0, $0x4;
	_ =	sdelay $0x3  }
.Ltmp3:
0x2f: {  	s17 =	sshra.s32 s16, $0x2;
	s15 =	sadd.s32 $0x800, s15;
	(pc) =	sbr.rel @p1 .LBB2_3-.Ltmp3, $4  }
0x30: {  	[tilespmem:s15], [sflag:$0x1] =	stream.indirect_vreg.gather [hbm:s2], $0x80, v0, vm0, $0x38;
	[tilespmem:$0x10200] =	vst v63  }
0x31: {  	s17 =	sadd.s32 s17, s14;
	s18 =	sadd.s32 $0x400, s15  }
0x32: {  	[tilespmem:s18], [sflag:$0x1] =	stream.indirect_vreg.gather [hbm:s2], $0x80, v0, vm1, $0x38;
	[tilespmem:$0x10200] =	vst v63  }
0x33: {  	s16 =	sadd.s32 $0x40, s16;
	v0 =	vld.msk [tilespmem:s17+$0x0 ss:$0x1], $0xffff  }
0x34: {  	_ =	sdelay $0x3  }
0x35: {  	vm2 =	vgt.s32 v0, $0x0  }
0x36: {  	v0 =	vnsel vm2, $0x0, v0  }
0x37: {  	v0 =	vmin.u32 v0, $0xF423F  }
0x38: {  	v0 =	vshll.u32 v0, $0x4;
	_ =	sdelay $0x3  }
0x39: {  	s14 =	sadd.s32 $0x800, s15  }
0x3a: {  	[tilespmem:s14], [sflag:$0x1] =	stream.indirect_vreg.gather [hbm:s2], $0x80, v0, vm0, $0x38;
	[tilespmem:$0x10200] =	vst v63  }
0x3b: {  	s14 =	sadd.s32 $0x400, s14  }
0x3c: {  	[tilespmem:s14], [sflag:$0x1] =	stream.indirect_vreg.gather [hbm:s2], $0x80, v0, vm1, $0x38;
	[tilespmem:$0x10200] =	vst v63  }
0x3d: {  	s11 =	sshll.u32 s11, $0x4;
	_ =	swait.ge [sflag:s4], $0x8000  }
0x3e: {  	s11 =	sadd.s32 s11, s7;
	[sflag:s4] =	ssyncset.done $0x0  }
0x3f: {  	s15 =	sadd.s32 $0x0, s11;
	s14 =	simm.s32 $0x80;
	[sflag:s4] =	ssyncadd.s32 $0xFFFF8000  }
.LBB2_5:
0x40: {  	[hbm:s15] =	stream.linear.scatter [tilespmem:s12], [sflag:$0x3], $0x400, $0x38;
	[tilespmem:$0x10200] =	vst v63  }
0x41: {  	s15 =	smov.u32 s14;
	s12 =	smov.u32 s13;
	p1 =	sne.s32 s14, $0xF80  }
.Ltmp4:
0x42: {  	s14 =	sadd.s32 $0x80, s14;
	(pc) =	sbr.rel @p1 .LBB2_5-.Ltmp4, $2  }
0x43: {  	_ =	sdelay $0x2  }
0x44: {  	s13 =	sadd.s32 $0x400, s13;
	s15 =	sadd.s32 s15, s11  }
.Ltmp5:
0x45: {  	(pc) =	sbr.rel .LBB2_7-.Ltmp5, $2  }
0x46: {  	_ =	sdelay $0x2  }
0x47: {  	[hbm:s15] =	stream.linear.scatter [tilespmem:s12], [sflag:$0x3], $0x400, $0x38;
	[tilespmem:$0x10200] =	vst v63  }
.LBB2_8:
0x48: {  	_ =	sfence.sel $0x180000  }
0x49: {  	s2 =	simm.s32 $0x2;
	[bflag:$0x0] =	sbarrier.arrive $0xFFFF  }
0x4a: {  	s30 =	simm.s32 $0x3;
	[sflag:s2] =	ssyncpa.u1 $0x1  }
0x4b: {  	s31 =	simm.s32 $0x1;
	[sflag:s30] =	ssyncpa.u1 $0x1  }
0x4c: {  	[sflag:s31] =	ssyncpa.u1 $0x1  }
0x4d: {  	p0 =	sne.s32 s1, $0x0;
	_ =	strace $0x90000047  }
0x4e: {  	s0 =	sadd.s32 @!p0 $0x100000, s0;
	[bflag:$0x2] =	sbarrier.arrive $0xFFFF  }
0x4f: {  	[sflag:s0] =	ssyncadd.tile.s32 @!p0 $0x1;
	_ =	shalt  }
.Lfunc_end2:
_tile_overlayer_lowered:
.L_overlay_start_2:
0x50: {  	(tag) =	ssettag $0x2  }
0x51: {  	s0 =	rddreg [dreg:$0x0];
	s2 =	stileid.u32  }
0x52: {  	s1 =	rddreg [dreg:$0x1];
	p0 =	sne.s32 s2, $0x0  }
0x53: {  	s3 =	rddreg [dreg:$0x2];
	[bflag:$0x3] =	sbarrier.arrive $0xFFFF;
	s2 =	simm.s32 @!p0 $0x1C01  }
0x54: {  	[timem:s3], [sflag:s2] =	dma.local @!p0 [hbm:s0], s1  }
0x55: {  	s0 =	simm.s32 @!p0 $0x1  }
0x56: {  	_ =	swait.ge @!p0 [sflag:s0], s1  }
0x57: {  	s1 =	ssub.s32 @!p0 $0x0, s1;
	[sflag:s0] =	ssyncset.done @!p0 $0x0  }
0x58: {  	[sflag:s0] =	ssyncadd.s32 @!p0 s1  }
0x59: {  	[bflag:$0x3] =	sbarrier.arrive $0xFFFF  }
0x5a: {  	_ =	shalt  }

// kernel: kernel.4.cloned.1.call-start
scs
__scs_entry_jumppad:
0x0: {  	(pc) =	sbr.rel $0x88, $3  }
0x1: {  	(tag) =	ssettag $0x0;
	lr =	simm.s32 $0x1  }
0x2: {  	[smem:$0x3F9C] =	sst lr;
	_ =	strace $0xD0000000  }
0x3: {  	_ = 	snop  }
0x4: {  	_ = 	snop  }
0x5: {  	_ = 	snop  }
0x6: {  	_ = 	snop  }
0x7: {  	_ = 	snop  }
__scs_overlays_trampoline_lowered:
0x8: {  	[smem:$0x3FAB] =	sst s0  }
0x9: {  	[smem:$0x3FAC] =	sst s1  }
0xa: {  	[smem:$0x3FAD] =	sst s2  }
0xb: {  	[smem:$0x3FAE] =	sst s3  }
0xc: {  	[smem:$0x3FAF] =	sst s4  }
0xd: {  	[smem:$0x3FB0] =	sst s5  }
0xe: {  	[smem:$0x3FB1] =	sst s6  }
0xf: {  	[smem:$0x3FB2] =	sst s7  }
0x10: {  	[smem:$0x3FB3] =	sst s8  }
0x11: {  	[smem:$0x3FB4] =	sst s9;
	s0 =	simm.s32 @!p0 $0x0  }
0x12: {  	s1 =	sld [smem:$0x3F9A];
	s0 =	simm.s32 @p0 $0x1  }
0x13: {  	[smem:$0x3FB5] =	sst s0;
	s0 =	simm.s32 @!p1 $0x0  }
0x14: {  	s2 =	sld [smem:$0x3F99];
	s0 =	simm.s32 @p1 $0x1  }
0x15: {  	[smem:$0x3FB6] =	sst s0;
	s0 =	simm.s32 @!p2 $0x0  }
0x16: {  	s3 =	sld [smem:$0x3FDB];
	s0 =	simm.s32 @p2 $0x1  }
0x17: {  	s4 =	simm.s32 $0x1BF5;
	[smem:$0x3FB8] =	sst s0  }
0x18: {  	s0 =	sld [smem:$0x3F9B];
	_ =	swait.ge [sflag:s4], $0x0  }
0x19: {  	s7 =	sld [smem:$0x3F9C]  }
0x1a: {  	s8 =	sadd.s32 $0xFFFFE003, lr  }
0x1b: {  	s9 =	sadd.s32 $0xFFFFFEF7, lr;
	s5 =	simm.s32 $0xFFFFFFFF;
	p2 =	slt.u32 s8, $0xFFFFF086  }
0x1c: {  	p1 =	slt.u32 s9, $0xF7A;
	s5 =	simm.s32 @!p2 $0x0  }
0x1d: {  	s5 =	simm.s32 @p1 $0x1;
	p0 =	seq.s32 s7, s2  }
0x1e: {  	s7 =	smul.u32 @!p0 $0xF7A, s2;
	p2 =	seq.s32 @!p0 s5, $0x0  }
0x1f: {  	s9 =	smul.u32 $0xF7A, s1;
	s8 =	simm.s32 @!p0 $0x1BF5;
	p2 =	por !p2, p0  }
0x20: {  	[sflag:s8] =	ssyncset.s32 @!p0 $0xFFFFF086;
	s6 =	sadd.s32 @!p0 s3, s7;
	s7 =	simm.s32 @!p0 $0x108  }
0x21: {  	s3 =	sadd.s32 s3, s9;
	s6 =	sadd.s32 @!p0 $0x88, s6;
	s7 =	simm.s32 @p2 $0x1082  }
0x22: {  	[simem:s7], [sflag:s8] =	dma.local @!p0 [hbm:s6], $0xF7A  }
0x23: {  	s9 =	sor.u32 $0xD0000000, s2;
	s6 =	simm.s32 $0x108;
	_ =	swait.ge @!p0 [sflag:s8], $0x0  }
0x24: {  	s3 =	sadd.s32 $0x88, s3;
	s6 =	simm.s32 @!p1 $0x1082;
	[sflag:s4] =	ssyncset.s32 $0xFFFFF086  }
0x25: {  	[simem:s6], [sflag:s4] =	dma.local [hbm:s3], $0xF7A  }
0x26: {  	[smem:$0x3F9C] =	sst s1;
	(tag) =	ssettag s2;
	_ =	strace s9  }
0x27: {  	s1 =	sld [smem:$0x3FAC]  }
0x28: {  	s2 =	sld [smem:$0x3FAD]  }
0x29: {  	s4 =	sld [smem:$0x3FAF]  }
0x2a: {  	p0 =	seq.s32 s5, $0x0;
	s5 =	sld [smem:$0x3FB0]  }
0x2b: {  	s6 =	sld [smem:$0x3FB1]  }
0x2c: {  	s7 =	sld [smem:$0x3FB2]  }
0x2d: {  	s3 =	simm.s32 $0x108;
	s8 =	sld [smem:$0x3FB3]  }
0x2e: {  	s3 =	simm.s32 @!p0 $0x1082;
	s9 =	sld [smem:$0x3FB4]  }
0x2f: {  	lr =	sadd.s32 s0, s3;
	s0 =	sld [smem:$0x3FAB]  }
0x30: {  	s3 =	sld [smem:$0x3FAE]  }
0x31: {  	[smem:$0x3FB7] =	sst s10  }
0x32: {  	s10 =	sld [smem:$0x3FB5];
	_ =	sdelay $0x3  }
0x33: {  	p0 =	seq.s32 s10, $0x1;
	s10 =	sld [smem:$0x3FB7];
	_ =	sdelay $0x3  }
0x34: {  	[smem:$0x3FB7] =	sst s10  }
0x35: {  	s10 =	sld [smem:$0x3FB6];
	_ =	sdelay $0x3  }
0x36: {  	p1 =	seq.s32 s10, $0x1;
	s10 =	sld [smem:$0x3FB7];
	_ =	sdelay $0x3  }
0x37: {  	[smem:$0x3FB7] =	sst s10  }
0x38: {  	s10 =	sld [smem:$0x3FB8]  }
0x39: {  	_ = 	snop;
	(pc) =	sbr.ind lr, $3  }
0x3a: {  	_ = 	snop  }
0x3b: {  	_ = 	snop  }
0x3c: {  	p2 =	seq.s32 s10, $0x1;
	s10 =	sld [smem:$0x3FB7]  }
0x3d: {  	_ =	shalt  }
0x3e: {  	_ =	shalt  }
0x3f: {  	_ =	shalt  }
0x40: {  	_ =	shalt  }
0x41: {  	_ =	shalt  }
0x42: {  	_ =	shalt  }
0x43: {  	_ =	shalt  }
0x44: {  	_ =	shalt  }
0x45: {  	_ =	shalt  }
0x46: {  	_ =	shalt  }
0x47: {  	_ =	shalt  }
0x48: {  	_ =	shalt  }
0x49: {  	_ =	shalt  }
0x4a: {  	_ =	shalt  }
0x4b: {  	_ =	shalt  }
0x4c: {  	_ =	shalt  }
0x4d: {  	_ =	shalt  }
0x4e: {  	_ =	shalt  }
0x4f: {  	_ =	shalt  }
0x50: {  	_ =	shalt  }
0x51: {  	_ =	shalt  }
0x52: {  	_ =	shalt  }
0x53: {  	_ =	shalt  }
0x54: {  	_ =	shalt  }
0x55: {  	_ =	shalt  }
0x56: {  	_ =	shalt  }
0x57: {  	_ =	shalt  }
0x58: {  	_ =	shalt  }
0x59: {  	_ =	shalt  }
0x5a: {  	_ =	shalt  }
0x5b: {  	_ =	shalt  }
0x5c: {  	_ =	shalt  }
0x5d: {  	_ =	shalt  }
0x5e: {  	_ =	shalt  }
0x5f: {  	_ =	shalt  }
0x60: {  	_ =	shalt  }
0x61: {  	_ =	shalt  }
0x62: {  	_ =	shalt  }
0x63: {  	_ =	shalt  }
0x64: {  	_ =	shalt  }
0x65: {  	_ =	shalt  }
0x66: {  	_ =	shalt  }
0x67: {  	_ =	shalt  }
0x68: {  	_ =	shalt  }
0x69: {  	_ =	shalt  }
0x6a: {  	_ =	shalt  }
0x6b: {  	_ =	shalt  }
0x6c: {  	_ =	shalt  }
0x6d: {  	_ =	shalt  }
0x6e: {  	_ =	shalt  }
0x6f: {  	_ =	shalt  }
0x70: {  	_ =	shalt  }
0x71: {  	_ =	shalt  }
0x72: {  	_ =	shalt  }
0x73: {  	_ =	shalt  }
0x74: {  	_ =	shalt  }
0x75: {  	_ =	shalt  }
0x76: {  	_ =	shalt  }
0x77: {  	_ =	shalt  }
0x78: {  	_ =	shalt  }
0x79: {  	_ =	shalt  }
0x7a: {  	_ =	shalt  }
0x7b: {  	_ =	shalt  }
0x7c: {  	_ =	shalt  }
0x7d: {  	_ =	shalt  }
0x7e: {  	_ =	shalt  }
0x7f: {  	_ =	shalt  }
0x80: {  	_ =	shalt  }
0x81: {  	_ =	shalt  }
0x82: {  	_ =	shalt  }
0x83: {  	_ =	shalt  }
0x84: {  	_ =	shalt  }
0x85: {  	_ =	shalt  }
0x86: {  	_ =	shalt  }
0x87: {  	_ =	shalt  }
.Lfunc_end0:
.L_simem_size_0:
called_computation.1_lowered:
.L_overlay_start_0:
0x88: {  	s2 =	sld [smem:$0x3FD9]  }
0x89: {  	s3 =	sld [smem:$0x3FFE];
	_ =	sdelay $0x1  }
0x8a: {  	s1 =	srdreg.scid  }
0x8b: {  	s0 =	sand.u32 $0x1, s1  }
0x8c: {  	s16 =	sshll.u32 s0, $0xA;
	s2 =	sadd.s32 s3, s2  }
0x8d: {  	s2 =	sadd.s32 s2, s16  }
0x8e: {  	[smem:$0x3FC3] =	sst s2  }
0x8f: {  	_ = 	snop  }
0x90: {  	(tm) =	ssettm $0x1  }
0x91: {  	s17 =	sld [smem:$0x3FFB];
	_ =	sdelay $0x3  }
0x92: {  	_ =	strace s17  }
0x93: {  	s2 =	sld [smem:$0x3FFC];
	_ =	sdelay $0x3  }
0x94: {  	_ =	strace s2  }
0x95: {  	s2 =	sld [smem:$0x3FFD];
	_ =	sdelay $0x3  }
0x96: {  	_ =	strace s2  }
0x97: {  	_ =	strace $0x8FFFFFFF  }
0x98: {  	s18 =	sld [smem:$0x3FDB];
	_ =	sdelay $0x1  }
0x99: {  	s19 =	simm.s32 $_scs_section_size  }
0x9a: {  	s4 =	simm.s32 $_size__tile_overlayer_lowered;
	s5 =	simm.s32 $_tile_overlayer_lowered  }
0x9b: {  	s22 =	simm.s32 $0x1BFF;
	s21 =	sshll.u32 s5, $0x1;
	s2 =	sadd.s32 s19, s18  }
0x9c: {  	s6 =	simm.s32 $0x0;
	s20 =	sshll.u32 s4, $0x1;
	s4 =	sadd.s32 s21, s2  }
0x9d: {  	[timem:s6], [sflag:s22] =	dma.local [hbm:s4], s20  }
0x9e: {  	_ =	swait.ge [sflag:s22], s20  }
0x9f: {  	s3 =	ssub.s32 $0x0, s20;
	[sflag:s22] =	ssyncset.done $0x0  }
0xa0: {  	[sflag:s22] =	ssyncadd.s32 s3;
	_ =	sdelay $0x1  }
0xa1: {  	s23 =	simm.s32 $0x1B8B  }
0xa2: {  	_ =	swait.ge [sflag:s23], $0x1  }
0xa3: {  	[sflag:s23] =	ssyncset.done $0x0  }
0xa4: {  	s25 =	simm.s32 $0x1B8E;
	s24 =	sld [smem:$0x3FFE];
	[sflag:s23] =	ssyncadd.s32 $0xFFFFFFFF  }
0xa5: {  	s26 =	simm.s32 $execute0_lowered;
	[smem:$0x3FD2] =	sst s25  }
0xa6: {  	s4 =	sshll.u32 s26, $0x1;
	_ =	strace $0x80000049;
	[dreg:$0x1] =	wrdreg $0xFFFFFFFF  }
0xa7: {  	s28 =	simm.s32 $_size_execute0_lowered;
	s2 =	sadd.s32 s2, s4;
	[dreg:$0x0] =	wrdreg $0x0  }
0xa8: {  	s4 =	sshll.u32 s28, $0x1;
	[dreg:$0x2] =	wrdreg s2  }
0xa9: {  	[dreg:$0x3] =	wrdreg s4  }
0xaa: {  	[dreg:$0x4] =	wrdreg $0xC0  }
0xab: {  	_ =	task [dreg:s6], $0x5FFFF  }
0xac: {  	[dreg:$0x1] =	wrdreg $0xFFFFFFFF  }
0xad: {  	[dreg:$0x0] =	wrdreg $0x60  }
0xae: {  	[dreg:$0x2] =	wrdreg s24  }
0xaf: {  	[dreg:$0x3] =	wrdreg $0x9  }
0xb0: {  	_ =	task.clear_ibuf [dreg:s6], $0x4FFFF;
	_ =	strace $0x90000049  }
0xb1: {  	s29 =	simm.s32 $0x9;
	_ =	strace $0x8000004B  }
0xb2: {  	_ =	swait.ge [sflag:s29], $0x1  }
0xb3: {  	[sflag:s29] =	ssyncadd.s32 $0xFFFFFFFF  }
0xb4: {  	_ =	strace $0x9000004B  }
0xb5: {  	_ =	sfence  }
0xb6: {  	s30 =	sld [smem:$0x0];
	_ =	sdelay $0x2  }
0xb7: {  	s31 =	sshll.u32 s1, $0xD;
	s1 =	sshrl.u32 s1, $0x2  }
0xb8: {  	s3 =	sand.u32 $0x4000, s31;
	s1 =	sadd.s32 s1, s30  }
0xb9: {  	s0 =	sor.u32 s3, s0;
	s1 =	sshll.u32 s1, $0x11  }
0xba: {  	s0 =	sor.u32 s1, s0  }
0xbb: {  	s0 =	sadd.s32 $0x8F2B, s0  }
0xbc: {  	[sflag:s0] =	ssyncadd.remote.s32 $0x1  }
0xbd: {  	_ =	sfence.sel $0xFFFF  }
0xbe: {  	[dreg:$0x0] =	wrdreg $0xFFFFFFFF;
	(pc) =	sbr.abs _section_cstart, $3  }
0xbf: {  	[dreg:$0x1] =	wrdreg $0xFFFFFFFF  }
0xc0: {  	_ =	task.clear_ibuf [dreg:s6], $0x2FFFF;
	_ =	strace $0x9FFFFFFF  }
0xc1: {  	(tm) =	ssettm $0x7FFFFFFF  }
tec
execute0_lowered:
.L_overlay_start_1:
0x0: {  	(tag) =	ssettag $0x1  }
0x1: {  	v41 =	vlaneseq.u32  }
0x2: {  	s6 =	rddreg [dreg:$0x0];
	s2 =	simm.s32 $0x0;
	v29 =	vmul.u32 $0xA80, v41  }
0x3: {  	[smem:$0x7FF] =	sst s2;
	v46 =	vmul.u32 $0x80, v41  }
0x4: {  	s0 =	rddreg [dreg:$0x1];
	_ =	strace $0x8000004A;
	[tilespmem:$0x1FEB0] =	vst v29  }
0x5: {  	v1 =	vadd.s32 $0xA00, v29;
	[tilespmem:$0x1FFF0] =	vst v46  }
0x6: {  	v51 =	vadd.s32 $0x80, v29;
	[tilespmem:$0x1FEA0] =	vst v1  }
0x7: {  	v50 =	vadd.s32 $0x100, v29;
	[tilespmem:$0x1FEC0] =	vst v51  }
0x8: {  	v47 =	vadd.s32 $0x180, v29;
	[tilespmem:$0x1FED0] =	vst v50  }
0x9: {  	v9 =	vadd.s32 $0x200, v29;
	[tilespmem:$0x1FEE0] =	vst v47  }
0xa: {  	v49 =	vadd.s32 $0x280, v29;
	[tilespmem:$0x1FEF0] =	vst v9  }
0xb: {  	v30 =	vadd.s32 $0x300, v29;
	[tilespmem:$0x1FF00] =	vst v49  }
0xc: {  	v52 =	vadd.s32 $0x380, v29;
	[tilespmem:$0x1FF10] =	vst v30  }
0xd: {  	v42 =	vadd.s32 $0x400, v29;
	[tilespmem:$0x1FF20] =	vst v52  }
0xe: {  	v14 =	vadd.s32 $0x480, v29;
	[tilespmem:$0x1FF30] =	vst v42  }
0xf: {  	v35 =	vadd.s32 $0x500, v29;
	[tilespmem:$0x1FF40] =	vst v14  }
0x10: {  	v56 =	vadd.s32 $0x580, v29;
	[tilespmem:$0x1FF50] =	vst v35  }
0x11: {  	s3 =	srdreg.scid;
	s1 =	stileid.u32;
	s12 =	simm.s32 $0x5;
	v55 =	vadd.s32 $0x600, v29;
	[tilespmem:$0x1FF60] =	vst v56  }
0x12: {  	s13 =	simm.s32 $0x150;
	s14 =	simm.s32 $0x12A0;
	s7 =	sand.u32 $0x1, s3;
	v58 =	vadd.s32 $0x680, v29;
	[tilespmem:$0x1FF70] =	vst v55  }
0x13: {  	s15 =	simm.s32 $0x2A0;
	s31 =	sshll.u32 s1, $0xA;
	s4 =	sshll.u32 s7, $0x9;
	v60 =	vadd.s32 $0x700, v29;
	[tilespmem:$0x1FF80] =	vst v58  }
0x14: {  	s16 =	simm.s32 $0x6;
	s7 =	ssub.s32 $0x2, s7;
	s3 =	sor.u32 s4, s31;
	v63 =	vadd.s32 $0x780, v29;
	[tilespmem:$0x1FF90] =	vst v60  }
0x15: {  	s17 =	simm.s32 $0x0;
	s10 =	sshrl.u32 s7, $0x1;
	v57 =	vadd.s32 $0x800, v29;
	s8 =	smul.u32 $0x15, s3;
	[tilespmem:$0x1FFA0] =	vst v63  }
0x16: {  	s4 =	sadd.s32 $0xF83E00, s6;
	v0 =	vadd.s32 $0x880, v29;
	s5 =	sshll.u32 s3, $0x4;
	s11 =	ssub.s32 s7, s10;
	[tilespmem:$0x1FFB0] =	vst v57  }
0x17: {  	v61 =	vadd.s32 $0x900, v29;
	s10 =	sor.u32 $0x20, s3;
	[tilespmem:$0x1FFC0] =	vst v0;
	s9 =	sadd.s32 s5, s6;
	s8 =	sshrl.u32 s8, $0x3  }
0x18: {  	v62 =	vadd.s32 $0x980, v29;
	[tilespmem:$0x1FFD0] =	vst v61;
	s5 =	sadd.s32 $0x1ED2200, s6;
	s6 =	sadd.s32 $0x41200, s6;
	s7 =	sadd.s32 s4, s8  }
0x19: {  	[tilespmem:$0x1FFE0] =	vst v62;
	s11 =	smax.u32 s11, $0x1;
	s8 =	sadd.s32 $0x1200, s9;
	s9 =	sadd.s32 $0x2A, s7  }
.LBB2_1:
0x1a: {  	[tilespmem:s2], [sflag:$0x5] =	stream.linear.gather [hbm4b:s7+s2], $0x150, $0x38;
	[tilespmem:$0x16540] =	vst v63  }
0x1b: {  	_ =	swait.ge [sflag:s12], $0x150  }
0x1c: {  	[sflag:s12] =	ssyncset.done $0x0  }
0x1d: {  	[sflag:s12] =	ssyncadd.s32 $0xFFFFFEB0  }
0x1e: {  	[tilespmem:s14], [sflag:$0x3] =	stream.indirect.gather [hbm4b:s5+s13], $0x80, s2, s13, $0xb8;
	[tilespmem:$0x16540] =	vst v63  }
0x1f: {  	_ = 	snop  }
0x20: {  	[tilespmem:s15], [sflag:$0x1] =	stream.linear.gather [hbm4b:s8+s2], $0x800, $0x38;
	[tilespmem:$0x16540] =	vst v63  }
0x21: {  	s18 =	simm.s32 $0x0  }
0x22: {  	[tilespmem:s13], [sflag:$0x5] =	stream.linear.gather [hbm4b:s9+s2], $0x150, $0x38;
	[tilespmem:$0x16540] =	vst v63  }
.LBB2_2:
0x23: {  	s22 =	sand.u32 $0x1, s18;
	p0 =	seq.s32 s18, $0x1F  }
0x24: {  	s19 =	sxor.u32 @!p0 $0x1, s22;
	s20 =	simm.s32 @!p0 $0x5  }
0x25: {  	_ =	swait.ge @!p0 [sflag:s20], $0x150;
	s23 =	smul.u32 @!p0 $0x2A000, s19  }
0x26: {  	s21 =	smov.u32 s18;
	s18 =	smul.u32 @!p0 $0x540, s19;
	[sflag:s20] =	ssyncset.done @!p0 $0x0  }
0x27: {  	s24 =	simm.s32 @!p0 $0x150;
	[sflag:s20] =	ssyncadd.s32 @!p0 $0xFFFFFEB0;
	s20 =	sshrl.u32 @!p0 s23, $0x2  }
0x28: {  	s18 =	sshrl.u32 @!p0 s18, $0x2;
	s23 =	sadd.s32 @!p0 $0x3, s19;
	s20 =	sadd.s32 @!p0 $0x12A0, s20  }
0x29: {  	[tilespmem:s20], [sflag:s23] =	stream.indirect.gather @!p0 [hbm4b:s5+s24], $0x80, s18, s24, $0xb8;
	[tilespmem:$0x16540] =	vst v63  }
0x2a: {  	p1 =	sgt.u32 @!p0 s21, $0x1D;
	s18 =	sadd.s32 $0x1, s21  }
0x2b: {  	s20 =	sshll.u32 @!p0 s19, $0xB;
	s19 =	sadd.s32 @!p0 $0x1, s19;
	s23 =	sshll.u32 @!p0 s18, $0x8  }
0x2c: {  	s24 =	simm.s32 @!p0 $0x0;
	s20 =	sor.u32 @!p0 $0x2A0, s20;
	s23 =	sadd.s32 @!p0 s23, s8  }
0x2d: {  	[tilespmem:s20], [sflag:s19] =	stream.linear.gather @!p0 [hbm4b:s23+s24], $0x800, $0x38;
	[tilespmem:$0x16540] =	vst v63  }
0x2e: {  	p0 =	por p1, p0  }
0x2f: {  	s19 =	sshll.u32 @!p0 s21, $0x4  }
0x30: {  	s19 =	sadd.s32 @!p0 s19, s10  }
0x31: {  	s19 =	smul.u32 @!p0 $0x15, s19  }
0x32: {  	s20 =	smul.u32 @!p0 $0x540, s22  }
0x33: {  	s25 =	sadd.s32 $0x3, s22;
	s19 =	sshrl.u32 @!p0 s19, $0x3  }
0x34: {  	s23 =	simm.s32 @!p0 $0x0;
	s20 =	sshrl.u32 @!p0 s20, $0x2;
	s19 =	sadd.s32 @!p0 s4, s19  }
0x35: {  	[tilespmem:s20], [sflag:$0x5] =	stream.linear.gather @!p0 [hbm4b:s19+s23], $0x150, $0x38;
	[tilespmem:$0x16540] =	vst v63  }
0x36: {  	_ =	swait.ge [sflag:s25], $0xA800  }
0x37: {  	s26 =	simm.s32 $0x1;
	[sflag:s25] =	ssyncset.done $0x0  }
0x38: {  	s30 =	simm.s32 $0x2;
	s28 =	sadd.s32 $0x1, s22;
	v0 =	vadd.s32 s26, v41;
	[sflag:s25] =	ssyncadd.s32 $0xFFFF5800  }
0x39: {  	v4 =	vadd.s32 s30, v41;
	v11 =	vand.u32 $0x3F, v0;
	_ =	swait.ge [sflag:s28], $0x800  }
0x3a: {  	v10 =	vand.u32 $0x3F, v4;
	v3 =	vor.u32 v52, v11;
	p0 =	seq.s32 s21, $0x0;
	[sflag:s28] =	ssyncset.done $0x0  }
0x3b: {  	s29 =	smul.u32 $0x2A000, s22;
	v4 =	vor.u32 v49, v10;
	s19 =	simm.s32 @!p0 $0x6;
	[sflag:s28] =	ssyncadd.s32 $0xFFFFF800  }
0x3c: {  	v6 =	vor.u32 v35, v10;
	_ =	swait.ge @!p0 [sflag:s19], $0x150  }
0x3d: {  	v7 =	vor.u32 v52, v10;
	s24 =	sshrl.u32 s29, $0x2;
	[sflag:s19] =	ssyncset.done @!p0 $0x0  }
0x3e: {  	v61 =	vmov v9;
	v9 =	vor.u32 v9, v10;
	[sflag:s19] =	ssyncadd.s32 @!p0 $0xFFFFFEB0;
	s19 =	sadd.s32 $0x12A0, s24  }
0x3f: {  	v8 =	vld.idx.msk [tilespmem:v3+s19+$0x0], $0xffff;
	v3 =	vor.u32 v14, v10  }
0x40: {  	s25 =	simm.s32 $0x3;
	v13 =	vld.idx.msk [tilespmem:v4+s19+$0x0], $0xffff;
	v4 =	vor.u32 v46, v10  }
0x41: {  	v19 =	vmov v14;
	v0 =	vor.u32 v46, v11;
	v14 =	vld.idx.msk [tilespmem:v6+s19+$0x0], $0xffff;
	v6 =	vadd.s32 s25, v41  }
0x42: {  	v1 =	vor.u32 v35, v11;
	v16 =	vld.idx.msk [tilespmem:v7+s19+$0x0], $0xffff;
	v17 =	vand.u32 $0x3F, v6  }
0x43: {  	s31 =	sshll.u32 s22, $0xB;
	v60 =	vmov v19;
	v18 =	vld.idx.msk [tilespmem:v9+s19+$0x0], $0xffff;
	v9 =	vor.u32 v19, v17;
	v19 =	vor.u32 v46, v17  }
0x44: {  	v5 =	vor.u32 v29, v11;
	s20 =	sor.u32 $0x2A0, s31;
	v7 =	vld.idx.msk [tilespmem:v3+s19+$0x0], $0xffff  }
0x45: {  	v3 =	vld.idx.msk [tilespmem:v4+s20+$0x0], $0xffff;
	v4 =	vor.u32 v61, v17  }
0x46: {  	v0 =	vld.idx.msk [tilespmem:v0+s20+$0x0], $0xffff  }
0x47: {  	s26 =	simm.s32 $0x0;
	v1 =	vld.idx.msk [tilespmem:v1+s19+$0x0], $0xffff  }
0x48: {  	v33 =	vld.idx.msk [tilespmem:v19+s20+$0x0], $0xffff;
	v19 =	vadd.s32 s26, v41  }
0x49: {  	v5 =	vld.idx.msk [tilespmem:v5+s19+$0x0], $0xffff;
	v6 =	vor.u32 v35, v17;
	v19 =	vand.u32 $0x3F, v19  }
0x4a: {  	v26 =	vld.idx.msk [tilespmem:v4+s19+$0x0], $0xffff;
	v4 =	vor.u32 v46, v19;
	_ =	sdelay $0x1  }
0x4b: {  	v12 =	vor.u32 v50, v10;
	v1 =	vmul.f32 v1, v0;
	v9 =	vld.idx.msk [tilespmem:v9+s19+$0x0], $0xffff  }
0x4c: {  	v21 =	vor.u32 v30, v10  }
0x4d: {  	v22 =	vld.idx.msk [tilespmem:v6+s19+$0x0], $0xffff;
	[tilespmem:$0x1FE10] =	vst v1;
	v1 =	vor.u32 v60, v11  }
0x4e: {  	v36 =	vld.idx.msk [tilespmem:v4+s20+$0x0], $0xffff;
	v4 =	vmul.f32 v5, v0;
	_ =	sdelay $0x1  }
0x4f: {  	v20 =	vld.idx.msk [tilespmem:v12+s19+$0x0], $0xffff;
	v12 =	vor.u32 v51, v17;
	[tilespmem:$0x1FDD0] =	vst v4;
	v4 =	vmul.f32 v9, v33  }
0x50: {  	v15 =	vor.u32 v51, v10;
	v21 =	vld.idx.msk [tilespmem:v21+s19+$0x0], $0xffff  }
0x51: {  	v24 =	vor.u32 v29, v10;
	[tilespmem:$0x1FDE0] =	vst v4;
	v4 =	vmul.f32 v22, v33;
	v22 =	vld.idx.msk [tilespmem:v1+s19+$0x0], $0xffff  }
0x52: {  	v23 =	vor.u32 v49, v17;
	v1 =	vld [tilespmem:$0x1FF10]  }
0x53: {  	v30 =	vor.u32 v30, v17  }
0x54: {  	v25 =	vld.idx.msk [tilespmem:v12+s19+$0x0], $0xffff;
	v12 =	vor.u32 v47, v10  }
0x55: {  	v31 =	vor.u32 v61, v11;
	v15 =	vld.idx.msk [tilespmem:v15+s19+$0x0], $0xffff  }
0x56: {  	v34 =	vld.idx.msk [tilespmem:v24+s19+$0x0], $0xffff  }
0x57: {  	v6 =	vor.u32 v52, v17;
	v53 =	vld.idx.msk [tilespmem:v23+s19+$0x0], $0xffff;
	v45 =	vor.u32 v1, v19;
	v1 =	vmul.f32 v21, v3  }
0x58: {  	v30 =	vld.idx.msk [tilespmem:v30+s19+$0x0], $0xffff;
	v24 =	vor.u32 v52, v19  }
0x59: {  	v40 =	vor.u32 v51, v19;
	v48 =	vld.idx.msk [tilespmem:v12+s19+$0x0], $0xffff;
	[tilespmem:$0x1FE20] =	vst v1;
	v1 =	vmul.f32 v26, v33  }
0x5a: {  	v31 =	vld.idx.msk [tilespmem:v31+s19+$0x0], $0xffff;
	v37 =	vmul.f32 v8, v0  }
0x5b: {  	v8 =	vor.u32 v47, v11;
	v56 =	vor.u32 v49, v19;
	[tilespmem:$0x1FE00] =	vst v1;
	v1 =	vmul.f32 v14, v3  }
0x5c: {  	v43 =	vmul.f32 v13, v3;
	v63 =	vmul.f32 v34, v3;
	v28 =	vld.idx.msk [tilespmem:v6+s19+$0x0], $0xffff;
	v12 =	vor.u32 v51, v11  }
0x5d: {  	v34 =	vmul.f32 v53, v33;
	v13 =	vld.idx.msk [tilespmem:v24+s19+$0x0], $0xffff;
	[tilespmem:$0x1FE90] =	vst v1;
	v1 =	vmul.f32 v30, v33  }
0x5e: {  	v53 =	vmul.f32 v48, v3;
	v48 =	vmul.f32 v15, v3;
	v15 =	vld.idx.msk [tilespmem:v40+s19+$0x0], $0xffff  }
0x5f: {  	v38 =	vor.u32 v29, v17;
	[tilespmem:$0x1FD60] =	vst v1;
	v1 =	vld [tilespmem:$0x1FF10]  }
0x60: {  	v23 =	vmov v42;
	[tilespmem:$0x1FD50] =	vst v4;
	v4 =	vmul.f32 v25, v33;
	v25 =	vor.u32 v60, v19;
	v21 =	vld.idx.msk [tilespmem:v8+s19+$0x0], $0xffff  }
0x61: {  	v8 =	vld.idx.msk [tilespmem:v12+s19+$0x0], $0xffff;
	v26 =	vor.u32 v23, v19  }
0x62: {  	v2 =	vor.u32 v49, v11;
	v12 =	vmul.f32 v28, v33;
	v28 =	vld.idx.msk [tilespmem:v56+s19+$0x0], $0xffff  }
0x63: {  	v55 =	vor.u32 v50, v11;
	v39 =	vor.u32 v29, v19;
	v58 =	vor.u32 v61, v19;
	v59 =	vld.idx.msk [tilespmem:v45+s19+$0x0], $0xffff  }
0x64: {  	s28 =	simm.s32 $0x5;
	v6 =	vlaneseq.u32;
	v14 =	vor.u32 v23, v11;
	v11 =	vor.u32 v1, v11;
	v1 =	vld.idx.msk [tilespmem:v38+s19+$0x0], $0xffff  }
0x65: {  	v24 =	vmov v46;
	v46 =	vmul.f32 v31, v0;
	v31 =	vadd.s32 s28, v6;
	v56 =	vld.idx.msk [tilespmem:v25+s19+$0x0], $0xffff  }
0x66: {  	v27 =	vor.u32 v50, v17;
	v25 =	vand.u32 $0x3F, v31;
	v54 =	vld.idx.msk [tilespmem:v26+s19+$0x0], $0xffff  }
0x67: {  	v41 =	vor.u32 v23, v10;
	v9 =	vmul.f32 v7, v3;
	v31 =	vor.u32 v24, v25  }
0x68: {  	v7 =	vmul.f32 v18, v3;
	v13 =	vmul.f32 v13, v36;
	v30 =	vld.idx.msk [tilespmem:v58+s19+$0x0], $0xffff;
	v38 =	vor.u32 v35, v25  }
0x69: {  	v32 =	vimm.f32 $0.0e+00;
	v18 =	vld.idx.msk [tilespmem:v39+s19+$0x0], $0xffff;
	v39 =	vmul.f32 v59, v36;
	[tilespmem:$0x1FE30] =	vst v1;
	v1 =	vor.u32 v49, v25  }
0x6a: {  	v2 =	vld.idx.msk [tilespmem:v2+s19+$0x0], $0xffff;
	v57 =	vor.u32 v50, v19;
	v13 =	vadd.f32 v13, v32;
	v15 =	vmul.f32 v15, v36  }
0x6b: {  	s29 =	simm.s32 $0x6;
	v28 =	vmul.f32 v28, v36;
	v45 =	vld.idx.msk [tilespmem:v55+s19+$0x0], $0xffff;
	v40 =	vmul.f32 v54, v36;
	v10 =	vadd.f32 v39, v32  }
0x6c: {  	v59 =	vld.idx.msk [tilespmem:v31+s20+$0x0], $0xffff;
	v39 =	vadd.f32 v15, v32;
	v54 =	vmul.f32 v8, v0;
	v15 =	vadd.s32 s29, v6  }
0x6d: {  	v26 =	vmul.f32 v30, v36;
	v30 =	vor.u32 v52, v25;
	v15 =	vand.u32 $0x3F, v15;
	v31 =	vld.idx.msk [tilespmem:v38+s19+$0x0], $0xffff  }
0x6e: {  	v55 =	vadd.f32 v40, v32;
	v40 =	vor.u32 v49, v15;
	v38 =	vadd.f32 v54, v39;
	v39 =	vld.idx.msk [tilespmem:v1+s19+$0x0], $0xffff  }
0x6f: {  	v62 =	vor.u32 v42, v17;
	v2 =	vmul.f32 v2, v0;
	v27 =	vld.idx.msk [tilespmem:v27+s19+$0x0], $0xffff;
	v28 =	vadd.f32 v28, v32  }
0x70: {  	v42 =	vld.idx.msk [tilespmem:v57+s19+$0x0], $0xffff;
	v13 =	vadd.f32 v37, v13;
	v37 =	vmul.f32 v56, v36;
	v57 =	vor.u32 v35, v15  }
0x71: {  	v2 =	vadd.f32 v2, v28;
	v28 =	vadd.f32 v48, v38  }
0x72: {  	v54 =	vadd.f32 v37, v32;
	v37 =	vld.idx.msk [tilespmem:v30+s19+$0x0], $0xffff  }
0x73: {  	v30 =	vld.idx.msk [tilespmem:v40+s19+$0x0], $0xffff;
	v40 =	vadd.f32 v4, v28;
	v4 =	vmul.f32 v39, v59  }
0x74: {  	v41 =	vld.idx.msk [tilespmem:v41+s19+$0x0], $0xffff  }
0x75: {  	v8 =	vmul.f32 v27, v33;
	v27 =	vor.u32 v50, v15;
	[tilespmem:$0x1FD70] =	vst v4;
	v4 =	vld.idx.msk [tilespmem:v57+s19+$0x0], $0xffff  }
0x76: {  	v1 =	vor.u32 v24, v15  }
0x77: {  	v58 =	vor.u32 v52, v15;
	_ =	sdelay $0x1  }
0x78: {  	v44 =	vor.u32 v47, v19;
	v16 =	vmul.f32 v16, v3;
	v20 =	vmul.f32 v20, v3  }
0x79: {  	v41 =	vmul.f32 v41, v3;
	v3 =	vld.idx.msk [tilespmem:v27+s19+$0x0], $0xffff;
	[tilespmem:$0x1FE70] =	vst v4;
	v4 =	vmul.f32 v37, v59  }
0x7a: {  	v48 =	vor.u32 v60, v15;
	v27 =	vld.idx.msk [tilespmem:v1+s20+$0x0], $0xffff  }
0x7b: {  	v16 =	vadd.f32 v16, v13;
	v13 =	vmov v60;
	v60 =	vor.u32 v61, v15;
	[tilespmem:$0x1FD80] =	vst v4;
	v4 =	vld.idx.msk [tilespmem:v58+s19+$0x0], $0xffff  }
0x7c: {  	v56 =	vor.u32 v51, v15;
	v1 =	vld [tilespmem:$0x1FF10]  }
0x7d: {  	v19 =	vor.u32 v35, v19  }
0x7e: {  	s30 =	simm.s32 $0x7;
	v44 =	vld.idx.msk [tilespmem:v44+s19+$0x0], $0xffff  }
0x7f: {  	v28 =	vld.idx.msk [tilespmem:v48+s19+$0x0], $0xffff;
	v57 =	vadd.s32 s30, v6  }
0x80: {  	v5 =	vor.u32 v29, v25;
	v38 =	vand.u32 $0x3F, v57;
	[tilespmem:$0x1FE60] =	vst v4;
	v4 =	vld.idx.msk [tilespmem:v60+s19+$0x0], $0xffff  }
0x81: {  	v48 =	vmov v13;
	v60 =	vor.u32 v13, v38;
	v13 =	vor.u32 v1, v15;
	v1 =	vld.idx.msk [tilespmem:v56+s19+$0x0], $0xffff  }
0x82: {  	v19 =	vld.idx.msk [tilespmem:v19+s19+$0x0], $0xffff;
	_ =	sdelay $0x1  }
0x83: {  	v44 =	vmul.f32 v44, v36;
	v2 =	vadd.f32 v43, v2  }
0x84: {  	v22 =	vmul.f32 v22, v0;
	v5 =	vld.idx.msk [tilespmem:v5+s19+$0x0], $0xffff;
	[tilespmem:$0x1FE50] =	vst v4;
	v4 =	vor.u32 v29, v15  }
0x85: {  	v18 =	vmul.f32 v18, v36;
	v14 =	vld.idx.msk [tilespmem:v14+s19+$0x0], $0xffff;
	[tilespmem:$0x1FE40] =	vst v1;
	v1 =	vadd.f32 v34, v2  }
0x86: {  	v19 =	vmul.f32 v19, v36;
	v36 =	vmul.f32 v42, v36;
	[tilespmem:$0x1FD90] =	vst v3;
	v2 =	vadd.f32 v22, v54  }
0x87: {  	v44 =	vadd.f32 v44, v32;
	v18 =	vadd.f32 v18, v32;
	[tilespmem:$0x1FDA0] =	vst v1;
	v1 =	vor.u32 v29, v38  }
0x88: {  	v3 =	vadd.f32 v36, v32;
	v2 =	vadd.f32 v9, v2;
	[tilespmem:$0x1FDB0] =	vst v1;
	v1 =	vor.u32 v23, v38  }
0x89: {  	v9 =	vadd.f32 v19, v32;
	[tilespmem:$0x1FDC0] =	vst v1;
	v1 =	vadd.f32 v26, v32;
	v32 =	vld.idx.msk [tilespmem:v4+s19+$0x0], $0xffff  }
0x8a: {  	v37 =	vmul.f32 v5, v59;
	v5 =	vor.u32 v50, v38;
	v4 =	vld [tilespmem:$0x1FDE0]  }
0x8b: {  	v14 =	vmul.f32 v14, v0  }
0x8c: {  	v42 =	vmul.f32 v45, v0  }
0x8d: {  	v54 =	vld.idx.msk [tilespmem:v60+s19+$0x0], $0xffff;
	v60 =	vadd.f32 v14, v55  }
0x8e: {  	v11 =	vld.idx.msk [tilespmem:v11+s19+$0x0], $0xffff;
	v3 =	vadd.f32 v42, v3;
	v14 =	vadd.f32 v12, v16  }
0x8f: {  	s31 =	simm.s32 $0x4;
	v17 =	vor.u32 v47, v17;
	v16 =	vadd.f32 v41, v60;
	v60 =	vadd.f32 v4, v2;
	v4 =	vld.idx.msk [tilespmem:v5+s19+$0x0], $0xffff  }
0x90: {  	v21 =	vmul.f32 v21, v0;
	v20 =	vadd.f32 v20, v3;
	v3 =	vadd.s32 s31, v6;
	v6 =	vld [tilespmem:$0x1FDD0];
	_ =	sdelay $0x1  }
0x91: {  	v21 =	vadd.f32 v21, v44;
	v44 =	vor.u32 v24, v38  }
0x92: {  	v62 =	vld.idx.msk [tilespmem:v62+s19+$0x0], $0xffff;
	v45 =	vor.u32 v35, v38  }
0x93: {  	v0 =	vmul.f32 v11, v0;
	v3 =	vand.u32 $0x3F, v3;
	v11 =	vor.u32 v61, v38;
	[tilespmem:$0x1FDF0] =	vst v4;
	v4 =	vld [tilespmem:$0x1FE00]  }
0x94: {  	v17 =	vld.idx.msk [tilespmem:v17+s19+$0x0], $0xffff;
	v18 =	vadd.f32 v6, v18;
	v6 =	vor.u32 v29, v3;
	v46 =	vadd.f32 v46, v1  }
0x95: {  	[tilespmem:$0x1FE80] =	vst v6;
	v6 =	vld [tilespmem:$0x1FF10]  }
0x96: {  	v36 =	vor.u32 v49, v38;
	v43 =	vld.idx.msk [tilespmem:v44+s20+$0x0], $0xffff;
	v7 =	vadd.f32 v7, v46  }
0x97: {  	v22 =	vor.u32 v52, v38;
	v34 =	vld.idx.msk [tilespmem:v45+s19+$0x0], $0xffff  }
0x98: {  	v41 =	vadd.f32 v4, v7;
	v4 =	vld [tilespmem:$0x1FE10]  }
0x99: {  	v12 =	vld.idx.msk [tilespmem:v11+s19+$0x0], $0xffff;
	v2 =	vor.u32 v48, v25  }
0x9a: {  	v21 =	vadd.f32 v53, v21;
	v53 =	vadd.f32 v8, v20;
	v20 =	vld.idx.msk [tilespmem:v13+s19+$0x0], $0xffff  }
0x9b: {  	v19 =	vld.idx.msk [tilespmem:v36+s19+$0x0], $0xffff  }
0x9c: {  	v57 =	vor.u32 v24, v3;
	v24 =	vor.u32 v51, v3;
	v58 =	vor.u32 v51, v38;
	v44 =	vld.idx.msk [tilespmem:v22+s19+$0x0], $0xffff  }
0x9d: {  	v22 =	vadd.f32 v0, v10;
	v10 =	vor.u32 v51, v25;
	v51 =	vadd.f32 v4, v9;
	v4 =	vld [tilespmem:$0x1FE20]  }
0x9e: {  	v45 =	vor.u32 v47, v15;
	v0 =	vadd.f32 v63, v18;
	v63 =	vld.idx.msk [tilespmem:v2+s19+$0x0], $0xffff  }
0x9f: {  	v42 =	vor.u32 v61, v3;
	v18 =	vor.u32 v61, v25;
	v61 =	vmul.f32 v62, v33;
	v2 =	vld [tilespmem:$0x1FE30]  }
0xa0: {  	v62 =	vmul.f32 v54, v43;
	v54 =	vmul.f32 v34, v43;
	v34 =	vld [tilespmem:$0x1FF10]  }
0xa1: {  	v1 =	vld.idx.msk [tilespmem:v58+s19+$0x0], $0xffff  }
0xa2: {  	v22 =	vadd.f32 v4, v22;
	v4 =	vld [tilespmem:$0x1FE70]  }
0xa3: {  	v46 =	vor.u32 v52, v3;
	v52 =	vld.idx.msk [tilespmem:v45+s19+$0x0], $0xffff  }
0xa4: {  	v5 =	vmul.f32 v2, v33;
	v2 =	vld [tilespmem:$0x1FE40]  }
0xa5: {  	v17 =	vmul.f32 v17, v33;
	v11 =	vor.u32 v6, v38;
	v45 =	vld.idx.msk [tilespmem:v57+s20+$0x0], $0xffff  }
0xa6: {  	v55 =	vmul.f32 v12, v43;
	v12 =	vld.idx.msk [tilespmem:v10+s19+$0x0], $0xffff  }
0xa7: {  	v58 =	vadd.f32 v17, v21;
	v21 =	vor.u32 v47, v25;
	v29 =	vmul.f32 v4, v27;
	v4 =	vld [tilespmem:$0x1FE80]  }
0xa8: {  	v8 =	vor.u32 v49, v3;
	v13 =	vld.idx.msk [tilespmem:v46+s19+$0x0], $0xffff  }
0xa9: {  	v10 =	vmul.f32 v2, v27;
	v2 =	vld [tilespmem:$0x1FE50]  }
0xaa: {  	v7 =	vld.idx.msk [tilespmem:v11+s19+$0x0], $0xffff  }
0xab: {  	v11 =	vld.idx.msk [tilespmem:v18+s19+$0x0], $0xffff  }
0xac: {  	v18 =	vld.idx.msk [tilespmem:v21+s19+$0x0], $0xffff  }
0xad: {  	v21 =	vld.idx.msk [tilespmem:v8+s19+$0x0], $0xffff  }
0xae: {  	v33 =	vmul.f32 v2, v27;
	v2 =	vld [tilespmem:$0x1FE60]  }
0xaf: {  	v31 =	vmul.f32 v31, v59;
	v8 =	vadd.f32 v61, v16;
	v16 =	vld.idx.msk [tilespmem:v4+s19+$0x0], $0xffff  }
0xb0: {  	v49 =	vor.u32 v23, v15;
	v50 =	vor.u32 v50, v3;
	v36 =	vmul.f32 v30, v27;
	v4 =	vld [tilespmem:$0x1FE90]  }
0xb1: {  	v56 =	vor.u32 v47, v3;
	v26 =	vmul.f32 v28, v27;
	v57 =	vmul.f32 v20, v27  }
0xb2: {  	v17 =	vor.u32 v23, v3;
	v30 =	vmul.f32 v32, v27;
	v39 =	vmul.f32 v44, v43  }
0xb3: {  	v20 =	vor.u32 v48, v3;
	v1 =	vmul.f32 v1, v43;
	v46 =	vmul.f32 v19, v43  }
0xb4: {  	s21 =	sshll.u32 s21, $0x4;
	v44 =	vmul.f32 v52, v27;
	v52 =	vmul.f32 v13, v45;
	v61 =	vor.u32 v23, v25  }
0xb5: {  	s23 =	simm.s32 $0x8;
	s21 =	sadd.s32 s3, s21;
	v19 =	vld.idx.msk [tilespmem:v24+s19+$0x0], $0xffff;
	v9 =	vor.u32 v34, v3;
	v2 =	vmul.f32 v2, v27;
	v15 =	vadd.f32 v4, v51  }
.LBB2_3:
0xb6: {  	v48 =	vadd.f32 v5, v0;
	v0 =	vmov v37  }
0xb7: {  	[tilespmem:$0x1FC60] =	vst v0;
	v0 =	vld [tilespmem:$0x1FDC0];
	_ =	sdelay $0x4  }
0xb8: {  	v32 =	vmov v0;
	v0 =	vmov v62  }
0xb9: {  	[tilespmem:$0x1FCC0] =	vst v0;
	v0 =	vld [tilespmem:$0x1FD50];
	_ =	sdelay $0x4  }
0xba: {  	v0 =	vadd.f32 v0, v15;
	_ =	sdelay $0x1  }
0xbb: {  	[tilespmem:$0x1FC80] =	vst v0;
	v0 =	vld [tilespmem:$0x1FD60];
	_ =	sdelay $0x4  }
0xbc: {  	v22 =	vadd.f32 v0, v22;
	v0 =	vmul.f32 v11, v59;
	_ =	sdelay $0x1  }
0xbd: {  	[tilespmem:$0x1FC50] =	vst v0;
	v0 =	vld [tilespmem:$0x1FD80];
	_ =	sdelay $0x2  }
0xbe: {  	v14 =	vadd.f32 v52, v14;
	_ =	sdelay $0x1  }
0xbf: {  	v11 =	vadd.f32 v0, v14;
	v0 =	vmov v54  }
0xc0: {  	[tilespmem:$0x1FD50] =	vst v0;
	v0 =	vld [tilespmem:$0x1FDA0];
	_ =	sdelay $0x2  }
0xc1: {  	v21 =	vmul.f32 v21, v45;
	_ =	sdelay $0x1  }
0xc2: {  	v21 =	vadd.f32 v21, v0;
	v0 =	vld [tilespmem:$0x1FDB0];
	_ =	sdelay $0x5  }
0xc3: {  	v24 =	vld.idx.msk [tilespmem:v9+s19+$0x0], $0xffff;
	_ =	sdelay $0x1  }
0xc4: {  	v0 =	vld.idx.msk [tilespmem:v0+s19+$0x0], $0xffff  }
0xc5: {  	v51 =	vmov v43;
	[tilespmem:$0x1FCB0] =	vst v33;
	v33 =	vld [tilespmem:$0x1FED0]  }
0xc6: {  	[tilespmem:$0x1FCA0] =	vst v30;
	v30 =	vmul.f32 v7, v51;
	v7 =	vld [tilespmem:$0x1FEE0]  }
0xc7: {  	v2 =	vadd.f32 v2, v11;
	v11 =	vmul.f32 v24, v45  }
0xc8: {  	s24 =	smov.u32 s23;
	v13 =	vld [tilespmem:$0x1FFF0]  }
0xc9: {  	s25 =	sadd.s32 $0x1, s24;
	v5 =	vlaneseq.u32;
	[tilespmem:$0x1FD00] =	vst v0;
	v0 =	vadd.f32 v11, v22  }
0xca: {  	v52 =	vor.u32 v33, v25;
	v14 =	vadd.s32 s25, v5  }
0xcb: {  	v15 =	vor.u32 v7, v38;
	v38 =	vor.u32 v34, v25;
	v25 =	vand.u32 $0x3F, v14  }
0xcc: {  	v24 =	vor.u32 v35, v25;
	[tilespmem:$0x1FC70] =	vst v2  }
0xcd: {  	v23 =	vld [tilespmem:$0x1FF00];
	v2 =	vor.u32 v13, v25;
	[tilespmem:$0x1FC90] =	vst v0;
	v0 =	vmov v55  }
0xce: {  	[tilespmem:$0x1FCD0] =	vst v0;
	v0 =	vld [tilespmem:$0x1FD70];
	_ =	sdelay $0x1  }
0xcf: {  	v17 =	vld.idx.msk [tilespmem:v17+s19+$0x0], $0xffff  }
0xd0: {  	v19 =	vmul.f32 v19, v45;
	v24 =	vld.idx.msk [tilespmem:v24+s19+$0x0], $0xffff  }
0xd1: {  	v9 =	vmov v30;
	v30 =	vor.u32 v23, v25;
	v2 =	vld.idx.msk [tilespmem:v2+s20+$0x0], $0xffff  }
0xd2: {  	v4 =	vmovc v31;
	v12 =	vmul.f32 v12, v59;
	v19 =	vadd.f32 v19, v40;
	v21 =	vadd.f32 v0, v21;
	v0 =	vld [tilespmem:$0x1FDF0]  }
0xd3: {  	[tilespmem:$0x1FCE0] =	vst v4;
	v4 =	vld.idx.msk [tilespmem:v56+s19+$0x0], $0xffff  }
0xd4: {  	s30 =	sadd.s32 $0x2, s24;
	v17 =	vmul.f32 v17, v45;
	v62 =	vmov v26;
	v26 =	vld [tilespmem:$0x1FF20];
	v19 =	vadd.f32 v12, v19  }
0xd5: {  	v3 =	vor.u32 v35, v3;
	v56 =	vadd.s32 s30, v5;
	v37 =	vld.idx.msk [tilespmem:v52+s19+$0x0], $0xffff  }
0xd6: {  	v10 =	vadd.f32 v10, v19;
	v52 =	vadd.f32 v17, v8;
	v14 =	vmul.f32 v16, v45;
	v40 =	vld.idx.msk [tilespmem:v30+s19+$0x0], $0xffff  }
0xd7: {  	v54 =	vand.u32 $0x3F, v56;
	v8 =	vmul.f32 v0, v51;
	v0 =	vmul.f32 v24, v2  }
0xd8: {  	v6 =	vld [tilespmem:$0x1FD90];
	v14 =	vadd.f32 v14, v48;
	v48 =	vor.u32 v35, v54  }
0xd9: {  	v22 =	vor.u32 v26, v25;
	[tilespmem:$0x1FD30] =	vst v0;
	v0 =	vadd.f32 v1, v10  }
0xda: {  	v20 =	vld.idx.msk [tilespmem:v20+s19+$0x0], $0xffff  }
0xdb: {  	[tilespmem:$0x1FD20] =	vst v0;
	v0 =	vmul.f32 v40, v2  }
0xdc: {  	v3 =	vld.idx.msk [tilespmem:v3+s19+$0x0], $0xffff  }
0xdd: {  	v6 =	vmul.f32 v6, v27;
	[tilespmem:$0x1FD70] =	vst v0;
	v0 =	vld.idx.msk [tilespmem:v48+s19+$0x0], $0xffff  }
0xde: {  	v22 =	vld.idx.msk [tilespmem:v22+s19+$0x0], $0xffff  }
0xdf: {  	v20 =	vmul.f32 v20, v45;
	[tilespmem:$0x1FC40] =	vst v6;
	v6 =	vld.idx.msk [tilespmem:v42+s19+$0x0], $0xffff  }
0xe0: {  	[tilespmem:$0x1FD60] =	vst v9;
	v9 =	vmov v41;
	v41 =	vld [tilespmem:$0x1FEB0];
	v56 =	vor.u32 v33, v54  }
0xe1: {  	v20 =	vadd.f32 v20, v60;
	v60 =	vmul.f32 v3, v45;
	v3 =	vld.idx.msk [tilespmem:v49+s19+$0x0], $0xffff  }
0xe2: {  	v4 =	vmul.f32 v4, v45;
	v49 =	vld [tilespmem:$0x1FEF0];
	[tilespmem:$0x1FD10] =	vst v0;
	v0 =	vmov v29  }
0xe3: {  	v15 =	vld.idx.msk [tilespmem:v15+s19+$0x0], $0xffff;
	[tilespmem:$0x1FD40] =	vst v0;
	v0 =	vmul.f32 v22, v2  }
0xe4: {  	v4 =	vadd.f32 v4, v58;
	v58 =	vld.idx.msk [tilespmem:v38+s19+$0x0], $0xffff  }
0xe5: {  	v31 =	vor.u32 v41, v25;
	[tilespmem:$0x1FD80] =	vst v0;
	v0 =	vld.idx.msk [tilespmem:v56+s19+$0x0], $0xffff  }
0xe6: {  	v16 =	vld.idx.msk [tilespmem:v61+s19+$0x0], $0xffff;
	v61 =	vmul.f32 v6, v45;
	v6 =	vmov v57;
	v55 =	vor.u32 v26, v54  }
0xe7: {  	s31 =	sadd.s32 $0x3, s24;
	v42 =	vor.u32 v13, v54;
	[tilespmem:$0x1FCF0] =	vst v6;
	v6 =	vld [tilespmem:$0x1FF40]  }
0xe8: {  	v43 =	vor.u32 v23, v54;
	v11 =	vmov v39;
	v39 =	vld.idx.msk [tilespmem:v50+s19+$0x0], $0xffff;
	v1 =	vadd.s32 s31, v5  }
0xe9: {  	v18 =	vmul.f32 v18, v59;
	v17 =	vmul.f32 v63, v59;
	v30 =	vmovc v53;
	v53 =	vld [tilespmem:$0x1FEC0];
	v38 =	vand.u32 $0x3F, v1  }
0xea: {  	v63 =	vor.u32 v49, v54;
	v50 =	vld.idx.msk [tilespmem:v31+s19+$0x0], $0xffff;
	[tilespmem:$0x1FD90] =	vst v0;
	v0 =	vor.u32 v41, v38  }
0xeb: {  	v57 =	vmul.f32 v16, v59;
	v16 =	vld.idx.msk [tilespmem:v55+s19+$0x0], $0xffff;
	[tilespmem:$0x1FDB0] =	vst v0;
	v0 =	vor.u32 v26, v38  }
0xec: {  	v4 =	vadd.f32 v18, v4;
	v55 =	vmul.f32 v3, v27;
	v27 =	vld.idx.msk [tilespmem:v42+s20+$0x0], $0xffff  }
0xed: {  	v12 =	vmul.f32 v15, v51;
	v19 =	vor.u32 v6, v54;
	v24 =	vld.idx.msk [tilespmem:v43+s19+$0x0], $0xffff;
	v43 =	vmul.f32 v39, v45  }
0xee: {  	v3 =	vadd.f32 v36, v21;
	v1 =	vmul.f32 v37, v59;
	v37 =	vadd.f32 v61, v9;
	v9 =	vld [tilespmem:$0x1FC40]  }
0xef: {  	v58 =	vmul.f32 v58, v59;
	v15 =	vld.idx.msk [tilespmem:v63+s19+$0x0], $0xffff;
	v57 =	vadd.f32 v57, v52;
	v39 =	vadd.f32 v43, v30  }
0xf0: {  	v47 =	vor.u32 v53, v54;
	v21 =	vor.u32 v34, v54;
	v3 =	vadd.f32 v46, v3;
	v52 =	vld.idx.msk [tilespmem:v0+s19+$0x0], $0xffff  }
0xf1: {  	v10 =	vmul.f32 v50, v2;
	v50 =	vadd.s32 s24, v5;
	v1 =	vadd.f32 v1, v39;
	v0 =	vld [tilespmem:$0x1FC50]  }
0xf2: {  	v19 =	vld.idx.msk [tilespmem:v19+s19+$0x0], $0xffff;
	[tilespmem:$0x1FDA0] =	vst v3;
	v3 =	vand.u32 $0x3F, v50;
	v18 =	vor.u32 v13, v38;
	v45 =	vor.u32 v6, v38  }
0xf3: {  	v59 =	vmovc v2;
	v50 =	vmul.f32 v24, v27;
	v24 =	vor.u32 v34, v38;
	v48 =	vld [tilespmem:$0x1FF30];
	v1 =	vadd.f32 v9, v1  }
0xf4: {  	v9 =	vor.u32 v34, v3;
	v2 =	vadd.f32 v17, v20;
	v20 =	vor.u32 v13, v3;
	v13 =	vld.idx.msk [tilespmem:v32+s19+$0x0], $0xffff  }
0xf5: {  	v34 =	vor.u32 v26, v3;
	v32 =	vor.u32 v53, v3;
	v56 =	vor.u32 v53, v38;
	v26 =	vld [tilespmem:$0x1FC60]  }
0xf6: {  	v46 =	vadd.f32 v0, v37;
	v37 =	vor.u32 v53, v25;
	v53 =	vadd.f32 v8, v1;
	v8 =	vld [tilespmem:$0x1FC90]  }
0xf7: {  	v30 =	vor.u32 v41, v54;
	v5 =	vld.idx.msk [tilespmem:v45+s19+$0x0], $0xffff  }
0xf8: {  	v43 =	vld.idx.msk [tilespmem:v18+s20+$0x0], $0xffff  }
0xf9: {  	v47 =	vld.idx.msk [tilespmem:v47+s19+$0x0], $0xffff;
	v29 =	vor.u32 v23, v38  }
0xfa: {  	v21 =	vld.idx.msk [tilespmem:v21+s19+$0x0], $0xffff;
	v22 =	vor.u32 v35, v38  }
0xfb: {  	v35 =	vadd.f32 v26, v14;
	v26 =	vmul.f32 v19, v27;
	v19 =	vadd.f32 v58, v8;
	v8 =	vld [tilespmem:$0x1FCB0]  }
0xfc: {  	v36 =	vor.u32 v49, v38;
	v30 =	vld.idx.msk [tilespmem:v30+s19+$0x0], $0xffff  }
0xfd: {  	v28 =	vor.u32 v48, v38;
	v2 =	vadd.f32 v62, v2;
	v62 =	vmul.f32 v5, v43;
	v5 =	vld [tilespmem:$0x1FC80]  }
0xfe: {  	[tilespmem:$0x1FDC0] =	vst v28;
	v28 =	vor.u32 v7, v54;
	v29 =	vld.idx.msk [tilespmem:v29+s19+$0x0], $0xffff  }
0xff: {  	v45 =	vld.idx.msk [tilespmem:v20+s20+$0x0], $0xffff  }
0x100: {  	v20 =	vadd.f32 v8, v46;
	v8 =	vld [tilespmem:$0x1FCC0]  }
0x101: {  	v31 =	vor.u32 v41, v3;
	v41 =	vld.idx.msk [tilespmem:v36+s19+$0x0], $0xffff;
	v36 =	vor.u32 v23, v3  }
0x102: {  	v63 =	vor.u32 v33, v38;
	v22 =	vld.idx.msk [tilespmem:v22+s19+$0x0], $0xffff  }
0x103: {  	v28 =	vld.idx.msk [tilespmem:v28+s19+$0x0], $0xffff  }
0x104: {  	v18 =	vadd.f32 v44, v4;
	v4 =	vor.u32 v33, v3;
	v33 =	vld.idx.msk [tilespmem:v56+s19+$0x0], $0xffff  }
0x105: {  	v5 =	vadd.f32 v60, v5;
	v60 =	vadd.f32 v8, v2;
	v2 =	vld [tilespmem:$0x1FCD0]  }
0x106: {  	v40 =	vadd.f32 v55, v57;
	v39 =	vor.u32 v6, v25;
	v57 =	vmul.f32 v21, v27;
	v21 =	vld.idx.msk [tilespmem:v36+s19+$0x0], $0xffff  }
0x107: {  	v56 =	vor.u32 v7, v3;
	v1 =	vor.u32 v7, v25;
	v7 =	vld.idx.msk [tilespmem:v63+s19+$0x0], $0xffff  }
0x108: {  	v14 =	vld [tilespmem:$0x1FC70];
	v0 =	vor.u32 v49, v25  }
0x109: {  	v36 =	vmov v50;
	v50 =	vmov v4;
	v4 =	vld [tilespmem:$0x1FD10]  }
0x10a: {  	v55 =	vmul.f32 v41, v43;
	v41 =	vadd.f32 v2, v20;
	v2 =	vld [tilespmem:$0x1FCE0]  }
0x10b: {  	v63 =	vld.idx.msk [tilespmem:v39+s19+$0x0], $0xffff  }
0x10c: {  	[tilespmem:$0x1FDF0] =	vst v7;
	v7 =	vld.idx.msk [tilespmem:v24+s19+$0x0], $0xffff  }
0x10d: {  	v14 =	vadd.f32 v11, v14;
	v11 =	vld.idx.msk [tilespmem:v0+s19+$0x0], $0xffff  }
0x10e: {  	v0 =	vld [tilespmem:$0x1FCA0]  }
0x10f: {  	v44 =	vmul.f32 v28, v27;
	v28 =	vadd.f32 v2, v5;
	v2 =	vld [tilespmem:$0x1FCF0]  }
0x110: {  	v24 =	vld.idx.msk [tilespmem:v34+s19+$0x0], $0xffff  }
0x111: {  	v34 =	vld [tilespmem:$0x1FF10]  }
0x112: {  	v58 =	vadd.f32 v12, v18;
	v18 =	vld.idx.msk [tilespmem:v1+s19+$0x0], $0xffff  }
0x113: {  	v42 =	vor.u32 v49, v3;
	v13 =	vmul.f32 v13, v51;
	v12 =	vld.idx.msk [tilespmem:v37+s19+$0x0], $0xffff  }
0x114: {  	v49 =	vor.u32 v48, v54;
	v54 =	vmul.f32 v22, v43;
	v22 =	vadd.f32 v2, v19;
	v2 =	vld [tilespmem:$0x1FD00]  }
0x115: {  	p0 =	sne.s32 s23, $0x3C;
	v46 =	vmul.f32 v29, v43;
	v29 =	vmul.f32 v4, v27;
	v4 =	vld [tilespmem:$0x1FD40]  }
.Ltmp0:
0x116: {  	v61 =	vor.u32 v48, v25;
	v30 =	vmul.f32 v30, v27;
	v0 =	vadd.f32 v0, v35;
	v35 =	vld [tilespmem:$0x1FF50];
	(pc) =	sbr.rel @p0 .LBB2_3-.Ltmp0, $4  }
0x117: {  	v39 =	vmul.f32 v52, v43;
	v1 =	vmul.f32 v33, v43;
	v8 =	vadd.f32 v13, v40;
	v40 =	vld [tilespmem:$0x1FD20]  }
0x118: {  	v37 =	vmov v10;
	v10 =	vmul.f32 v47, v27;
	v33 =	vmul.f32 v15, v27;
	v19 =	vld.idx.msk [tilespmem:v32+s19+$0x0], $0xffff  }
0x119: {  	v17 =	vor.u32 v48, v3;
	v5 =	vmul.f32 v2, v51;
	v2 =	vmul.f32 v16, v27;
	v16 =	vld.idx.msk [tilespmem:v31+s19+$0x0], $0xffff  }
0x11a: {  	s23 =	sadd.s32 $0x4, s23;
	v52 =	vmul.f32 v24, v45;
	v20 =	vor.u32 v6, v3;
	v15 =	vadd.f32 v4, v28;
	v31 =	vld [tilespmem:$0x1FD30]  }
0x11b: {  	_ = 	snop  }
0x11c: {  	v6 =	vld [tilespmem:$0x1FD80];
	_ =	sdelay $0x1  }
0x11d: {  	v0 =	vadd.f32 v5, v0;
	v5 =	vld [tilespmem:$0x1FD50]  }
0x11e: {  	v13 =	vadd.f32 v52, v14;
	v14 =	vld.idx.msk [tilespmem:v17+s19+$0x0], $0xffff  }
0x11f: {  	v3 =	vor.u32 v35, v3;
	v17 =	vld [tilespmem:$0x1FED0]  }
0x120: {  	v13 =	vadd.f32 v6, v13;
	v6 =	vld [tilespmem:$0x1FD60]  }
0x121: {  	v9 =	vld.idx.msk [tilespmem:v9+s19+$0x0], $0xffff  }
0x122: {  	v20 =	vld.idx.msk [tilespmem:v20+s19+$0x0], $0xffff;
	v19 =	vmul.f32 v19, v45  }
0x123: {  	v4 =	vld.idx.msk [tilespmem:v56+s19+$0x0], $0xffff;
	v12 =	vmul.f32 v12, v59  }
0x124: {  	v16 =	vmul.f32 v16, v45;
	v19 =	vadd.f32 v19, v40;
	v3 =	vld.idx.msk [tilespmem:v3+s19+$0x0], $0xffff;
	v17 =	vor.u32 v17, v25  }
0x125: {  	v5 =	vadd.f32 v5, v15;
	v15 =	vadd.f32 v6, v22;
	v6 =	vld [tilespmem:$0x1FDA0]  }
0x126: {  	v0 =	vadd.f32 v16, v0;
	v16 =	vld [tilespmem:$0x1FD70];
	v12 =	vadd.f32 v12, v19  }
0x127: {  	v2 =	vadd.f32 v2, v13;
	v13 =	vmul.f32 v21, v45;
	v21 =	vld.idx.msk [tilespmem:v50+s19+$0x0], $0xffff  }
0x128: {  	v10 =	vadd.f32 v10, v12;
	v12 =	vld [tilespmem:$0x1FDB0]  }
0x129: {  	v17 =	vld.idx.msk [tilespmem:v17+s19+$0x0], $0xffff  }
0x12a: {  	v19 =	vld [tilespmem:$0x1FEE0];
	v13 =	vadd.f32 v13, v6  }
0x12b: {  	v4 =	vmul.f32 v4, v45;
	v6 =	vld [tilespmem:$0x1FD90]  }
0x12c: {  	v9 =	vmul.f32 v9, v45;
	v13 =	vadd.f32 v16, v13;
	v16 =	vmul.f32 v21, v45  }
0x12d: {  	v20 =	vmul.f32 v20, v45;
	v14 =	vmul.f32 v14, v45;
	v4 =	vadd.f32 v4, v58  }
0x12e: {  	v24 =	vld.idx.msk [tilespmem:v61+s19+$0x0], $0xffff;
	v0 =	vadd.f32 v37, v0;
	v17 =	vmul.f32 v17, v59;
	v16 =	vadd.f32 v16, v53  }
0x12f: {  	v22 =	vor.u32 v34, v25;
	v3 =	vmul.f32 v3, v45;
	v19 =	vor.u32 v19, v38  }
0x130: {  	v9 =	vadd.f32 v9, v15;
	v15 =	vmul.f32 v6, v27;
	v6 =	vld.idx.msk [tilespmem:v42+s19+$0x0], $0xffff;
	v16 =	vadd.f32 v17, v16  }
0x131: {  	v18 =	vmul.f32 v18, v59;
	v8 =	vadd.f32 v14, v8;
	v14 =	vadd.f32 v20, v60;
	v12 =	vld.idx.msk [tilespmem:v12+s19+$0x0], $0xffff  }
0x132: {  	v3 =	vadd.f32 v3, v5;
	v15 =	vadd.f32 v15, v16;
	v16 =	vld [tilespmem:$0x1FDC0]  }
0x133: {  	v20 =	vmul.f32 v24, v59;
	v4 =	vadd.f32 v18, v4;
	v0 =	vadd.f32 v30, v0;
	v18 =	vld [tilespmem:$0x1FDF0]  }
0x134: {  	v1 =	vadd.f32 v1, v10;
	v3 =	vadd.f32 v31, v3;
	v10 =	vld.idx.msk [tilespmem:v22+s19+$0x0], $0xffff  }
0x135: {  	v2 =	vadd.f32 v39, v2;
	v8 =	vadd.f32 v20, v8;
	v19 =	vld.idx.msk [tilespmem:v19+s19+$0x0], $0xffff;
	v6 =	vmul.f32 v6, v45  }
0x136: {  	v4 =	vadd.f32 v44, v4;
	v3 =	vadd.f32 v29, v3;
	v12 =	vmul.f32 v12, v43  }
0x137: {  	v11 =	vmul.f32 v11, v59;
	s22 =	smul.u32 $0x540, s22;
	v13 =	vadd.f32 v36, v13;
	v17 =	vld.idx.msk [tilespmem:v49+s19+$0x0], $0xffff;
	v6 =	vadd.f32 v6, v41  }
0x138: {  	v18 =	vmul.f32 v18, v43;
	v3 =	vadd.f32 v54, v3;
	v0 =	vadd.f32 v12, v0  }
0x139: {  	v56 =	vld [tilespmem:$0x1FF60];
	s22 =	sshrl.u32 s22, $0x2;
	v10 =	vmul.f32 v10, v59;
	v13 =	vadd.f32 v46, v13;
	v6 =	vadd.f32 v11, v6  }
0x13a: {  	v12 =	vadd.f32 v18, v15;
	v11 =	vmul.f32 v19, v43;
	v16 =	vld.idx.msk [tilespmem:v16+s19+$0x0], $0xffff;
	[tilespmem:s22+$0x162A0] =	vst v0  }
0x13b: {  	v20 =	vld [tilespmem:$0x1FEA0];
	v9 =	vadd.f32 v10, v9;
	v15 =	vmul.f32 v63, v59;
	v6 =	vadd.f32 v33, v6;
	[tilespmem:s22+$0x162B0] =	vst v1  }
0x13c: {  	v60 =	vld [tilespmem:$0x1FF90];
	v0 =	vmul.f32 v17, v27;
	v4 =	vadd.f32 v11, v4;
	v1 =	vmul.f32 v7, v43;
	[tilespmem:s22+$0x162C0] =	vst v12  }
0x13d: {  	s23 =	simm.s32 $0x1;
	s30 =	simm.s32 $0x3;
	v46 =	vld [tilespmem:$0x1FFF0];
	v7 =	vadd.f32 v15, v14;
	v17 =	vlaneseq.u32;
	[tilespmem:s22+$0x162F0] =	vst v13;
	v5 =	vadd.f32 v55, v6  }
0x13e: {  	v58 =	vld [tilespmem:$0x1FF80];
	v11 =	vadd.s32 s30, v17;
	v6 =	vadd.f32 v57, v9;
	[tilespmem:s22+$0x162D0] =	vst v4;
	v4 =	vadd.s32 s23, v17  }
0x13f: {  	v0 =	vadd.f32 v0, v8;
	v57 =	vld [tilespmem:$0x1FFB0];
	v25 =	vand.u32 $0x3F, v4;
	[tilespmem:s22+$0x162E0] =	vst v5;
	v5 =	vadd.f32 v26, v7  }
0x140: {  	v63 =	vld [tilespmem:$0x1FFA0];
	[tilespmem:s22+$0x16310] =	vst v2;
	v1 =	vadd.f32 v1, v6;
	v2 =	vor.u32 v20, v25;
	v9 =	vmul.f32 v16, v43  }
0x141: {  	[tilespmem:s22+$0x16340] =	vst v3;
	v27 =	vld [tilespmem:$0x1FFD0];
	v40 =	vand.u32 $0x3F, v11;
	v10 =	vor.u32 v60, v25;
	v4 =	vadd.f32 v62, v5  }
0x142: {  	v55 =	vld [tilespmem:$0x1FF70];
	v18 =	vor.u32 v46, v40;
	[tilespmem:s22+$0x16300] =	vst v1;
	v0 =	vadd.f32 v9, v0  }
0x143: {  	s29 =	simm.s32 $0x2;
	v26 =	vld [tilespmem:$0x1FFC0];
	v1 =	vor.u32 v46, v25;
	[tilespmem:s22+$0x16330] =	vst v4  }
0x144: {  	v5 =	vadd.s32 s29, v17;
	v62 =	vld [tilespmem:$0x1FFE0];
	v14 =	vor.u32 v57, v40;
	[tilespmem:s22+$0x16320] =	vst v0  }
0x145: {  	v6 =	vand.u32 $0x3F, v5;
	v4 =	vor.u32 v56, v25;
	v2 =	vld.idx.msk [tilespmem:v2+s19+$0x0], $0xffff  }
0x146: {  	v3 =	vor.u32 v46, v6;
	v10 =	vld.idx.msk [tilespmem:v10+s19+$0x0], $0xffff  }
0x147: {  	v5 =	vor.u32 v56, v6;
	v29 =	vld.idx.msk [tilespmem:v18+s20+$0x0], $0xffff  }
0x148: {  	v8 =	vor.u32 v57, v6;
	v23 =	vld.idx.msk [tilespmem:v1+s20+$0x0], $0xffff  }
0x149: {  	v0 =	vor.u32 v57, v25;
	v14 =	vld.idx.msk [tilespmem:v14+s19+$0x0], $0xffff  }
0x14a: {  	v7 =	vor.u32 v26, v25;
	v4 =	vld.idx.msk [tilespmem:v4+s19+$0x0], $0xffff  }
0x14b: {  	v1 =	vor.u32 v20, v6;
	v24 =	vld.idx.msk [tilespmem:v3+s20+$0x0], $0xffff  }
0x14c: {  	v9 =	vor.u32 v62, v25;
	v32 =	vld.idx.msk [tilespmem:v5+s19+$0x0], $0xffff  }
0x14d: {  	v3 =	vor.u32 v62, v6;
	v8 =	vld.idx.msk [tilespmem:v8+s19+$0x0], $0xffff  }
0x14e: {  	v5 =	vor.u32 v26, v6;
	v0 =	vld.idx.msk [tilespmem:v0+s19+$0x0], $0xffff  }
0x14f: {  	v12 =	vor.u32 v60, v6;
	v7 =	vld.idx.msk [tilespmem:v7+s19+$0x0], $0xffff  }
0x150: {  	v28 =	vor.u32 v58, v6;
	v1 =	vld.idx.msk [tilespmem:v1+s19+$0x0], $0xffff  }
0x151: {  	v61 =	vor.u32 v27, v6;
	v11 =	vld.idx.msk [tilespmem:v9+s19+$0x0], $0xffff  }
0x152: {  	s31 =	simm.s32 $0x0;
	v52 =	vimm.f32 $0.0e+00;
	v15 =	vor.u32 v20, v40;
	v13 =	vld.idx.msk [tilespmem:v3+s19+$0x0], $0xffff  }
0x153: {  	v16 =	vor.u32 v56, v40;
	v9 =	vor.u32 v60, v40;
	v3 =	vadd.s32 s31, v17;
	v17 =	vld.idx.msk [tilespmem:v5+s19+$0x0], $0xffff  }
0x154: {  	v42 =	vmul.f32 v10, v23;
	v10 =	vor.u32 v55, v6;
	v5 =	vld.idx.msk [tilespmem:v12+s19+$0x0], $0xffff;
	v19 =	vand.u32 $0x3F, v3  }
0x155: {  	v44 =	vmul.f32 v8, v24;
	v8 =	vor.u32 v63, v6;
	v6 =	vld.idx.msk [tilespmem:v28+s19+$0x0], $0xffff;
	v12 =	vor.u32 v46, v19  }
0x156: {  	v33 =	vmul.f32 v2, v23;
	v38 =	vmul.f32 v7, v23;
	v7 =	vld.idx.msk [tilespmem:v61+s19+$0x0], $0xffff;
	v2 =	vor.u32 v20, v19  }
0x157: {  	v50 =	vimm.f32 $0.0e+00;
	v39 =	vimm.f32 $0.0e+00;
	v20 =	vld.idx.msk [tilespmem:v15+s19+$0x0], $0xffff;
	v15 =	vor.u32 v62, v40  }
0x158: {  	v45 =	vimm.f32 $0.0e+00;
	v41 =	vlaneseq.u32;
	v47 =	vld.idx.msk [tilespmem:v9+s19+$0x0], $0xffff;
	v9 =	vor.u32 v56, v19  }
0x159: {  	v34 =	vmul.f32 v0, v23;
	v21 =	vor.u32 v57, v19;
	v0 =	vmul.f32 v1, v24;
	v1 =	vld.idx.msk [tilespmem:v16+s19+$0x0], $0xffff  }
0x15a: {  	v59 =	vmul.f32 v14, v29;
	v18 =	vor.u32 v26, v19;
	v26 =	vor.u32 v27, v25;
	v30 =	vld.idx.msk [tilespmem:v12+s20+$0x0], $0xffff  }
0x15b: {  	v36 =	vmul.f32 v4, v23;
	v4 =	vor.u32 v55, v19;
	v22 =	vor.u32 v58, v19;
	v2 =	vld.idx.msk [tilespmem:v2+s19+$0x0], $0xffff  }
0x15c: {  	v43 =	vimm.f32 $0.0e+00;
	v53 =	vor.u32 v63, v19;
	v16 =	vor.u32 v27, v19;
	[tilespmem:$0x1FC20] =	vst v0;
	v48 =	vld.idx.msk [tilespmem:v15+s19+$0x0], $0xffff  }
0x15d: {  	v0 =	vor.u32 v60, v19;
	v15 =	vor.u32 v62, v19;
	v19 =	vor.u32 v63, v25;
	v54 =	vld.idx.msk [tilespmem:v9+s19+$0x0], $0xffff  }
0x15e: {  	v3 =	vimm.f32 $0.0e+00;
	v35 =	vmul.f32 v11, v23;
	v37 =	vmul.f32 v13, v24;
	v51 =	vld.idx.msk [tilespmem:v21+s19+$0x0], $0xffff  }
0x15f: {  	v11 =	vimm.f32 $0.0e+00;
	v31 =	vmul.f32 v17, v24;
	v13 =	vld.idx.msk [tilespmem:v26+s19+$0x0], $0xffff;
	v1 =	vmul.f32 v1, v29  }
0x160: {  	v17 =	vimm.f32 $0.0e+00;
	v12 =	vor.u32 v58, v25;
	v49 =	vmul.f32 v20, v29;
	v20 =	vld.idx.msk [tilespmem:v18+s19+$0x0], $0xffff  }
0x161: {  	v18 =	vimm.f32 $0.0e+00;
	[tilespmem:$0x1FC30] =	vst v1;
	v1 =	vor.u32 v27, v40;
	v14 =	vmul.f32 v2, v30;
	v2 =	vld.idx.msk [tilespmem:v22+s19+$0x0], $0xffff  }
0x162: {  	s24 =	simm.s32 $0x4;
	s23 =	sadd.s32 $0x162A0, s22;
	v9 =	vor.u32 v55, v40;
	v19 =	vld.idx.msk [tilespmem:v19+s19+$0x0], $0xffff;
	v21 =	vmul.f32 v54, v30;
	v54 =	vimm.f32 $0.0e+00  }
.LBB2_5:
0x163: {  	v22 =	vld.idx.msk [tilespmem:v53+s19+$0x0], $0xffff  }
0x164: {  	v16 =	vld.idx.msk [tilespmem:v16+s19+$0x0], $0xffff  }
0x165: {  	v28 =	vld [tilespmem:$0x1FFC0]  }
0x166: {  	v53 =	vor.u32 v55, v25;
	v55 =	vld.idx.msk [tilespmem:v1+s19+$0x0], $0xffff  }
0x167: {  	v4 =	vld.idx.msk [tilespmem:v4+s19+$0x0], $0xffff  }
0x168: {  	v5 =	vmul.f32 v5, v24;
	v15 =	vld.idx.msk [tilespmem:v15+s19+$0x0], $0xffff;
	v26 =	vmov v42  }
0x169: {  	s25 =	smov.u32 s24;
	v1 =	vmul.f32 v48, v29;
	v48 =	vld.idx.msk [tilespmem:v10+s19+$0x0], $0xffff;
	[tilespmem:$0x1FBD0] =	vst v26  }
0x16a: {  	v10 =	vld [tilespmem:$0x1FC20];
	s26 =	sadd.s32 $0x1, s25;
	v14 =	vadd.f32 v14, v45;
	[tilespmem:$0x1FBF0] =	vst v5;
	v5 =	vmul.f32 v47, v29  }
0x16b: {  	v26 =	vld [tilespmem:$0x1FF60];
	v25 =	vadd.s32 s26, v41;
	[tilespmem:$0x1FBE0] =	vst v1  }
0x16c: {  	v47 =	vor.u32 v58, v40;
	v1 =	vld [tilespmem:$0x1FEA0];
	v25 =	vand.u32 $0x3F, v25;
	v14 =	vadd.f32 v33, v14;
	[tilespmem:$0x1FC10] =	vst v5  }
0x16d: {  	v5 =	vadd.f32 v21, v3;
	v3 =	vmul.f32 v32, v24;
	v32 =	vld.idx.msk [tilespmem:v9+s19+$0x0], $0xffff;
	v20 =	vmul.f32 v20, v30  }
0x16e: {  	v21 =	vmul.f32 v13, v23;
	v13 =	vor.u32 v63, v40;
	v2 =	vmul.f32 v2, v30;
	v53 =	vld.idx.msk [tilespmem:v53+s19+$0x0], $0xffff  }
0x16f: {  	s30 =	sadd.s32 $0x2, s25;
	v61 =	vor.u32 v46, v25;
	v63 =	vor.u32 v57, v25;
	v17 =	vadd.f32 v20, v17;
	v20 =	vld.idx.msk [tilespmem:v8+s19+$0x0], $0xffff  }
0x170: {  	v14 =	vadd.f32 v10, v14;
	v10 =	vadd.s32 s30, v41;
	v2 =	vadd.f32 v2, v18;
	v18 =	vld.idx.msk [tilespmem:v0+s19+$0x0], $0xffff  }
0x171: {  	v8 =	vmovc v44;
	v44 =	vmul.f32 v7, v24;
	v7 =	vadd.f32 v36, v5;
	v10 =	vand.u32 $0x3F, v10;
	v47 =	vld.idx.msk [tilespmem:v47+s19+$0x0], $0xffff  }
0x172: {  	v45 =	vadd.f32 v49, v14;
	v49 =	vor.u32 v26, v10;
	v26 =	vld [tilespmem:$0x1FFB0]  }
0x173: {  	v58 =	vor.u32 v28, v40;
	v15 =	vmul.f32 v15, v30;
	v3 =	vadd.f32 v3, v7;
	v7 =	vld [tilespmem:$0x1FF70]  }
0x174: {  	v9 =	vmov v34;
	v42 =	vld.idx.msk [tilespmem:v61+s20+$0x0], $0xffff  }
0x175: {  	v16 =	vmul.f32 v16, v30;
	v36 =	vor.u32 v56, v25;
	v15 =	vadd.f32 v15, v43;
	v34 =	vld.idx.msk [tilespmem:v63+s19+$0x0], $0xffff  }
0x176: {  	v0 =	vmul.f32 v22, v30;
	v43 =	vld.idx.msk [tilespmem:v13+s19+$0x0], $0xffff  }
0x177: {  	v22 =	vor.u32 v1, v25;
	v16 =	vadd.f32 v16, v52;
	v35 =	vadd.f32 v35, v15;
	v15 =	vld [tilespmem:$0x1FFE0]  }
0x178: {  	v14 =	vmul.f32 v55, v29;
	v55 =	vor.u32 v28, v10;
	v5 =	vld.idx.msk [tilespmem:v58+s19+$0x0], $0xffff  }
0x179: {  	v17 =	vadd.f32 v38, v17;
	v16 =	vadd.f32 v21, v16;
	v58 =	vmul.f32 v51, v30;
	v51 =	vld.idx.msk [tilespmem:v12+s19+$0x0], $0xffff  }
0x17a: {  	v21 =	vor.u32 v60, v25;
	v12 =	vmovc v37;
	v37 =	vor.u32 v60, v10;
	v60 =	vmov v31;
	v36 =	vld.idx.msk [tilespmem:v36+s19+$0x0], $0xffff  }
0x17b: {  	v61 =	vor.u32 v46, v10;
	v17 =	vadd.f32 v60, v17;
	v60 =	vld [tilespmem:$0x1FF90]  }
0x17c: {  	v6 =	vmul.f32 v6, v24;
	v63 =	vor.u32 v1, v10;
	v22 =	vld.idx.msk [tilespmem:v22+s19+$0x0], $0xffff  }
0x17d: {  	s31 =	sadd.s32 $0x3, s25;
	v48 =	vmul.f32 v48, v24;
	v20 =	vmul.f32 v20, v24;
	v24 =	vld.idx.msk [tilespmem:v49+s19+$0x0], $0xffff  }
0x17e: {  	v0 =	vadd.f32 v0, v54;
	v54 =	vor.u32 v26, v10;
	v26 =	vadd.s32 s31, v41;
	v55 =	vld.idx.msk [tilespmem:v55+s19+$0x0], $0xffff  }
0x17f: {  	v19 =	vmul.f32 v19, v23;
	v27 =	vor.u32 v62, v25;
	v40 =	vand.u32 $0x3F, v26;
	v26 =	vld [tilespmem:$0x1FFB0]  }
0x180: {  	v56 =	vadd.f32 v58, v11;
	v11 =	vmov v59;
	v59 =	vor.u32 v62, v10;
	v58 =	vld.idx.msk [tilespmem:v61+s20+$0x0], $0xffff  }
0x181: {  	v19 =	vadd.f32 v19, v0;
	v0 =	vld.idx.msk [tilespmem:v63+s19+$0x0], $0xffff;
	v52 =	vmul.f32 v5, v29;
	v5 =	vor.u32 v28, v25  }
0x182: {  	v21 =	vld.idx.msk [tilespmem:v21+s19+$0x0], $0xffff  }
0x183: {  	v31 =	vld.idx.msk [tilespmem:v54+s19+$0x0], $0xffff  }
0x184: {  	v54 =	vor.u32 v62, v40;
	v62 =	vld.idx.msk [tilespmem:v27+s19+$0x0], $0xffff  }
0x185: {  	v57 =	vmul.f32 v32, v29;
	v59 =	vld.idx.msk [tilespmem:v59+s19+$0x0], $0xffff  }
0x186: {  	v18 =	vmul.f32 v18, v30;
	v33 =	vmul.f32 v22, v42;
	v22 =	vmovc v29;
	v27 =	vadd.s32 s25, v41;
	v29 =	vld.idx.msk [tilespmem:v5+s19+$0x0], $0xffff  }
0x187: {  	v61 =	vmul.f32 v47, v22;
	v47 =	vmul.f32 v51, v23;
	v51 =	vand.u32 $0x3F, v27;
	v5 =	vld [tilespmem:$0x1FF60]  }
0x188: {  	v63 =	vor.u32 v1, v40;
	v0 =	vmul.f32 v0, v58;
	v13 =	vor.u32 v1, v51;
	v1 =	vld [tilespmem:$0x1FBD0]  }
0x189: {  	v41 =	vadd.f32 v44, v16;
	v16 =	vld [tilespmem:$0x1FFA0];
	v26 =	vor.u32 v26, v40;
	v2 =	vadd.f32 v47, v2  }
0x18a: {  	v4 =	vmul.f32 v4, v30;
	v9 =	vadd.f32 v9, v56;
	[tilespmem:$0x1FC20] =	vst v0;
	v0 =	vld [tilespmem:$0x1FF60]  }
0x18b: {  	v18 =	vadd.f32 v18, v39;
	v28 =	vor.u32 v28, v51;
	v2 =	vadd.f32 v6, v2;
	v6 =	vld [tilespmem:$0x1FFB0]  }
0x18c: {  	v4 =	vadd.f32 v4, v50;
	v8 =	vadd.f32 v8, v9;
	v50 =	vor.u32 v5, v40;
	v5 =	vld [tilespmem:$0x1FF90]  }
0x18d: {  	v9 =	vor.u32 v7, v40;
	v7 =	vadd.f32 v12, v35;
	v35 =	vadd.f32 v1, v18;
	v1 =	vld [tilespmem:$0x1FC30]  }
0x18e: {  	v26 =	vld.idx.msk [tilespmem:v26+s19+$0x0], $0xffff  }
0x18f: {  	v39 =	vld.idx.msk [tilespmem:v13+s19+$0x0], $0xffff  }
0x190: {  	v19 =	vadd.f32 v20, v19;
	v20 =	vld.idx.msk [tilespmem:v28+s19+$0x0], $0xffff  }
0x191: {  	v18 =	vadd.f32 v61, v2;
	v2 =	vld [tilespmem:$0x1FBF0];
	v38 =	vor.u32 v5, v40  }
0x192: {  	v34 =	vmul.f32 v34, v42;
	v3 =	vadd.f32 v1, v3;
	v1 =	vld [tilespmem:$0x1FBE0]  }
0x193: {  	v36 =	vmul.f32 v36, v42;
	v5 =	vmul.f32 v53, v23;
	v23 =	vmovc v42;
	v42 =	vor.u32 v0, v51;
	v0 =	vld [tilespmem:$0x1FF70]  }
0x194: {  	v53 =	vor.u32 v16, v51;
	v16 =	vld [tilespmem:$0x1FFD0]  }
0x195: {  	v56 =	vld.idx.msk [tilespmem:v50+s19+$0x0], $0xffff  }
0x196: {  	v47 =	vld.idx.msk [tilespmem:v38+s19+$0x0], $0xffff  }
0x197: {  	v32 =	vmov v46;
	v49 =	vor.u32 v46, v40;
	v38 =	vmul.f32 v29, v23;
	v29 =	vld [tilespmem:$0x1FFD0]  }
0x198: {  	[tilespmem:$0x1FC00] =	vst v24;
	v24 =	vmov v58;
	v58 =	vor.u32 v46, v51;
	v46 =	vadd.f32 v5, v4;
	v5 =	vld.idx.msk [tilespmem:v37+s19+$0x0], $0xffff  }
0x199: {  	v4 =	vor.u32 v0, v51;
	v0 =	vld [tilespmem:$0x1FF80]  }
0x19a: {  	v30 =	vadd.f32 v48, v46;
	v48 =	vld.idx.msk [tilespmem:v54+s19+$0x0], $0xffff  }
0x19b: {  	v46 =	vld.idx.msk [tilespmem:v42+s19+$0x0], $0xffff  }
0x19c: {  	v44 =	vmul.f32 v31, v24;
	v31 =	vmul.f32 v55, v24;
	v55 =	vor.u32 v29, v25;
	v29 =	vld [tilespmem:$0x1FFD0]  }
0x19d: {  	v42 =	vmul.f32 v21, v23;
	v21 =	vld.idx.msk [tilespmem:v63+s19+$0x0], $0xffff  }
0x19e: {  	v6 =	vor.u32 v6, v51;
	v27 =	vor.u32 v0, v51;
	v0 =	vld [tilespmem:$0x1FF90]  }
0x19f: {  	v63 =	vld [tilespmem:$0x1FFA0]  }
0x1a0: {  	v50 =	vadd.f32 v57, v30;
	v30 =	vld.idx.msk [tilespmem:v58+s20+$0x0], $0xffff  }
0x1a1: {  	v54 =	vor.u32 v29, v10;
	v29 =	vld [tilespmem:$0x1FF80]  }
0x1a2: {  	v58 =	vld [tilespmem:$0x1FF80]  }
0x1a3: {  	v15 =	vor.u32 v15, v51;
	v16 =	vor.u32 v16, v51;
	v0 =	vor.u32 v0, v51;
	v51 =	vld.idx.msk [tilespmem:v6+s19+$0x0], $0xffff  }
0x1a4: {  	v57 =	vor.u32 v63, v25;
	v13 =	vld.idx.msk [tilespmem:v55+s19+$0x0], $0xffff  }
0x1a5: {  	v55 =	vld [tilespmem:$0x1FF70]  }
0x1a6: {  	v37 =	vmul.f32 v59, v24;
	v59 =	vor.u32 v29, v10;
	v29 =	vld.idx.msk [tilespmem:v49+s20+$0x0], $0xffff  }
0x1a7: {  	v22 =	vmul.f32 v43, v22;
	v43 =	vadd.f32 v1, v7;
	v7 =	vld.idx.msk [tilespmem:v54+s19+$0x0], $0xffff  }
0x1a8: {  	v49 =	vld [tilespmem:$0x1FFD0]  }
0x1a9: {  	v54 =	vadd.f32 v22, v19;
	v19 =	vld.idx.msk [tilespmem:v57+s19+$0x0], $0xffff  }
0x1aa: {  	v57 =	vld [tilespmem:$0x1FFB0]  }
0x1ab: {  	p0 =	sne.s32 s24, $0x3C;
	v17 =	vadd.f32 v52, v17;
	v22 =	vld [tilespmem:$0x1FC10]  }
.Ltmp1:
0x1ac: {  	v11 =	vadd.f32 v11, v8;
	v52 =	vadd.f32 v14, v41;
	v8 =	vor.u32 v63, v10;
	v6 =	vld.idx.msk [tilespmem:v59+s19+$0x0], $0xffff;
	(pc) =	sbr.rel @p0 .LBB2_5-.Ltmp1, $4  }
0x1ad: {  	v12 =	vor.u32 v58, v25;
	v59 =	vmul.f32 v26, v29;
	v26 =	vadd.f32 v2, v35;
	v2 =	vld.idx.msk [tilespmem:v27+s19+$0x0], $0xffff  }
0x1ae: {  	v1 =	vor.u32 v49, v40;
	v49 =	vmul.f32 v21, v29;
	v21 =	vmul.f32 v56, v29;
	v56 =	vld [tilespmem:$0x1FF60]  }
0x1af: {  	v14 =	vmul.f32 v39, v30;
	v10 =	vor.u32 v55, v10;
	v35 =	vmul.f32 v62, v23;
	v62 =	vld [tilespmem:$0x1FFE0]  }
0x1b0: {  	s24 =	sadd.s32 $0x4, s24;
	v41 =	vlaneseq.u32;
	[tilespmem:$0x1FC30] =	vst v21;
	v21 =	vmul.f32 v46, v30;
	v46 =	vmovc v32;
	v32 =	vld [tilespmem:$0x1FC00];
	v39 =	vadd.f32 v22, v26  }
0x1b1: {  	_ =	sdelay $0x3  }
0x1b2: {  	v22 =	vld.idx.msk [tilespmem:v53+s19+$0x0], $0xffff  }
0x1b3: {  	v16 =	vld.idx.msk [tilespmem:v16+s19+$0x0], $0xffff  }
0x1b4: {  	v4 =	vld.idx.msk [tilespmem:v4+s19+$0x0], $0xffff  }
0x1b5: {  	v25 =	vor.u32 v55, v25;
	v5 =	vmul.f32 v5, v24;
	v15 =	vld.idx.msk [tilespmem:v15+s19+$0x0], $0xffff  }
0x1b6: {  	v13 =	vmul.f32 v13, v23;
	v20 =	vmul.f32 v20, v30;
	v10 =	vld.idx.msk [tilespmem:v10+s19+$0x0], $0xffff  }
0x1b7: {  	v62 =	vor.u32 v58, v40;
	v26 =	vor.u32 v63, v40;
	v28 =	vld [tilespmem:$0x1FFC0];
	v14 =	vadd.f32 v14, v45  }
0x1b8: {  	v19 =	vmul.f32 v19, v23;
	v12 =	vld.idx.msk [tilespmem:v12+s19+$0x0], $0xffff;
	v3 =	vadd.f32 v21, v3;
	v2 =	vmul.f32 v2, v30  }
0x1b9: {  	v0 =	vld.idx.msk [tilespmem:v0+s19+$0x0], $0xffff;
	v6 =	vmul.f32 v6, v24;
	v17 =	vadd.f32 v20, v17;
	v14 =	vadd.f32 v33, v14  }
0x1ba: {  	v2 =	vadd.f32 v2, v18;
	v45 =	vmul.f32 v32, v24;
	v63 =	vld.idx.msk [tilespmem:v25+s19+$0x0], $0xffff;
	v25 =	vmul.f32 v51, v30  }
0x1bb: {  	v8 =	vld.idx.msk [tilespmem:v8+s19+$0x0], $0xffff;
	v3 =	vadd.f32 v36, v3;
	v22 =	vmul.f32 v22, v30;
	v16 =	vmul.f32 v16, v30  }
0x1bc: {  	v27 =	vor.u32 v28, v40;
	v4 =	vmul.f32 v4, v30;
	v15 =	vmul.f32 v15, v30  }
0x1bd: {  	v12 =	vmul.f32 v12, v23;
	v3 =	vadd.f32 v45, v3;
	v11 =	vadd.f32 v25, v11  }
0x1be: {  	v0 =	vmul.f32 v0, v30;
	v51 =	vld [tilespmem:$0x1FC30];
	v16 =	vadd.f32 v16, v52;
	v33 =	vadd.f32 v22, v54  }
0x1bf: {  	v10 =	vmul.f32 v10, v24;
	v40 =	vld.idx.msk [tilespmem:v62+s19+$0x0], $0xffff;
	v4 =	vadd.f32 v4, v50;
	v2 =	vadd.f32 v12, v2  }
0x1c0: {  	v1 =	vld.idx.msk [tilespmem:v1+s19+$0x0], $0xffff;
	v8 =	vmul.f32 v8, v24;
	v12 =	vadd.f32 v15, v43;
	v0 =	vadd.f32 v0, v39  }
0x1c1: {  	v15 =	vld.idx.msk [tilespmem:v26+s19+$0x0], $0xffff;
	v52 =	vmul.f32 v47, v29;
	v13 =	vadd.f32 v13, v16;
	v36 =	vadd.f32 v19, v33  }
0x1c2: {  	v54 =	vmul.f32 v7, v24;
	v2 =	vadd.f32 v6, v2;
	v0 =	vadd.f32 v42, v0  }
0x1c3: {  	v12 =	vadd.f32 v35, v12;
	v20 =	vmul.f32 v63, v23;
	v3 =	vadd.f32 v51, v3  }
0x1c4: {  	v9 =	vld.idx.msk [tilespmem:v9+s19+$0x0], $0xffff;
	v50 =	vmul.f32 v40, v29;
	v0 =	vadd.f32 v5, v0;
	v53 =	vadd.f32 v8, v36  }
0x1c5: {  	v1 =	vmul.f32 v1, v29;
	v62 =	vld [tilespmem:$0x1FC20];
	v58 =	vadd.f32 v54, v13;
	v4 =	vadd.f32 v20, v4  }
0x1c6: {  	v30 =	vld [tilespmem:$0x1FF10];
	v8 =	vmul.f32 v15, v29;
	v2 =	vadd.f32 v50, v2;
	v0 =	vadd.f32 v52, v0  }
0x1c7: {  	v4 =	vadd.f32 v10, v4;
	v10 =	vadd.f32 v34, v11;
	v11 =	vld.idx.msk [tilespmem:v27+s19+$0x0], $0xffff;
	[tilespmem:s22+$0x16350] =	vst v3  }
0x1c8: {  	v60 =	vmul.f32 v48, v29;
	v47 =	vld [tilespmem:$0x1FEE0];
	v61 =	vadd.f32 v37, v12;
	v1 =	vadd.f32 v1, v58;
	[tilespmem:s22+$0x16370] =	vst v2  }
0x1c9: {  	v17 =	vadd.f32 v38, v17;
	v9 =	vmul.f32 v9, v29;
	v42 =	vld [tilespmem:$0x1FF30];
	v5 =	vadd.f32 v8, v53;
	[tilespmem:s22+$0x16380] =	vst v0  }
0x1ca: {  	v35 =	vld [tilespmem:$0x1FF50];
	v0 =	vadd.f32 v60, v61;
	[tilespmem:s22+$0x163C0] =	vst v1;
	v55 =	vadd.f32 v44, v10  }
0x1cb: {  	v51 =	vld [tilespmem:$0x1FEC0];
	v4 =	vadd.f32 v9, v4;
	[tilespmem:s22+$0x16390] =	vst v5;
	v5 =	vadd.f32 v62, v14  }
0x1cc: {  	s31 =	smul.u32 $0x15, s21;
	p0 =	sne.s32 s18, $0x20;
	v57 =	vadd.f32 v31, v17;
	v50 =	vld [tilespmem:$0x1FED0];
	[tilespmem:s22+$0x163D0] =	vst v0;
	v59 =	vadd.f32 v59, v55;
	v56 =	vmul.f32 v11, v29  }
.Ltmp2:
0x1cd: {  	v52 =	vld [tilespmem:$0x1FF20];
	[tilespmem:s22+$0x16360] =	vst v4;
	v63 =	vadd.f32 v49, v5;
	(pc) =	sbr.rel @p0 .LBB2_2-.Ltmp2, $4  }
0x1ce: {  	v9 =	vld [tilespmem:$0x1FEF0];
	[tilespmem:s22+$0x163A0] =	vst v59;
	v4 =	vadd.f32 v56, v57  }
0x1cf: {  	s19 =	sshrl.u32 s31, $0x3;
	v14 =	vld [tilespmem:$0x1FF40];
	[tilespmem:s22+$0x163E0] =	vst v63  }
0x1d0: {  	s19 =	sadd.s32 s6, s19;
	v49 =	vld [tilespmem:$0x1FF00];
	[tilespmem:s22+$0x163B0] =	vst v4  }
0x1d1: {  	v29 =	vld [tilespmem:$0x1FEB0];
	[hbm4b:s19+s2] =	stream.linear.scatter [tilespmem:s23], [sflag:$0x6], $0x150, $0x38  }
0x1d2: {  	s17 =	sadd.s32 $0x1, s17  }
0x1d3: {  	p0 =	sne.s32 s17, s11  }
.Ltmp3:
0x1d4: {  	_ = 	snop;
	(pc) =	sbr.rel @p0 .LBB2_1-.Ltmp3, $4  }
0x1d5: {  	_ = 	snop  }
0x1d6: {  	_ =	swait.ge [sflag:s16], $0x150  }
0x1d7: {  	[sflag:s16] =	ssyncset.done $0x0  }
0x1d8: {  	[sflag:s16] =	ssyncadd.s32 $0xFFFFFEB0  }
0x1d9: {  	_ =	sfence.sel $0x180000  }
0x1da: {  	[bflag:$0x0] =	sbarrier.arrive $0xFFFF  }
0x1db: {  	p0 =	sne.s32 s1, $0x0;
	_ =	strace $0x9000004A  }
0x1dc: {  	s0 =	sadd.s32 @!p0 $0x100000, s0;
	[bflag:$0x2] =	sbarrier.arrive $0xFFFF  }
0x1dd: {  	[sflag:s0] =	ssyncadd.tile.s32 @!p0 $0x1;
	_ =	shalt  }
.Lfunc_end2:
_tile_overlayer_lowered:
.L_overlay_start_2:
0x1de: {  	(tag) =	ssettag $0x2  }
0x1df: {  	s0 =	rddreg [dreg:$0x0];
	s2 =	stileid.u32  }
0x1e0: {  	s1 =	rddreg [dreg:$0x1];
	p0 =	sne.s32 s2, $0x0  }
0x1e1: {  	s3 =	rddreg [dreg:$0x2];
	[bflag:$0x3] =	sbarrier.arrive $0xFFFF;
	s2 =	simm.s32 @!p0 $0x1C07  }
0x1e2: {  	[timem:s3], [sflag:s2] =	dma.local @!p0 [hbm:s0], s1  }
0x1e3: {  	s0 =	simm.s32 @!p0 $0x7  }
0x1e4: {  	_ =	swait.ge @!p0 [sflag:s0], s1  }
0x1e5: {  	s1 =	ssub.s32 @!p0 $0x0, s1;
	[sflag:s0] =	ssyncset.done @!p0 $0x0  }
0x1e6: {  	[sflag:s0] =	ssyncadd.s32 @!p0 s1  }
0x1e7: {  	[bflag:$0x3] =	sbarrier.arrive $0xFFFF  }
0x1e8: {  	_ =	shalt  }

</sc_bundles>
